<compile_context>
chip_gen: v7x
topology: tpu7x:2x2x1
jax: 0.10.2.dev20260603
libtpu: 0.0.44.dev20260713+nightly
codegen_flags: <defaults>
</compile_context>

<pallas_src>
import jax
import jax.numpy as jnp
from jax import lax
from jax.experimental import pallas as pl
from jax.experimental.pallas import tpu as pltpu
from jax.experimental.pallas import tpu_sc as plsc

B, N, C = 64, 576, 768
NC_TOT = N * C
K_TOTAL = int(B * N * C * 0.1)
KP = -(-K_TOTAL // B)
NSC = 16
CH = NC_TOT // NSC
NV = CH // 16
HB = 2048
LEVELS = ((20, 2048), (10, 1024), (0, 1024))


def _score_kernel(w_e_ref, w_o_ref, mt_ref, b_e_ref, b_o_ref, u_ref):
    t0 = jnp.dot(w_e_ref[...], mt_ref[...], preferred_element_type=jnp.float32) + b_e_ref[...]
    t1 = jnp.dot(w_o_ref[...], mt_ref[...], preferred_element_type=jnp.float32) + b_o_ref[...]
    mx = jnp.maximum(t0, t1)
    s0 = t0 - mx
    s1 = t1 - mx
    lse = jnp.log(jnp.exp(s0) + jnp.exp(s1))
    lp0 = s0 - lse
    lp1 = s1 - lse
    mx2 = jnp.maximum(lp0, lp1)
    e0 = jnp.exp(lp0 - mx2)
    e1 = jnp.exp(lp1 - mx2)
    s = e0 / (e0 + e1)
    u_ref[...] = jax.lax.bitcast_convert_type(s, jnp.int32)


def _sc_rank_kernel(u_hbm, nk_hbm, data_v, hist_v, hist_m, hist_all, outb_v,
                    tvec_v, tied_all, shist_s, stied_s):
    wid = lax.axis_index("s")
    cid = lax.axis_index("c")
    base = wid * CH
    pltpu.sync_copy(u_hbm.at[pl.ds(base, CH)], data_v)

    iota16 = lax.iota(jnp.int32, 16)
    ones16 = jnp.ones((16,), jnp.int32)
    zeros16 = jnp.zeros((16,), jnp.int32)

    def zero_buf(ref, nwords):
        @plsc.parallel_loop(0, nwords // 16, unroll=8)
        def _zb(i):
            ref[pl.ds(i * 16, 16)] = zeros16

    vpref = jnp.int32(0)
    g_run = jnp.int32(0)
    m_cnt = jnp.int32(0)

    for lvl, (shift, nbins) in enumerate(LEVELS):
        bmask = jnp.int32(nbins - 1)
        himask = jnp.int32(-(1 << (shift + (11 if lvl == 0 else 10))) & 0x7FFFFFFF)

        zero_buf(hist_v, HB)

        @plsc.parallel_loop(0, NV, unroll=8)
        def scan_body(i, _shift=shift, _bmask=bmask, _himask=himask,
                      _vpref=vpref):
            vec = data_v[pl.ds(i * 16, 16)]
            inr = (vec & _himask) == _vpref
            idx = lax.shift_right_logical(vec, _shift) & _bmask
            idx = jnp.where(inr, idx, jnp.int32(HB - 1))
            plsc.addupdate_scatter(hist_v, [idx], ones16)

        pltpu.sync_copy(hist_v, shist_s.at[wid])
        plsc.subcore_barrier()
        pltpu.sync_copy(shist_s, hist_all)

        @plsc.parallel_loop(0, nbins // 16, unroll=2)
        def merge_body(i):
            acc = hist_all[0, pl.ds(i * 16, 16)]
            for w in range(1, NSC):
                acc = acc + hist_all[w, pl.ds(i * 16, 16)]
            hist_m[pl.ds(i * 16, 16)] = acc
        plsc.subcore_barrier()

        nvb = nbins // 16

        def bin_body(k, carry):
            grun, found, bstar, hstar = carry
            i = nvb - 1 - k
            vec = hist_m[pl.ds(i * 16, 16)]
            rev = lax.rev(vec, (0,))
            cs = plsc.cumsum(rev)
            cond = (grun + cs) >= KP
            pc = jnp.max(plsc.all_reduce_population_count(cond))
            kf = 16 - pc
            sel = iota16 == kf
            csk = jnp.sum(jnp.where(sel, cs, 0))
            hv = jnp.sum(jnp.where(sel, rev, 0))
            tot = jnp.sum(vec)
            this_found = (pc > 0).astype(jnp.int32)
            newly = this_found * (1 - found)
            bidx = i * 16 + 15 - kf
            bstar = jnp.where(newly == 1, bidx, bstar)
            hstar = jnp.where(newly == 1, hv, hstar)
            grun = jnp.where(newly == 1, grun + csk - hv,
                             jnp.where(found == 1, grun, grun + tot))
            found = jnp.maximum(found, this_found)
            return (grun, found, bstar, hstar)

        g_run, _found, bstar, hstar = lax.fori_loop(
            0, nvb, bin_body, (g_run, jnp.int32(0), jnp.int32(0), jnp.int32(0)))
        vpref = vpref | lax.shift_left(bstar, jnp.int32(shift))
        m_cnt = hstar

    v = vpref
    g = g_run
    m = m_cnt
    r = jnp.int32(K_TOTAL) - 64 * g

    tl_vec = plsc.load_gather(hist_v, [jnp.full((16,), 1, jnp.int32) * (v & jnp.int32(1023))])
    tl = jnp.max(tl_vec)

    tvec_v[...] = jnp.where(iota16 == 0, tl, 0)
    pltpu.sync_copy(tvec_v, stied_s.at[wid])
    plsc.subcore_barrier()
    pltpu.sync_copy(stied_s, tied_all)

    prev = jnp.int32(0)
    for w in range(NSC):
        lane0 = jnp.sum(jnp.where(iota16 == 0, tied_all[w, pl.ds(0, 16)], 0))
        prev = prev + jnp.where(jnp.int32(w) < wid, lane0, 0)

    a_q = lax.div(r, m)
    bmod = lax.rem(r, m)

    @plsc.parallel_loop(0, NV, unroll=8, carry=jnp.int32(0))
    def out_body(i, jrun):
        vec = data_v[pl.ds(i * 16, 16)]
        gt = vec > v
        tm = vec == v
        tmi = tm.astype(jnp.int32)
        csum = plsc.cumsum(tmi)
        jvec = prev + jrun + (csum - tmi)
        q = a_q + (jvec < bmod).astype(jnp.int32)
        n = jnp.where(gt, 64, jnp.where(tm, q, 0))
        outb_v[pl.ds(i * 16, 16)] = n
        pc = jnp.max(plsc.all_reduce_population_count(tm))
        return jrun + pc

    @pl.when(cid == 0)
    def _write():
        pltpu.sync_copy(outb_v, nk_hbm.at[pl.ds(base, CH)])


def _mask_ln_kernel(x_ref, tok_ref, nk_ref, g_ref, b_ref, out_ref, mask_ref):
    b = pl.program_id(0)
    keep = nk_ref[...] > b
    keep3 = keep[None, :, :]
    xm = jnp.where(keep3, x_ref[...], tok_ref[...])
    mask_ref[...] = keep3.astype(jnp.float32)
    mu = jnp.mean(xm, axis=-1, keepdims=True)
    d = xm - mu
    var = jnp.mean(d * d, axis=-1, keepdims=True)
    out_ref[...] = d / jnp.sqrt(var + 1e-5) * g_ref[...] + b_ref[...]


def kernel(x, patch_mask_para, fc_W, fc_b, learnable_token, ln_gamma, ln_beta):
    mt = patch_mask_para.transpose(0, 2, 1).reshape(2 * N, C)
    w_e = fc_W[0::2, :]
    w_o = fc_W[1::2, :]
    b_e = fc_b[0::2][:, None]
    b_o = fc_b[1::2][:, None]

    u = pl.pallas_call(
        _score_kernel,
        out_shape=jax.ShapeDtypeStruct((N, C), jnp.int32),
    )(w_e, w_o, mt, b_e, b_o)

    mesh = plsc.VectorSubcoreMesh(core_axis_name="c", subcore_axis_name="s")
    n_keep_flat = pl.kernel(
        _sc_rank_kernel,
        mesh=mesh,
        compiler_params=pltpu.CompilerParams(needs_layout_passes=False),
        out_type=jax.ShapeDtypeStruct((NC_TOT,), jnp.int32),
        scratch_types=[
            pltpu.VMEM((CH,), jnp.int32),
            pltpu.VMEM((HB,), jnp.int32),
            pltpu.VMEM((HB,), jnp.int32),
            pltpu.VMEM((NSC, HB), jnp.int32),
            pltpu.VMEM((CH,), jnp.int32),
            pltpu.VMEM((16,), jnp.int32),
            pltpu.VMEM((NSC, 16), jnp.int32),
            pltpu.VMEM_SHARED((NSC, HB), jnp.int32),
            pltpu.VMEM_SHARED((NSC, 16), jnp.int32),
        ],
    )(u.reshape(NC_TOT))
    n_keep = n_keep_flat.reshape(N, C)

    out, mask = pl.pallas_call(
        _mask_ln_kernel,
        grid=(B,),
        in_specs=[
            pl.BlockSpec((1, N, C), lambda b: (b, 0, 0)),
            pl.BlockSpec((1, N, C), lambda b: (0, 0, 0)),
            pl.BlockSpec((N, C), lambda b: (0, 0)),
            pl.BlockSpec((1, C), lambda b: (0, 0)),
            pl.BlockSpec((1, C), lambda b: (0, 0)),
        ],
        out_specs=[
            pl.BlockSpec((1, N, C), lambda b: (b, 0, 0)),
            pl.BlockSpec((1, N, C), lambda b: (b, 0, 0)),
        ],
        out_shape=[
            jax.ShapeDtypeStruct((B, N, C), jnp.float32),
            jax.ShapeDtypeStruct((B, N, C), jnp.float32),
        ],
    )(x, learnable_token, n_keep, ln_gamma[None, :], ln_beta[None, :])
    return out, mask

# --- scband reference (transcript-rebuilt; emitter-appended) ---
"""Pipeline reference for scband-token-channel-mask-25615184954219 (READ-ONLY COPY).

The authoritative reference and input builder live on the scoring server;
editing this copy changes nothing except your own understanding.
"""

import jax, jax.numpy as jnp
import numpy as np

B, N, C = 64, 576, 768
TARGET_RATE = 0.1


def setup_inputs(seed: int = 0):
    key = jax.random.key(seed)
    ks = jax.random.split(key, 6)
    x = jax.random.normal(ks[0], (B, N, C), dtype=jnp.float32)
    patch_mask_para = 0.02 * jax.random.normal(ks[1], (N, C, 2), dtype=jnp.float32)
    fc_W = jax.random.normal(ks[2], (2 * N, 2 * N), dtype=jnp.float32) / np.sqrt(2 * N)
    fc_b = jnp.zeros((2 * N,), dtype=jnp.float32)
    learnable_token = 0.02 * jax.random.normal(ks[3], (1, N, C), dtype=jnp.float32)
    ln_gamma = jnp.ones((C,), dtype=jnp.float32)
    ln_beta = jnp.zeros((C,), dtype=jnp.float32)
    return {"x": x, "patch_mask_para": patch_mask_para, "fc_W": fc_W, "fc_b": fc_b,
            "learnable_token": learnable_token, "ln_gamma": ln_gamma, "ln_beta": ln_beta}


def _compute_mask(patch_mask_para, fc_W, fc_b, batch_size):
    # Eval-mode (non-training) deterministic path of TokenChannelMask.get_mask
    Nv, Cv, _ = patch_mask_para.shape
    t = jnp.transpose(patch_mask_para, (1, 0, 2)).reshape(Cv, Nv * 2)
    t = t @ fc_W.T + fc_b  # torch Linear: y = x W^T + b
    t = jnp.transpose(t.reshape(Cv, Nv, 2), (1, 0, 2))  # (N, C, 2)
    logp = jax.nn.log_softmax(t, axis=-1)
    val = jnp.broadcast_to(logp[None, :, :, :], (batch_size, Nv, Cv, 2))
    sm = jax.nn.softmax(val, axis=-1)[..., 0]  # (B, N, C)
    flat = sm.reshape(-1)
    num_keep = int(flat.shape[0] * TARGET_RATE)
    top = jnp.argsort(-flat)[:num_keep]  # descending sort -> top indices
    mask = jnp.zeros_like(flat).at[top].set(1.0).reshape(batch_size, Nv, Cv)
    return mask


def reference(x, patch_mask_para, fc_W, fc_b, learnable_token, ln_gamma, ln_beta):
    Bv = x.shape[0]
    mask = _compute_mask(patch_mask_para, fc_W, fc_b, Bv)
    xm = x * mask
    xm = jnp.where(mask == 0, jnp.broadcast_to(learnable_token, xm.shape), xm)
    # LayerNorm over last dim (eps=1e-5, elementwise affine)
    mu = jnp.mean(xm, axis=-1, keepdims=True)
    var = jnp.var(xm, axis=-1, keepdims=True)
    out = (xm - mu) / jnp.sqrt(var + 1e-5) * ln_gamma + ln_beta
    return out, mask

if __name__ == "__main__":
    import jax
    _d = setup_inputs()
    print(jax.jit(kernel)(*tuple(_d.values())))

</pallas_src>

<mosaic_0001>
#map = affine_map<(d0, d1) -> (0)>
module attributes {stable_mosaic.version = 14 : i64} {
  func.func @_sc_rank_kernel(%arg0: i32, %arg1: i32, %arg2: memref<442368xi32, #tpu.memory_space<hbm>>, %arg3: memref<442368xi32, #tpu.memory_space<hbm>>, %arg4: memref<27648xi32, #tpu.memory_space<vmem>>, %arg5: memref<2048xi32, #tpu.memory_space<vmem>>, %arg6: memref<2048xi32, #tpu.memory_space<vmem>>, %arg7: memref<16x2048xi32, #tpu.memory_space<vmem>>, %arg8: memref<27648xi32, #tpu.memory_space<vmem>>, %arg9: memref<16xi32, #tpu.memory_space<vmem>>, %arg10: memref<16x16xi32, #tpu.memory_space<vmem>>, %arg11: memref<16x2048xi32, #tpu.memory_space<vmem_shared>>, %arg12: memref<16x16xi32, #tpu.memory_space<vmem_shared>>) attributes {dimension_semantics = [#tpu.dimension_semantics<core_parallel>, #tpu.dimension_semantics<subcore_parallel>], iteration_bounds = array<i64: 2, 16>, scalar_prefetch = 0 : i64, scratch_operands = 9 : i64, tpu.core_type = #tpu.core_type<sc_vector_subcore>, window_params = [{transform_indices = #map}, {transform_indices = #map}]} {
    %mul3A = arith.constant 27648 : i32
    %mul3A_0 = arith.muli %arg1, %mul3A : i32
    "tpu.region"() ({
      %run_scoped3A = tpu.sem_alloc : memref<!tpu.dma_semaphore, #tpu.memory_space<semaphore_mem>>
      %dma_start3A = tpu.memref_slice %arg2[%mul3A_0] : memref<442368xi32, #tpu.memory_space<hbm>> -> memref<27648xi32, #tpu.memory_space<hbm>>
      %dma_start3A_407 = tpu.memref_slice %arg2[%mul3A_0] : memref<442368xi32, #tpu.memory_space<hbm>> -> memref<27648xi32, #tpu.memory_space<hbm>>
      tpu.enqueue_dma source(%dma_start3A_407 : memref<27648xi32, #tpu.memory_space<hbm>>) target(%arg4 : memref<27648xi32, #tpu.memory_space<vmem>>) target_semaphore(%run_scoped3A : memref<!tpu.dma_semaphore, #tpu.memory_space<semaphore_mem>>)
      %dma_wait3A = tpu.memref_slice %arg2[%mul3A_0] : memref<442368xi32, #tpu.memory_space<hbm>> -> memref<27648xi32, #tpu.memory_space<hbm>>
      %dma_wait3A_408 = tpu.memref_slice %arg2[%mul3A_0] : memref<442368xi32, #tpu.memory_space<hbm>> -> memref<27648xi32, #tpu.memory_space<hbm>>
      tpu.wait_dma2 semaphore(%run_scoped3A : memref<!tpu.dma_semaphore, #tpu.memory_space<semaphore_mem>>) src(%dma_wait3A_408 : memref<27648xi32, #tpu.memory_space<hbm>>) dst(%arg4 : memref<27648xi32, #tpu.memory_space<vmem>>)
      tpu.yield
    }) : () -> ()
    %iota3A = tpu.iota {dimensions = array<i32: 0>} : vector<16xi32>
    %broadcast_in_dim3A = arith.constant 1 : i32
    %broadcast_in_dim3A_1 = vector.broadcast %broadcast_in_dim3A : i32 to vector<16xi32>
    %broadcast_in_dim3A_2 = arith.constant 0 : i32
    %broadcast_in_dim3A_3 = vector.broadcast %broadcast_in_dim3A_2 : i32 to vector<16xi32>
    %parallel_loop3A = arith.constant 0 : i32
    %parallel_loop3A_4 = arith.constant 128 : i32
    %parallel_loop3A_5 = arith.constant 1 : i32
    scf.for %parallel_loop3A_407 = %parallel_loop3A to %parallel_loop3A_4 step %parallel_loop3A_5  : i32 {
      %parallel_loop3A_408 = arith.constant 16 : i32
      %parallel_loop3A_409 = arith.muli %parallel_loop3A_407, %parallel_loop3A_408 : i32
      %parallel_loop3A_410 = arith.index_cast %parallel_loop3A_409 : i32 to index
      %parallel_loop3A_411 = tpu.vector_load %arg5[%parallel_loop3A_410] {strides = array<i32>} : memref<2048xi32, #tpu.memory_space<vmem>>, vector<16xi32>,
      tpu.vector_store %arg5[%parallel_loop3A_410], %broadcast_in_dim3A_3 {strides = array<i32>} : memref<2048xi32, #tpu.memory_space<vmem>>, vector<16xi32>,
    } {sc.loop_unroll_factor = 8 : i64, sc.parallel_access}
    %parallel_loop3A_6 = arith.constant 0 : i32
    %parallel_loop3A_7 = arith.constant 1728 : i32
    %parallel_loop3A_8 = arith.constant 1 : i32
    %parallel_loop3A_9 = arith.constant 0 : i32
    %parallel_loop3A_10 = arith.constant 0 : i32
    %parallel_loop3A_11 = arith.constant 2047 : i32
    scf.for %parallel_loop3A_407 = %parallel_loop3A_6 to %parallel_loop3A_7 step %parallel_loop3A_8  : i32 {
      %parallel_loop3A_408 = arith.constant 16 : i32
      %parallel_loop3A_409 = arith.muli %parallel_loop3A_407, %parallel_loop3A_408 : i32
      %parallel_loop3A_410 = arith.index_cast %parallel_loop3A_409 : i32 to index
      %parallel_loop3A_411 = tpu.vector_load %arg4[%parallel_loop3A_410] {strides = array<i32>} : memref<27648xi32, #tpu.memory_space<vmem>>, vector<16xi32>,
      %parallel_loop3A_412 = vector.broadcast %parallel_loop3A_9 : i32 to vector<16xi32>
      %parallel_loop3A_413 = arith.andi %parallel_loop3A_411, %parallel_loop3A_412 : vector<16xi32>
      %parallel_loop3A_414 = vector.broadcast %parallel_loop3A_10 : i32 to vector<16xi32>
      %parallel_loop3A_415 = arith.cmpi eq, %parallel_loop3A_413, %parallel_loop3A_414 : vector<16xi32>
      %parallel_loop3A_416 = arith.constant 20 : i32
      %parallel_loop3A_417 = vector.broadcast %parallel_loop3A_416 : i32 to vector<16xi32>
      %parallel_loop3A_418 = arith.shrui %parallel_loop3A_411, %parallel_loop3A_417 : vector<16xi32>
      %parallel_loop3A_419 = vector.broadcast %parallel_loop3A_11 : i32 to vector<16xi32>
      %parallel_loop3A_420 = arith.andi %parallel_loop3A_418, %parallel_loop3A_419 : vector<16xi32>
      %parallel_loop3A_421 = arith.constant 2047 : i32
      %parallel_loop3A_422 = vector.broadcast %parallel_loop3A_421 : i32 to vector<16xi32>
      %parallel_loop3A_423 = arith.select %parallel_loop3A_415, %parallel_loop3A_420, %parallel_loop3A_422 : vector<16xi1>, vector<16xi32>
      tpu.vector_store_idx %arg5[%parallel_loop3A_423], %broadcast_in_dim3A_1 {add = true} : memref<2048xi32, #tpu.memory_space<vmem>>[vector<16xi32>], vector<16xi32>,
    } {sc.loop_unroll_factor = 8 : i64, sc.parallel_access}
    "tpu.region"() ({
      %run_scoped3A = tpu.sem_alloc : memref<!tpu.dma_semaphore, #tpu.memory_space<semaphore_mem>>
      %dma_start3A = arith.constant 0 : i32
      %dma_start3A_407 = tpu.memref_slice %arg11[%arg1, %dma_start3A] : memref<16x2048xi32, #tpu.memory_space<vmem_shared>> -> memref<1x2048xi32, #tpu.memory_space<vmem_shared>>
      %dma_start3A_408 = tpu.memref_squeeze %dma_start3A_407 : memref<1x2048xi32, #tpu.memory_space<vmem_shared>> -> memref<2048xi32, #tpu.memory_space<vmem_shared>>
      %dma_start3A_409 = arith.constant 0 : i32
      %dma_start3A_410 = tpu.memref_slice %arg11[%arg1, %dma_start3A_409] : memref<16x2048xi32, #tpu.memory_space<vmem_shared>> -> memref<1x2048xi32, #tpu.memory_space<vmem_shared>>
      %dma_start3A_411 = tpu.memref_squeeze %dma_start3A_410 : memref<1x2048xi32, #tpu.memory_space<vmem_shared>> -> memref<2048xi32, #tpu.memory_space<vmem_shared>>
      tpu.enqueue_dma source(%arg5 : memref<2048xi32, #tpu.memory_space<vmem>>) target(%dma_start3A_411 : memref<2048xi32, #tpu.memory_space<vmem_shared>>) target_semaphore(%run_scoped3A : memref<!tpu.dma_semaphore, #tpu.memory_space<semaphore_mem>>)
      %dma_wait3A = arith.constant 0 : i32
      %dma_wait3A_412 = tpu.memref_slice %arg11[%arg1, %dma_wait3A] : memref<16x2048xi32, #tpu.memory_space<vmem_shared>> -> memref<1x2048xi32, #tpu.memory_space<vmem_shared>>
      %dma_wait3A_413 = tpu.memref_squeeze %dma_wait3A_412 : memref<1x2048xi32, #tpu.memory_space<vmem_shared>> -> memref<2048xi32, #tpu.memory_space<vmem_shared>>
      %dma_wait3A_414 = arith.constant 0 : i32
      %dma_wait3A_415 = tpu.memref_slice %arg11[%arg1, %dma_wait3A_414] : memref<16x2048xi32, #tpu.memory_space<vmem_shared>> -> memref<1x2048xi32, #tpu.memory_space<vmem_shared>>
      %dma_wait3A_416 = tpu.memref_squeeze %dma_wait3A_415 : memref<1x2048xi32, #tpu.memory_space<vmem_shared>> -> memref<2048xi32, #tpu.memory_space<vmem_shared>>
      tpu.wait_dma2 semaphore(%run_scoped3A : memref<!tpu.dma_semaphore, #tpu.memory_space<semaphore_mem>>) src(%arg5 : memref<2048xi32, #tpu.memory_space<vmem>>) dst(%dma_wait3A_416 : memref<2048xi32, #tpu.memory_space<vmem_shared>>)
      tpu.yield
    }) : () -> ()
    %barrier3A = arith.constant 0 : index
    tpu.barrier barrier_id(%barrier3A)
    "tpu.region"() ({
      %run_scoped3A = tpu.sem_alloc : memref<!tpu.dma_semaphore, #tpu.memory_space<semaphore_mem>>
      tpu.enqueue_dma source(%arg11 : memref<16x2048xi32, #tpu.memory_space<vmem_shared>>) target(%arg7 : memref<16x2048xi32, #tpu.memory_space<vmem>>) target_semaphore(%run_scoped3A : memref<!tpu.dma_semaphore, #tpu.memory_space<semaphore_mem>>)
      tpu.wait_dma2 semaphore(%run_scoped3A : memref<!tpu.dma_semaphore, #tpu.memory_space<semaphore_mem>>) src(%arg11 : memref<16x2048xi32, #tpu.memory_space<vmem_shared>>) dst(%arg7 : memref<16x2048xi32, #tpu.memory_space<vmem>>)
      tpu.yield
    }) : () -> ()
    %parallel_loop3A_12 = arith.constant 0 : i32
    %parallel_loop3A_13 = arith.constant 128 : i32
    %parallel_loop3A_14 = arith.constant 1 : i32
    scf.for %parallel_loop3A_407 = %parallel_loop3A_12 to %parallel_loop3A_13 step %parallel_loop3A_14  : i32 {
      %parallel_loop3A_408 = arith.constant 16 : i32
      %parallel_loop3A_409 = arith.muli %parallel_loop3A_407, %parallel_loop3A_408 : i32
      %parallel_loop3A_410 = arith.constant 0 : i32
      %parallel_loop3A_411 = arith.index_cast %parallel_loop3A_410 : i32 to index
      %parallel_loop3A_412 = arith.index_cast %parallel_loop3A_409 : i32 to index
      %parallel_loop3A_413 = tpu.vector_load %arg7[%parallel_loop3A_411, %parallel_loop3A_412] {strides = array<i32>} : memref<16x2048xi32, #tpu.memory_space<vmem>>, vector<16xi32>,
      %parallel_loop3A_414 = arith.constant 16 : i32
      %parallel_loop3A_415 = arith.muli %parallel_loop3A_407, %parallel_loop3A_414 : i32
      %parallel_loop3A_416 = arith.constant 1 : i32
      %parallel_loop3A_417 = arith.index_cast %parallel_loop3A_416 : i32 to index
      %parallel_loop3A_418 = arith.index_cast %parallel_loop3A_415 : i32 to index
      %parallel_loop3A_419 = tpu.vector_load %arg7[%parallel_loop3A_417, %parallel_loop3A_418] {strides = array<i32>} : memref<16x2048xi32, #tpu.memory_space<vmem>>, vector<16xi32>,
      %parallel_loop3A_420 = arith.addi %parallel_loop3A_413, %parallel_loop3A_419 : vector<16xi32>
      %parallel_loop3A_421 = arith.constant 16 : i32
      %parallel_loop3A_422 = arith.muli %parallel_loop3A_407, %parallel_loop3A_421 : i32
      %parallel_loop3A_423 = arith.constant 2 : i32
      %parallel_loop3A_424 = arith.index_cast %parallel_loop3A_423 : i32 to index
      %parallel_loop3A_425 = arith.index_cast %parallel_loop3A_422 : i32 to index
      %parallel_loop3A_426 = tpu.vector_load %arg7[%parallel_loop3A_424, %parallel_loop3A_425] {strides = array<i32>} : memref<16x2048xi32, #tpu.memory_space<vmem>>, vector<16xi32>,
      %parallel_loop3A_427 = arith.addi %parallel_loop3A_420, %parallel_loop3A_426 : vector<16xi32>
      %parallel_loop3A_428 = arith.constant 16 : i32
      %parallel_loop3A_429 = arith.muli %parallel_loop3A_407, %parallel_loop3A_428 : i32
      %parallel_loop3A_430 = arith.constant 3 : i32
      %parallel_loop3A_431 = arith.index_cast %parallel_loop3A_430 : i32 to index
      %parallel_loop3A_432 = arith.index_cast %parallel_loop3A_429 : i32 to index
      %parallel_loop3A_433 = tpu.vector_load %arg7[%parallel_loop3A_431, %parallel_loop3A_432] {strides = array<i32>} : memref<16x2048xi32, #tpu.memory_space<vmem>>, vector<16xi32>,
      %parallel_loop3A_434 = arith.addi %parallel_loop3A_427, %parallel_loop3A_433 : vector<16xi32>
      %parallel_loop3A_435 = arith.constant 16 : i32
      %parallel_loop3A_436 = arith.muli %parallel_loop3A_407, %parallel_loop3A_435 : i32
      %parallel_loop3A_437 = arith.constant 4 : i32
      %parallel_loop3A_438 = arith.index_cast %parallel_loop3A_437 : i32 to index
      %parallel_loop3A_439 = arith.index_cast %parallel_loop3A_436 : i32 to index
      %parallel_loop3A_440 = tpu.vector_load %arg7[%parallel_loop3A_438, %parallel_loop3A_439] {strides = array<i32>} : memref<16x2048xi32, #tpu.memory_space<vmem>>, vector<16xi32>,
      %parallel_loop3A_441 = arith.addi %parallel_loop3A_434, %parallel_loop3A_440 : vector<16xi32>
      %parallel_loop3A_442 = arith.constant 16 : i32
      %parallel_loop3A_443 = arith.muli %parallel_loop3A_407, %parallel_loop3A_442 : i32
      %parallel_loop3A_444 = arith.constant 5 : i32
      %parallel_loop3A_445 = arith.index_cast %parallel_loop3A_444 : i32 to index
      %parallel_loop3A_446 = arith.index_cast %parallel_loop3A_443 : i32 to index
      %parallel_loop3A_447 = tpu.vector_load %arg7[%parallel_loop3A_445, %parallel_loop3A_446] {strides = array<i32>} : memref<16x2048xi32, #tpu.memory_space<vmem>>, vector<16xi32>,
      %parallel_loop3A_448 = arith.addi %parallel_loop3A_441, %parallel_loop3A_447 : vector<16xi32>
      %parallel_loop3A_449 = arith.constant 16 : i32
      %parallel_loop3A_450 = arith.muli %parallel_loop3A_407, %parallel_loop3A_449 : i32
      %parallel_loop3A_451 = arith.constant 6 : i32
      %parallel_loop3A_452 = arith.index_cast %parallel_loop3A_451 : i32 to index
      %parallel_loop3A_453 = arith.index_cast %parallel_loop3A_450 : i32 to index
      %parallel_loop3A_454 = tpu.vector_load %arg7[%parallel_loop3A_452, %parallel_loop3A_453] {strides = array<i32>} : memref<16x2048xi32, #tpu.memory_space<vmem>>, vector<16xi32>,
      %parallel_loop3A_455 = arith.addi %parallel_loop3A_448, %parallel_loop3A_454 : vector<16xi32>
      %parallel_loop3A_456 = arith.constant 16 : i32
      %parallel_loop3A_457 = arith.muli %parallel_loop3A_407, %parallel_loop3A_456 : i32
      %parallel_loop3A_458 = arith.constant 7 : i32
      %parallel_loop3A_459 = arith.index_cast %parallel_loop3A_458 : i32 to index
      %parallel_loop3A_460 = arith.index_cast %parallel_loop3A_457 : i32 to index
      %parallel_loop3A_461 = tpu.vector_load %arg7[%parallel_loop3A_459, %parallel_loop3A_460] {strides = array<i32>} : memref<16x2048xi32, #tpu.memory_space<vmem>>, vector<16xi32>,
      %parallel_loop3A_462 = arith.addi %parallel_loop3A_455, %parallel_loop3A_461 : vector<16xi32>
      %parallel_loop3A_463 = arith.constant 16 : i32
      %parallel_loop3A_464 = arith.muli %parallel_loop3A_407, %parallel_loop3A_463 : i32
      %parallel_loop3A_465 = arith.constant 8 : i32
      %parallel_loop3A_466 = arith.index_cast %parallel_loop3A_465 : i32 to index
      %parallel_loop3A_467 = arith.index_cast %parallel_loop3A_464 : i32 to index
      %parallel_loop3A_468 = tpu.vector_load %arg7[%parallel_loop3A_466, %parallel_loop3A_467] {strides = array<i32>} : memref<16x2048xi32, #tpu.memory_space<vmem>>, vector<16xi32>,
      %parallel_loop3A_469 = arith.addi %parallel_loop3A_462, %parallel_loop3A_468 : vector<16xi32>
      %parallel_loop3A_470 = arith.constant 16 : i32
      %parallel_loop3A_471 = arith.muli %parallel_loop3A_407, %parallel_loop3A_470 : i32
      %parallel_loop3A_472 = arith.constant 9 : i32
      %parallel_loop3A_473 = arith.index_cast %parallel_loop3A_472 : i32 to index
      %parallel_loop3A_474 = arith.index_cast %parallel_loop3A_471 : i32 to index
      %parallel_loop3A_475 = tpu.vector_load %arg7[%parallel_loop3A_473, %parallel_loop3A_474] {strides = array<i32>} : memref<16x2048xi32, #tpu.memory_space<vmem>>, vector<16xi32>,
      %parallel_loop3A_476 = arith.addi %parallel_loop3A_469, %parallel_loop3A_475 : vector<16xi32>
      %parallel_loop3A_477 = arith.constant 16 : i32
      %parallel_loop3A_478 = arith.muli %parallel_loop3A_407, %parallel_loop3A_477 : i32
      %parallel_loop3A_479 = arith.constant 10 : i32
      %parallel_loop3A_480 = arith.index_cast %parallel_loop3A_479 : i32 to index
      %parallel_loop3A_481 = arith.index_cast %parallel_loop3A_478 : i32 to index
      %parallel_loop3A_482 = tpu.vector_load %arg7[%parallel_loop3A_480, %parallel_loop3A_481] {strides = array<i32>} : memref<16x2048xi32, #tpu.memory_space<vmem>>, vector<16xi32>,
      %parallel_loop3A_483 = arith.addi %parallel_loop3A_476, %parallel_loop3A_482 : vector<16xi32>
      %parallel_loop3A_484 = arith.constant 16 : i32
      %parallel_loop3A_485 = arith.muli %parallel_loop3A_407, %parallel_loop3A_484 : i32
      %parallel_loop3A_486 = arith.constant 11 : i32
      %parallel_loop3A_487 = arith.index_cast %parallel_loop3A_486 : i32 to index
      %parallel_loop3A_488 = arith.index_cast %parallel_loop3A_485 : i32 to index
      %parallel_loop3A_489 = tpu.vector_load %arg7[%parallel_loop3A_487, %parallel_loop3A_488] {strides = array<i32>} : memref<16x2048xi32, #tpu.memory_space<vmem>>, vector<16xi32>,
      %parallel_loop3A_490 = arith.addi %parallel_loop3A_483, %parallel_loop3A_489 : vector<16xi32>
      %parallel_loop3A_491 = arith.constant 16 : i32
      %parallel_loop3A_492 = arith.muli %parallel_loop3A_407, %parallel_loop3A_491 : i32
      %parallel_loop3A_493 = arith.constant 12 : i32
      %parallel_loop3A_494 = arith.index_cast %parallel_loop3A_493 : i32 to index
      %parallel_loop3A_495 = arith.index_cast %parallel_loop3A_492 : i32 to index
      %parallel_loop3A_496 = tpu.vector_load %arg7[%parallel_loop3A_494, %parallel_loop3A_495] {strides = array<i32>} : memref<16x2048xi32, #tpu.memory_space<vmem>>, vector<16xi32>,
      %parallel_loop3A_497 = arith.addi %parallel_loop3A_490, %parallel_loop3A_496 : vector<16xi32>
      %parallel_loop3A_498 = arith.constant 16 : i32
      %parallel_loop3A_499 = arith.muli %parallel_loop3A_407, %parallel_loop3A_498 : i32
      %parallel_loop3A_500 = arith.constant 13 : i32
      %parallel_loop3A_501 = arith.index_cast %parallel_loop3A_500 : i32 to index
      %parallel_loop3A_502 = arith.index_cast %parallel_loop3A_499 : i32 to index
      %parallel_loop3A_503 = tpu.vector_load %arg7[%parallel_loop3A_501, %parallel_loop3A_502] {strides = array<i32>} : memref<16x2048xi32, #tpu.memory_space<vmem>>, vector<16xi32>,
      %parallel_loop3A_504 = arith.addi %parallel_loop3A_497, %parallel_loop3A_503 : vector<16xi32>
      %parallel_loop3A_505 = arith.constant 16 : i32
      %parallel_loop3A_506 = arith.muli %parallel_loop3A_407, %parallel_loop3A_505 : i32
      %parallel_loop3A_507 = arith.constant 14 : i32
      %parallel_loop3A_508 = arith.index_cast %parallel_loop3A_507 : i32 to index
      %parallel_loop3A_509 = arith.index_cast %parallel_loop3A_506 : i32 to index
      %parallel_loop3A_510 = tpu.vector_load %arg7[%parallel_loop3A_508, %parallel_loop3A_509] {strides = array<i32>} : memref<16x2048xi32, #tpu.memory_space<vmem>>, vector<16xi32>,
      %parallel_loop3A_511 = arith.addi %parallel_loop3A_504, %parallel_loop3A_510 : vector<16xi32>
      %parallel_loop3A_512 = arith.constant 16 : i32
      %parallel_loop3A_513 = arith.muli %parallel_loop3A_407, %parallel_loop3A_512 : i32
      %parallel_loop3A_514 = arith.constant 15 : i32
      %parallel_loop3A_515 = arith.index_cast %parallel_loop3A_514 : i32 to index
      %parallel_loop3A_516 = arith.index_cast %parallel_loop3A_513 : i32 to index
      %parallel_loop3A_517 = tpu.vector_load %arg7[%parallel_loop3A_515, %parallel_loop3A_516] {strides = array<i32>} : memref<16x2048xi32, #tpu.memory_space<vmem>>, vector<16xi32>,
      %parallel_loop3A_518 = arith.addi %parallel_loop3A_511, %parallel_loop3A_517 : vector<16xi32>
      %parallel_loop3A_519 = arith.constant 16 : i32
      %parallel_loop3A_520 = arith.muli %parallel_loop3A_407, %parallel_loop3A_519 : i32
      %parallel_loop3A_521 = arith.index_cast %parallel_loop3A_520 : i32 to index
      %parallel_loop3A_522 = tpu.vector_load %arg6[%parallel_loop3A_521] {strides = array<i32>} : memref<2048xi32, #tpu.memory_space<vmem>>, vector<16xi32>,
      tpu.vector_store %arg6[%parallel_loop3A_521], %parallel_loop3A_518 {strides = array<i32>} : memref<2048xi32, #tpu.memory_space<vmem>>, vector<16xi32>,
    } {sc.loop_unroll_factor = 2 : i64, sc.parallel_access}
    %barrier3A_15 = arith.constant 0 : index
    tpu.barrier barrier_id(%barrier3A_15)
    %scan3A = arith.constant 0 : i32
    %scan3A_16 = arith.constant 0 : i32
    %scan3A_17 = arith.constant 0 : i32
    %scan3A_18 = arith.constant 0 : i32
    %scan3A_19 = arith.constant 0 : i32
    %scan3A_20 = arith.constant 128 : i32
    %scan3A_21 = arith.addi %scan3A_19, %scan3A_20 : i32
    %scan3A_22 = arith.constant 1 : i32
    %scan3A_23:4 = scf.for %scan3A_407 = %scan3A_19 to %scan3A_21 step %scan3A_22 iter_args(%scan3A_408 = %scan3A, %scan3A_409 = %scan3A_16, %scan3A_410 = %scan3A_17, %scan3A_411 = %scan3A_18) -> (i32, i32, i32, i32)  : i32 {
      %sub3A_412 = arith.constant 127 : i32
      %sub3A_413 = arith.subi %sub3A_412, %scan3A_407 : i32
      %mul3A_414 = arith.constant 16 : i32
      %mul3A_415 = arith.muli %sub3A_413, %mul3A_414 : i32
      %get3A_416 = arith.index_cast %mul3A_415 : i32 to index
      %get3A_417 = tpu.vector_load %arg6[%get3A_416] {strides = array<i32>} : memref<2048xi32, #tpu.memory_space<vmem>>, vector<16xi32>,
      %rev3A = arith.constant 15 : i32
      %rev3A_418 = vector.broadcast %rev3A : i32 to vector<16xi32>
      %rev3A_419 = tpu.iota {dimensions = array<i32: 0>} : vector<16xi32>
      %rev3A_420 = arith.subi %rev3A_418, %rev3A_419 : vector<16xi32>
      %rev3A_421 = tpu.dynamic_gather %get3A_417[%rev3A_420] in [0] : vector<16xi32>, vector<16xi32> -> vector<16xi32>
      %broadcast_in_dim3A_422 = arith.constant true
      %broadcast_in_dim3A_423 = vector.broadcast %broadcast_in_dim3A_422 : i1 to vector<16xi1>
      %masked_cumsum3A = tpu.scan <sum>, %rev3A_421 masked %broadcast_in_dim3A_423 : vector<16xi32>, vector<16xi1> -> vector<16xi32>
      %add3A_424 = vector.broadcast %scan3A_408 : i32 to vector<16xi32>
      %add3A_425 = arith.addi %add3A_424, %masked_cumsum3A : vector<16xi32>
      %ge3A = arith.constant 44237 : i32
      %ge3A_426 = vector.broadcast %ge3A : i32 to vector<16xi32>
      %ge3A_427 = arith.cmpi sge, %add3A_425, %ge3A_426 : vector<16xi32>
      %all_reduce_population_count3A = tpu.all_reduce %ge3A_427 {dim = 0 : i64, kind = #tpu.reduction_kind<sum>} : vector<16xi1> -> vector<16xi32>
      %reduce_max3A_428 = arith.constant true
      %reduce_max3A_429 = vector.broadcast %reduce_max3A_428 : i1 to vector<16xi1>
      %reduce_max3A_430 = arith.constant -2147483648 : i32
      %reduce_max3A_431 = vector.broadcast %reduce_max3A_430 : i32 to vector<16xi32>
      %reduce_max3A_432 = arith.xori %all_reduce_population_count3A, %reduce_max3A_431 : vector<16xi32>
      %reduce_max3A_433 = tpu.scan <max>, %reduce_max3A_432 masked %reduce_max3A_429 : vector<16xi32>, vector<16xi1> -> vector<16xi32>
      %reduce_max3A_434 = arith.xori %reduce_max3A_433, %reduce_max3A_431 : vector<16xi32>
      %reduce_max3A_435 = vector.extract %reduce_max3A_434[15] : i32 from vector<16xi32>
      %sub3A_436 = arith.constant 16 : i32
      %sub3A_437 = arith.subi %sub3A_436, %reduce_max3A_435 : i32
      %eq3A_438 = vector.broadcast %sub3A_437 : i32 to vector<16xi32>
      %eq3A_439 = arith.cmpi eq, %iota3A, %eq3A_438 : vector<16xi32>
      %jit3A_440 = arith.constant 0 : i32
      %broadcast_in_dim3A_441 = vector.broadcast %jit3A_440 : i32 to vector<16xi32>
      %select_n3A_442 = arith.select %eq3A_439, %masked_cumsum3A, %broadcast_in_dim3A_441 : vector<16xi1>, vector<16xi32>
      %reduce_sum3A_443 = arith.constant true
      %reduce_sum3A_444 = vector.broadcast %reduce_sum3A_443 : i1 to vector<16xi1>
      %reduce_sum3A_445 = tpu.scan <sum>, %select_n3A_442 masked %reduce_sum3A_444 : vector<16xi32>, vector<16xi1> -> vector<16xi32>
      %reduce_sum3A_446 = vector.extract %reduce_sum3A_445[15] : i32 from vector<16xi32>
      %jit3A_447 = arith.constant 0 : i32
      %broadcast_in_dim3A_448 = vector.broadcast %jit3A_447 : i32 to vector<16xi32>
      %select_n3A_449 = arith.select %eq3A_439, %rev3A_421, %broadcast_in_dim3A_448 : vector<16xi1>, vector<16xi32>
      %reduce_sum3A_450 = arith.constant true
      %reduce_sum3A_451 = vector.broadcast %reduce_sum3A_450 : i1 to vector<16xi1>
      %reduce_sum3A_452 = tpu.scan <sum>, %select_n3A_449 masked %reduce_sum3A_451 : vector<16xi32>, vector<16xi1> -> vector<16xi32>
      %reduce_sum3A_453 = vector.extract %reduce_sum3A_452[15] : i32 from vector<16xi32>
      %reduce_sum3A_454 = arith.constant true
      %reduce_sum3A_455 = vector.broadcast %reduce_sum3A_454 : i1 to vector<16xi1>
      %reduce_sum3A_456 = tpu.scan <sum>, %get3A_417 masked %reduce_sum3A_455 : vector<16xi32>, vector<16xi1> -> vector<16xi32>
      %reduce_sum3A_457 = vector.extract %reduce_sum3A_456[15] : i32 from vector<16xi32>
      %gt3A = arith.constant 0 : i32
      %gt3A_458 = arith.cmpi sgt, %reduce_max3A_435, %gt3A : i32
      %convert_element_type3A_459 = arith.extui %gt3A_458 : i1 to i32
      %sub3A_460 = arith.constant 1 : i32
      %sub3A_461 = arith.subi %sub3A_460, %scan3A_409 : i32
      %mul3A_462 = arith.muli %convert_element_type3A_459, %sub3A_461 : i32
      %mul3A_463 = arith.constant 16 : i32
      %mul3A_464 = arith.muli %sub3A_413, %mul3A_463 : i32
      %add3A_465 = arith.constant 15 : i32
      %add3A_466 = arith.addi %mul3A_464, %add3A_465 : i32
      %sub3A_467 = arith.subi %add3A_466, %sub3A_437 : i32
      %eq3A_468 = arith.constant 1 : i32
      %eq3A_469 = arith.cmpi eq, %mul3A_462, %eq3A_468 : i32
      %select_n3A_470 = arith.select %eq3A_469, %sub3A_467, %scan3A_410 : i32
      %eq3A_471 = arith.constant 1 : i32
      %eq3A_472 = arith.cmpi eq, %mul3A_462, %eq3A_471 : i32
      %select_n3A_473 = arith.select %eq3A_472, %reduce_sum3A_453, %scan3A_411 : i32
      %eq3A_474 = arith.constant 1 : i32
      %eq3A_475 = arith.cmpi eq, %mul3A_462, %eq3A_474 : i32
      %add3A_476 = arith.addi %scan3A_408, %reduce_sum3A_446 : i32
      %sub3A_477 = arith.subi %add3A_476, %reduce_sum3A_453 : i32
      %eq3A_478 = arith.constant 1 : i32
      %eq3A_479 = arith.cmpi eq, %scan3A_409, %eq3A_478 : i32
      %add3A_480 = arith.addi %scan3A_408, %reduce_sum3A_457 : i32
      %select_n3A_481 = arith.select %eq3A_479, %scan3A_408, %add3A_480 : i32
      %select_n3A_482 = arith.select %eq3A_475, %sub3A_477, %select_n3A_481 : i32
      %max3A = arith.maxsi %scan3A_409, %convert_element_type3A_459 : i32
      scf.yield %select_n3A_482, %max3A, %select_n3A_470, %select_n3A_473 : i32, i32, i32, i32
    }
    %scan3A_24 = arith.constant 128 : i32
    %shift_left3A = arith.constant 20 : i32
    %shift_left3A_25 = arith.shli %scan3A_23#2, %shift_left3A : i32
    %or3A = arith.constant 0 : i32
    %or3A_26 = arith.ori %or3A, %shift_left3A_25 : i32
    %parallel_loop3A_27 = arith.constant 0 : i32
    %parallel_loop3A_28 = arith.constant 128 : i32
    %parallel_loop3A_29 = arith.constant 1 : i32
    scf.for %parallel_loop3A_407 = %parallel_loop3A_27 to %parallel_loop3A_28 step %parallel_loop3A_29  : i32 {
      %parallel_loop3A_408 = arith.constant 16 : i32
      %parallel_loop3A_409 = arith.muli %parallel_loop3A_407, %parallel_loop3A_408 : i32
      %parallel_loop3A_410 = arith.index_cast %parallel_loop3A_409 : i32 to index
      %parallel_loop3A_411 = tpu.vector_load %arg5[%parallel_loop3A_410] {strides = array<i32>} : memref<2048xi32, #tpu.memory_space<vmem>>, vector<16xi32>,
      tpu.vector_store %arg5[%parallel_loop3A_410], %broadcast_in_dim3A_3 {strides = array<i32>} : memref<2048xi32, #tpu.memory_space<vmem>>, vector<16xi32>,
    } {sc.loop_unroll_factor = 8 : i64, sc.parallel_access}
    %parallel_loop3A_30 = arith.constant 0 : i32
    %parallel_loop3A_31 = arith.constant 1728 : i32
    %parallel_loop3A_32 = arith.constant 1 : i32
    %parallel_loop3A_33 = arith.constant 2146435072 : i32
    %parallel_loop3A_34 = arith.constant 1023 : i32
    scf.for %parallel_loop3A_407 = %parallel_loop3A_30 to %parallel_loop3A_31 step %parallel_loop3A_32  : i32 {
      %parallel_loop3A_408 = arith.constant 16 : i32
      %parallel_loop3A_409 = arith.muli %parallel_loop3A_407, %parallel_loop3A_408 : i32
      %parallel_loop3A_410 = arith.index_cast %parallel_loop3A_409 : i32 to index
      %parallel_loop3A_411 = tpu.vector_load %arg4[%parallel_loop3A_410] {strides = array<i32>} : memref<27648xi32, #tpu.memory_space<vmem>>, vector<16xi32>,
      %parallel_loop3A_412 = vector.broadcast %parallel_loop3A_33 : i32 to vector<16xi32>
      %parallel_loop3A_413 = arith.andi %parallel_loop3A_411, %parallel_loop3A_412 : vector<16xi32>
      %parallel_loop3A_414 = vector.broadcast %or3A_26 : i32 to vector<16xi32>
      %parallel_loop3A_415 = arith.cmpi eq, %parallel_loop3A_413, %parallel_loop3A_414 : vector<16xi32>
      %parallel_loop3A_416 = arith.constant 10 : i32
      %parallel_loop3A_417 = vector.broadcast %parallel_loop3A_416 : i32 to vector<16xi32>
      %parallel_loop3A_418 = arith.shrui %parallel_loop3A_411, %parallel_loop3A_417 : vector<16xi32>
      %parallel_loop3A_419 = vector.broadcast %parallel_loop3A_34 : i32 to vector<16xi32>
      %parallel_loop3A_420 = arith.andi %parallel_loop3A_418, %parallel_loop3A_419 : vector<16xi32>
      %parallel_loop3A_421 = arith.constant 2047 : i32
      %parallel_loop3A_422 = vector.broadcast %parallel_loop3A_421 : i32 to vector<16xi32>
      %parallel_loop3A_423 = arith.select %parallel_loop3A_415, %parallel_loop3A_420, %parallel_loop3A_422 : vector<16xi1>, vector<16xi32>
      tpu.vector_store_idx %arg5[%parallel_loop3A_423], %broadcast_in_dim3A_1 {add = true} : memref<2048xi32, #tpu.memory_space<vmem>>[vector<16xi32>], vector<16xi32>,
    } {sc.loop_unroll_factor = 8 : i64, sc.parallel_access}
    "tpu.region"() ({
      %run_scoped3A = tpu.sem_alloc : memref<!tpu.dma_semaphore, #tpu.memory_space<semaphore_mem>>
      %dma_start3A = arith.constant 0 : i32
      %dma_start3A_407 = tpu.memref_slice %arg11[%arg1, %dma_start3A] : memref<16x2048xi32, #tpu.memory_space<vmem_shared>> -> memref<1x2048xi32, #tpu.memory_space<vmem_shared>>
      %dma_start3A_408 = tpu.memref_squeeze %dma_start3A_407 : memref<1x2048xi32, #tpu.memory_space<vmem_shared>> -> memref<2048xi32, #tpu.memory_space<vmem_shared>>
      %dma_start3A_409 = arith.constant 0 : i32
      %dma_start3A_410 = tpu.memref_slice %arg11[%arg1, %dma_start3A_409] : memref<16x2048xi32, #tpu.memory_space<vmem_shared>> -> memref<1x2048xi32, #tpu.memory_space<vmem_shared>>
      %dma_start3A_411 = tpu.memref_squeeze %dma_start3A_410 : memref<1x2048xi32, #tpu.memory_space<vmem_shared>> -> memref<2048xi32, #tpu.memory_space<vmem_shared>>
      tpu.enqueue_dma source(%arg5 : memref<2048xi32, #tpu.memory_space<vmem>>) target(%dma_start3A_411 : memref<2048xi32, #tpu.memory_space<vmem_shared>>) target_semaphore(%run_scoped3A : memref<!tpu.dma_semaphore, #tpu.memory_space<semaphore_mem>>)
      %dma_wait3A = arith.constant 0 : i32
      %dma_wait3A_412 = tpu.memref_slice %arg11[%arg1, %dma_wait3A] : memref<16x2048xi32, #tpu.memory_space<vmem_shared>> -> memref<1x2048xi32, #tpu.memory_space<vmem_shared>>
      %dma_wait3A_413 = tpu.memref_squeeze %dma_wait3A_412 : memref<1x2048xi32, #tpu.memory_space<vmem_shared>> -> memref<2048xi32, #tpu.memory_space<vmem_shared>>
      %dma_wait3A_414 = arith.constant 0 : i32
      %dma_wait3A_415 = tpu.memref_slice %arg11[%arg1, %dma_wait3A_414] : memref<16x2048xi32, #tpu.memory_space<vmem_shared>> -> memref<1x2048xi32, #tpu.memory_space<vmem_shared>>
      %dma_wait3A_416 = tpu.memref_squeeze %dma_wait3A_415 : memref<1x2048xi32, #tpu.memory_space<vmem_shared>> -> memref<2048xi32, #tpu.memory_space<vmem_shared>>
      tpu.wait_dma2 semaphore(%run_scoped3A : memref<!tpu.dma_semaphore, #tpu.memory_space<semaphore_mem>>) src(%arg5 : memref<2048xi32, #tpu.memory_space<vmem>>) dst(%dma_wait3A_416 : memref<2048xi32, #tpu.memory_space<vmem_shared>>)
      tpu.yield
    }) : () -> ()
    %barrier3A_35 = arith.constant 0 : index
    tpu.barrier barrier_id(%barrier3A_35)
    "tpu.region"() ({
      %run_scoped3A = tpu.sem_alloc : memref<!tpu.dma_semaphore, #tpu.memory_space<semaphore_mem>>
      tpu.enqueue_dma source(%arg11 : memref<16x2048xi32, #tpu.memory_space<vmem_shared>>) target(%arg7 : memref<16x2048xi32, #tpu.memory_space<vmem>>) target_semaphore(%run_scoped3A : memref<!tpu.dma_semaphore, #tpu.memory_space<semaphore_mem>>)
      tpu.wait_dma2 semaphore(%run_scoped3A : memref<!tpu.dma_semaphore, #tpu.memory_space<semaphore_mem>>) src(%arg11 : memref<16x2048xi32, #tpu.memory_space<vmem_shared>>) dst(%arg7 : memref<16x2048xi32, #tpu.memory_space<vmem>>)
      tpu.yield
    }) : () -> ()
    %parallel_loop3A_36 = arith.constant 0 : i32
    %parallel_loop3A_37 = arith.constant 64 : i32
    %parallel_loop3A_38 = arith.constant 1 : i32
    scf.for %parallel_loop3A_407 = %parallel_loop3A_36 to %parallel_loop3A_37 step %parallel_loop3A_38  : i32 {
      %parallel_loop3A_408 = arith.constant 16 : i32
      %parallel_loop3A_409 = arith.muli %parallel_loop3A_407, %parallel_loop3A_408 : i32
      %parallel_loop3A_410 = arith.constant 0 : i32
      %parallel_loop3A_411 = arith.index_cast %parallel_loop3A_410 : i32 to index
      %parallel_loop3A_412 = arith.index_cast %parallel_loop3A_409 : i32 to index
      %parallel_loop3A_413 = tpu.vector_load %arg7[%parallel_loop3A_411, %parallel_loop3A_412] {strides = array<i32>} : memref<16x2048xi32, #tpu.memory_space<vmem>>, vector<16xi32>,
      %parallel_loop3A_414 = arith.constant 16 : i32
      %parallel_loop3A_415 = arith.muli %parallel_loop3A_407, %parallel_loop3A_414 : i32
      %parallel_loop3A_416 = arith.constant 1 : i32
      %parallel_loop3A_417 = arith.index_cast %parallel_loop3A_416 : i32 to index
      %parallel_loop3A_418 = arith.index_cast %parallel_loop3A_415 : i32 to index
      %parallel_loop3A_419 = tpu.vector_load %arg7[%parallel_loop3A_417, %parallel_loop3A_418] {strides = array<i32>} : memref<16x2048xi32, #tpu.memory_space<vmem>>, vector<16xi32>,
      %parallel_loop3A_420 = arith.addi %parallel_loop3A_413, %parallel_loop3A_419 : vector<16xi32>
      %parallel_loop3A_421 = arith.constant 16 : i32
      %parallel_loop3A_422 = arith.muli %parallel_loop3A_407, %parallel_loop3A_421 : i32
      %parallel_loop3A_423 = arith.constant 2 : i32
      %parallel_loop3A_424 = arith.index_cast %parallel_loop3A_423 : i32 to index
      %parallel_loop3A_425 = arith.index_cast %parallel_loop3A_422 : i32 to index
      %parallel_loop3A_426 = tpu.vector_load %arg7[%parallel_loop3A_424, %parallel_loop3A_425] {strides = array<i32>} : memref<16x2048xi32, #tpu.memory_space<vmem>>, vector<16xi32>,
      %parallel_loop3A_427 = arith.addi %parallel_loop3A_420, %parallel_loop3A_426 : vector<16xi32>
      %parallel_loop3A_428 = arith.constant 16 : i32
      %parallel_loop3A_429 = arith.muli %parallel_loop3A_407, %parallel_loop3A_428 : i32
      %parallel_loop3A_430 = arith.constant 3 : i32
      %parallel_loop3A_431 = arith.index_cast %parallel_loop3A_430 : i32 to index
      %parallel_loop3A_432 = arith.index_cast %parallel_loop3A_429 : i32 to index
      %parallel_loop3A_433 = tpu.vector_load %arg7[%parallel_loop3A_431, %parallel_loop3A_432] {strides = array<i32>} : memref<16x2048xi32, #tpu.memory_space<vmem>>, vector<16xi32>,
      %parallel_loop3A_434 = arith.addi %parallel_loop3A_427, %parallel_loop3A_433 : vector<16xi32>
      %parallel_loop3A_435 = arith.constant 16 : i32
      %parallel_loop3A_436 = arith.muli %parallel_loop3A_407, %parallel_loop3A_435 : i32
      %parallel_loop3A_437 = arith.constant 4 : i32
      %parallel_loop3A_438 = arith.index_cast %parallel_loop3A_437 : i32 to index
      %parallel_loop3A_439 = arith.index_cast %parallel_loop3A_436 : i32 to index
      %parallel_loop3A_440 = tpu.vector_load %arg7[%parallel_loop3A_438, %parallel_loop3A_439] {strides = array<i32>} : memref<16x2048xi32, #tpu.memory_space<vmem>>, vector<16xi32>,
      %parallel_loop3A_441 = arith.addi %parallel_loop3A_434, %parallel_loop3A_440 : vector<16xi32>
      %parallel_loop3A_442 = arith.constant 16 : i32
      %parallel_loop3A_443 = arith.muli %parallel_loop3A_407, %parallel_loop3A_442 : i32
      %parallel_loop3A_444 = arith.constant 5 : i32
      %parallel_loop3A_445 = arith.index_cast %parallel_loop3A_444 : i32 to index
      %parallel_loop3A_446 = arith.index_cast %parallel_loop3A_443 : i32 to index
      %parallel_loop3A_447 = tpu.vector_load %arg7[%parallel_loop3A_445, %parallel_loop3A_446] {strides = array<i32>} : memref<16x2048xi32, #tpu.memory_space<vmem>>, vector<16xi32>,
      %parallel_loop3A_448 = arith.addi %parallel_loop3A_441, %parallel_loop3A_447 : vector<16xi32>
      %parallel_loop3A_449 = arith.constant 16 : i32
      %parallel_loop3A_450 = arith.muli %parallel_loop3A_407, %parallel_loop3A_449 : i32
      %parallel_loop3A_451 = arith.constant 6 : i32
      %parallel_loop3A_452 = arith.index_cast %parallel_loop3A_451 : i32 to index
      %parallel_loop3A_453 = arith.index_cast %parallel_loop3A_450 : i32 to index
      %parallel_loop3A_454 = tpu.vector_load %arg7[%parallel_loop3A_452, %parallel_loop3A_453] {strides = array<i32>} : memref<16x2048xi32, #tpu.memory_space<vmem>>, vector<16xi32>,
      %parallel_loop3A_455 = arith.addi %parallel_loop3A_448, %parallel_loop3A_454 : vector<16xi32>
      %parallel_loop3A_456 = arith.constant 16 : i32
      %parallel_loop3A_457 = arith.muli %parallel_loop3A_407, %parallel_loop3A_456 : i32
      %parallel_loop3A_458 = arith.constant 7 : i32
      %parallel_loop3A_459 = arith.index_cast %parallel_loop3A_458 : i32 to index
      %parallel_loop3A_460 = arith.index_cast %parallel_loop3A_457 : i32 to index
      %parallel_loop3A_461 = tpu.vector_load %arg7[%parallel_loop3A_459, %parallel_loop3A_460] {strides = array<i32>} : memref<16x2048xi32, #tpu.memory_space<vmem>>, vector<16xi32>,
      %parallel_loop3A_462 = arith.addi %parallel_loop3A_455, %parallel_loop3A_461 : vector<16xi32>
      %parallel_loop3A_463 = arith.constant 16 : i32
      %parallel_loop3A_464 = arith.muli %parallel_loop3A_407, %parallel_loop3A_463 : i32
      %parallel_loop3A_465 = arith.constant 8 : i32
      %parallel_loop3A_466 = arith.index_cast %parallel_loop3A_465 : i32 to index
      %parallel_loop3A_467 = arith.index_cast %parallel_loop3A_464 : i32 to index
      %parallel_loop3A_468 = tpu.vector_load %arg7[%parallel_loop3A_466, %parallel_loop3A_467] {strides = array<i32>} : memref<16x2048xi32, #tpu.memory_space<vmem>>, vector<16xi32>,
      %parallel_loop3A_469 = arith.addi %parallel_loop3A_462, %parallel_loop3A_468 : vector<16xi32>
      %parallel_loop3A_470 = arith.constant 16 : i32
      %parallel_loop3A_471 = arith.muli %parallel_loop3A_407, %parallel_loop3A_470 : i32
      %parallel_loop3A_472 = arith.constant 9 : i32
      %parallel_loop3A_473 = arith.index_cast %parallel_loop3A_472 : i32 to index
      %parallel_loop3A_474 = arith.index_cast %parallel_loop3A_471 : i32 to index
      %parallel_loop3A_475 = tpu.vector_load %arg7[%parallel_loop3A_473, %parallel_loop3A_474] {strides = array<i32>} : memref<16x2048xi32, #tpu.memory_space<vmem>>, vector<16xi32>,
      %parallel_loop3A_476 = arith.addi %parallel_loop3A_469, %parallel_loop3A_475 : vector<16xi32>
      %parallel_loop3A_477 = arith.constant 16 : i32
      %parallel_loop3A_478 = arith.muli %parallel_loop3A_407, %parallel_loop3A_477 : i32
      %parallel_loop3A_479 = arith.constant 10 : i32
      %parallel_loop3A_480 = arith.index_cast %parallel_loop3A_479 : i32 to index
      %parallel_loop3A_481 = arith.index_cast %parallel_loop3A_478 : i32 to index
      %parallel_loop3A_482 = tpu.vector_load %arg7[%parallel_loop3A_480, %parallel_loop3A_481] {strides = array<i32>} : memref<16x2048xi32, #tpu.memory_space<vmem>>, vector<16xi32>,
      %parallel_loop3A_483 = arith.addi %parallel_loop3A_476, %parallel_loop3A_482 : vector<16xi32>
      %parallel_loop3A_484 = arith.constant 16 : i32
      %parallel_loop3A_485 = arith.muli %parallel_loop3A_407, %parallel_loop3A_484 : i32
      %parallel_loop3A_486 = arith.constant 11 : i32
      %parallel_loop3A_487 = arith.index_cast %parallel_loop3A_486 : i32 to index
      %parallel_loop3A_488 = arith.index_cast %parallel_loop3A_485 : i32 to index
      %parallel_loop3A_489 = tpu.vector_load %arg7[%parallel_loop3A_487, %parallel_loop3A_488] {strides = array<i32>} : memref<16x2048xi32, #tpu.memory_space<vmem>>, vector<16xi32>,
      %parallel_loop3A_490 = arith.addi %parallel_loop3A_483, %parallel_loop3A_489 : vector<16xi32>
      %parallel_loop3A_491 = arith.constant 16 : i32
      %parallel_loop3A_492 = arith.muli %parallel_loop3A_407, %parallel_loop3A_491 : i32
      %parallel_loop3A_493 = arith.constant 12 : i32
      %parallel_loop3A_494 = arith.index_cast %parallel_loop3A_493 : i32 to index
      %parallel_loop3A_495 = arith.index_cast %parallel_loop3A_492 : i32 to index
      %parallel_loop3A_496 = tpu.vector_load %arg7[%parallel_loop3A_494, %parallel_loop3A_495] {strides = array<i32>} : memref<16x2048xi32, #tpu.memory_space<vmem>>, vector<16xi32>,
      %parallel_loop3A_497 = arith.addi %parallel_loop3A_490, %parallel_loop3A_496 : vector<16xi32>
      %parallel_loop3A_498 = arith.constant 16 : i32
      %parallel_loop3A_499 = arith.muli %parallel_loop3A_407, %parallel_loop3A_498 : i32
      %parallel_loop3A_500 = arith.constant 13 : i32
      %parallel_loop3A_501 = arith.index_cast %parallel_loop3A_500 : i32 to index
      %parallel_loop3A_502 = arith.index_cast %parallel_loop3A_499 : i32 to index
      %parallel_loop3A_503 = tpu.vector_load %arg7[%parallel_loop3A_501, %parallel_loop3A_502] {strides = array<i32>} : memref<16x2048xi32, #tpu.memory_space<vmem>>, vector<16xi32>,
      %parallel_loop3A_504 = arith.addi %parallel_loop3A_497, %parallel_loop3A_503 : vector<16xi32>
      %parallel_loop3A_505 = arith.constant 16 : i32
      %parallel_loop3A_506 = arith.muli %parallel_loop3A_407, %parallel_loop3A_505 : i32
      %parallel_loop3A_507 = arith.constant 14 : i32
      %parallel_loop3A_508 = arith.index_cast %parallel_loop3A_507 : i32 to index
      %parallel_loop3A_509 = arith.index_cast %parallel_loop3A_506 : i32 to index
      %parallel_loop3A_510 = tpu.vector_load %arg7[%parallel_loop3A_508, %parallel_loop3A_509] {strides = array<i32>} : memref<16x2048xi32, #tpu.memory_space<vmem>>, vector<16xi32>,
      %parallel_loop3A_511 = arith.addi %parallel_loop3A_504, %parallel_loop3A_510 : vector<16xi32>
      %parallel_loop3A_512 = arith.constant 16 : i32
      %parallel_loop3A_513 = arith.muli %parallel_loop3A_407, %parallel_loop3A_512 : i32
      %parallel_loop3A_514 = arith.constant 15 : i32
      %parallel_loop3A_515 = arith.index_cast %parallel_loop3A_514 : i32 to index
      %parallel_loop3A_516 = arith.index_cast %parallel_loop3A_513 : i32 to index
      %parallel_loop3A_517 = tpu.vector_load %arg7[%parallel_loop3A_515, %parallel_loop3A_516] {strides = array<i32>} : memref<16x2048xi32, #tpu.memory_space<vmem>>, vector<16xi32>,
      %parallel_loop3A_518 = arith.addi %parallel_loop3A_511, %parallel_loop3A_517 : vector<16xi32>
      %parallel_loop3A_519 = arith.constant 16 : i32
      %parallel_loop3A_520 = arith.muli %parallel_loop3A_407, %parallel_loop3A_519 : i32
      %parallel_loop3A_521 = arith.index_cast %parallel_loop3A_520 : i32 to index
      %parallel_loop3A_522 = tpu.vector_load %arg6[%parallel_loop3A_521] {strides = array<i32>} : memref<2048xi32, #tpu.memory_space<vmem>>, vector<16xi32>,
      tpu.vector_store %arg6[%parallel_loop3A_521], %parallel_loop3A_518 {strides = array<i32>} : memref<2048xi32, #tpu.memory_space<vmem>>, vector<16xi32>,
    } {sc.loop_unroll_factor = 2 : i64, sc.parallel_access}
    %barrier3A_39 = arith.constant 0 : index
    tpu.barrier barrier_id(%barrier3A_39)
    %scan3A_40 = arith.constant 0 : i32
    %scan3A_41 = arith.constant 0 : i32
    %scan3A_42 = arith.constant 0 : i32
    %scan3A_43 = arith.constant 0 : i32
    %scan3A_44 = arith.constant 64 : i32
    %scan3A_45 = arith.addi %scan3A_43, %scan3A_44 : i32
    %scan3A_46 = arith.constant 1 : i32
    %scan3A_47:4 = scf.for %scan3A_407 = %scan3A_43 to %scan3A_45 step %scan3A_46 iter_args(%scan3A_408 = %scan3A_23#0, %scan3A_409 = %scan3A_40, %scan3A_410 = %scan3A_41, %scan3A_411 = %scan3A_42) -> (i32, i32, i32, i32)  : i32 {
      %sub3A_412 = arith.constant 63 : i32
      %sub3A_413 = arith.subi %sub3A_412, %scan3A_407 : i32
      %mul3A_414 = arith.constant 16 : i32
      %mul3A_415 = arith.muli %sub3A_413, %mul3A_414 : i32
      %get3A_416 = arith.index_cast %mul3A_415 : i32 to index
      %get3A_417 = tpu.vector_load %arg6[%get3A_416] {strides = array<i32>} : memref<2048xi32, #tpu.memory_space<vmem>>, vector<16xi32>,
      %rev3A = arith.constant 15 : i32
      %rev3A_418 = vector.broadcast %rev3A : i32 to vector<16xi32>
      %rev3A_419 = tpu.iota {dimensions = array<i32: 0>} : vector<16xi32>
      %rev3A_420 = arith.subi %rev3A_418, %rev3A_419 : vector<16xi32>
      %rev3A_421 = tpu.dynamic_gather %get3A_417[%rev3A_420] in [0] : vector<16xi32>, vector<16xi32> -> vector<16xi32>
      %broadcast_in_dim3A_422 = arith.constant true
      %broadcast_in_dim3A_423 = vector.broadcast %broadcast_in_dim3A_422 : i1 to vector<16xi1>
      %masked_cumsum3A = tpu.scan <sum>, %rev3A_421 masked %broadcast_in_dim3A_423 : vector<16xi32>, vector<16xi1> -> vector<16xi32>
      %add3A_424 = vector.broadcast %scan3A_408 : i32 to vector<16xi32>
      %add3A_425 = arith.addi %add3A_424, %masked_cumsum3A : vector<16xi32>
      %ge3A = arith.constant 44237 : i32
      %ge3A_426 = vector.broadcast %ge3A : i32 to vector<16xi32>
      %ge3A_427 = arith.cmpi sge, %add3A_425, %ge3A_426 : vector<16xi32>
      %all_reduce_population_count3A = tpu.all_reduce %ge3A_427 {dim = 0 : i64, kind = #tpu.reduction_kind<sum>} : vector<16xi1> -> vector<16xi32>
      %reduce_max3A_428 = arith.constant true
      %reduce_max3A_429 = vector.broadcast %reduce_max3A_428 : i1 to vector<16xi1>
      %reduce_max3A_430 = arith.constant -2147483648 : i32
      %reduce_max3A_431 = vector.broadcast %reduce_max3A_430 : i32 to vector<16xi32>
      %reduce_max3A_432 = arith.xori %all_reduce_population_count3A, %reduce_max3A_431 : vector<16xi32>
      %reduce_max3A_433 = tpu.scan <max>, %reduce_max3A_432 masked %reduce_max3A_429 : vector<16xi32>, vector<16xi1> -> vector<16xi32>
      %reduce_max3A_434 = arith.xori %reduce_max3A_433, %reduce_max3A_431 : vector<16xi32>
      %reduce_max3A_435 = vector.extract %reduce_max3A_434[15] : i32 from vector<16xi32>
      %sub3A_436 = arith.constant 16 : i32
      %sub3A_437 = arith.subi %sub3A_436, %reduce_max3A_435 : i32
      %eq3A_438 = vector.broadcast %sub3A_437 : i32 to vector<16xi32>
      %eq3A_439 = arith.cmpi eq, %iota3A, %eq3A_438 : vector<16xi32>
      %jit3A_440 = arith.constant 0 : i32
      %broadcast_in_dim3A_441 = vector.broadcast %jit3A_440 : i32 to vector<16xi32>
      %select_n3A_442 = arith.select %eq3A_439, %masked_cumsum3A, %broadcast_in_dim3A_441 : vector<16xi1>, vector<16xi32>
      %reduce_sum3A_443 = arith.constant true
      %reduce_sum3A_444 = vector.broadcast %reduce_sum3A_443 : i1 to vector<16xi1>
      %reduce_sum3A_445 = tpu.scan <sum>, %select_n3A_442 masked %reduce_sum3A_444 : vector<16xi32>, vector<16xi1> -> vector<16xi32>
      %reduce_sum3A_446 = vector.extract %reduce_sum3A_445[15] : i32 from vector<16xi32>
      %jit3A_447 = arith.constant 0 : i32
      %broadcast_in_dim3A_448 = vector.broadcast %jit3A_447 : i32 to vector<16xi32>
      %select_n3A_449 = arith.select %eq3A_439, %rev3A_421, %broadcast_in_dim3A_448 : vector<16xi1>, vector<16xi32>
      %reduce_sum3A_450 = arith.constant true
      %reduce_sum3A_451 = vector.broadcast %reduce_sum3A_450 : i1 to vector<16xi1>
      %reduce_sum3A_452 = tpu.scan <sum>, %select_n3A_449 masked %reduce_sum3A_451 : vector<16xi32>, vector<16xi1> -> vector<16xi32>
      %reduce_sum3A_453 = vector.extract %reduce_sum3A_452[15] : i32 from vector<16xi32>
      %reduce_sum3A_454 = arith.constant true
      %reduce_sum3A_455 = vector.broadcast %reduce_sum3A_454 : i1 to vector<16xi1>
      %reduce_sum3A_456 = tpu.scan <sum>, %get3A_417 masked %reduce_sum3A_455 : vector<16xi32>, vector<16xi1> -> vector<16xi32>
      %reduce_sum3A_457 = vector.extract %reduce_sum3A_456[15] : i32 from vector<16xi32>
      %gt3A = arith.constant 0 : i32
      %gt3A_458 = arith.cmpi sgt, %reduce_max3A_435, %gt3A : i32
      %convert_element_type3A_459 = arith.extui %gt3A_458 : i1 to i32
      %sub3A_460 = arith.constant 1 : i32
      %sub3A_461 = arith.subi %sub3A_460, %scan3A_409 : i32
      %mul3A_462 = arith.muli %convert_element_type3A_459, %sub3A_461 : i32
      %mul3A_463 = arith.constant 16 : i32
      %mul3A_464 = arith.muli %sub3A_413, %mul3A_463 : i32
      %add3A_465 = arith.constant 15 : i32
      %add3A_466 = arith.addi %mul3A_464, %add3A_465 : i32
      %sub3A_467 = arith.subi %add3A_466, %sub3A_437 : i32
      %eq3A_468 = arith.constant 1 : i32
      %eq3A_469 = arith.cmpi eq, %mul3A_462, %eq3A_468 : i32
      %select_n3A_470 = arith.select %eq3A_469, %sub3A_467, %scan3A_410 : i32
      %eq3A_471 = arith.constant 1 : i32
      %eq3A_472 = arith.cmpi eq, %mul3A_462, %eq3A_471 : i32
      %select_n3A_473 = arith.select %eq3A_472, %reduce_sum3A_453, %scan3A_411 : i32
      %eq3A_474 = arith.constant 1 : i32
      %eq3A_475 = arith.cmpi eq, %mul3A_462, %eq3A_474 : i32
      %add3A_476 = arith.addi %scan3A_408, %reduce_sum3A_446 : i32
      %sub3A_477 = arith.subi %add3A_476, %reduce_sum3A_453 : i32
      %eq3A_478 = arith.constant 1 : i32
      %eq3A_479 = arith.cmpi eq, %scan3A_409, %eq3A_478 : i32
      %add3A_480 = arith.addi %scan3A_408, %reduce_sum3A_457 : i32
      %select_n3A_481 = arith.select %eq3A_479, %scan3A_408, %add3A_480 : i32
      %select_n3A_482 = arith.select %eq3A_475, %sub3A_477, %select_n3A_481 : i32
      %max3A = arith.maxsi %scan3A_409, %convert_element_type3A_459 : i32
      scf.yield %select_n3A_482, %max3A, %select_n3A_470, %select_n3A_473 : i32, i32, i32, i32
    }
    %scan3A_48 = arith.constant 64 : i32
    %shift_left3A_49 = arith.constant 10 : i32
    %shift_left3A_50 = arith.shli %scan3A_47#2, %shift_left3A_49 : i32
    %or3A_51 = arith.ori %or3A_26, %shift_left3A_50 : i32
    %parallel_loop3A_52 = arith.constant 0 : i32
    %parallel_loop3A_53 = arith.constant 128 : i32
    %parallel_loop3A_54 = arith.constant 1 : i32
    scf.for %parallel_loop3A_407 = %parallel_loop3A_52 to %parallel_loop3A_53 step %parallel_loop3A_54  : i32 {
      %parallel_loop3A_408 = arith.constant 16 : i32
      %parallel_loop3A_409 = arith.muli %parallel_loop3A_407, %parallel_loop3A_408 : i32
      %parallel_loop3A_410 = arith.index_cast %parallel_loop3A_409 : i32 to index
      %parallel_loop3A_411 = tpu.vector_load %arg5[%parallel_loop3A_410] {strides = array<i32>} : memref<2048xi32, #tpu.memory_space<vmem>>, vector<16xi32>,
      tpu.vector_store %arg5[%parallel_loop3A_410], %broadcast_in_dim3A_3 {strides = array<i32>} : memref<2048xi32, #tpu.memory_space<vmem>>, vector<16xi32>,
    } {sc.loop_unroll_factor = 8 : i64, sc.parallel_access}
    %parallel_loop3A_55 = arith.constant 0 : i32
    %parallel_loop3A_56 = arith.constant 1728 : i32
    %parallel_loop3A_57 = arith.constant 1 : i32
    %parallel_loop3A_58 = arith.constant 2147482624 : i32
    %parallel_loop3A_59 = arith.constant 1023 : i32
    scf.for %parallel_loop3A_407 = %parallel_loop3A_55 to %parallel_loop3A_56 step %parallel_loop3A_57  : i32 {
      %parallel_loop3A_408 = arith.constant 16 : i32
      %parallel_loop3A_409 = arith.muli %parallel_loop3A_407, %parallel_loop3A_408 : i32
      %parallel_loop3A_410 = arith.index_cast %parallel_loop3A_409 : i32 to index
      %parallel_loop3A_411 = tpu.vector_load %arg4[%parallel_loop3A_410] {strides = array<i32>} : memref<27648xi32, #tpu.memory_space<vmem>>, vector<16xi32>,
      %parallel_loop3A_412 = vector.broadcast %parallel_loop3A_58 : i32 to vector<16xi32>
      %parallel_loop3A_413 = arith.andi %parallel_loop3A_411, %parallel_loop3A_412 : vector<16xi32>
      %parallel_loop3A_414 = vector.broadcast %or3A_51 : i32 to vector<16xi32>
      %parallel_loop3A_415 = arith.cmpi eq, %parallel_loop3A_413, %parallel_loop3A_414 : vector<16xi32>
      %parallel_loop3A_416 = arith.constant 0 : i32
      %parallel_loop3A_417 = vector.broadcast %parallel_loop3A_416 : i32 to vector<16xi32>
      %parallel_loop3A_418 = arith.shrui %parallel_loop3A_411, %parallel_loop3A_417 : vector<16xi32>
      %parallel_loop3A_419 = vector.broadcast %parallel_loop3A_59 : i32 to vector<16xi32>
      %parallel_loop3A_420 = arith.andi %parallel_loop3A_418, %parallel_loop3A_419 : vector<16xi32>
      %parallel_loop3A_421 = arith.constant 2047 : i32
      %parallel_loop3A_422 = vector.broadcast %parallel_loop3A_421 : i32 to vector<16xi32>
      %parallel_loop3A_423 = arith.select %parallel_loop3A_415, %parallel_loop3A_420, %parallel_loop3A_422 : vector<16xi1>, vector<16xi32>
      tpu.vector_store_idx %arg5[%parallel_loop3A_423], %broadcast_in_dim3A_1 {add = true} : memref<2048xi32, #tpu.memory_space<vmem>>[vector<16xi32>], vector<16xi32>,
    } {sc.loop_unroll_factor = 8 : i64, sc.parallel_access}
    "tpu.region"() ({
      %run_scoped3A = tpu.sem_alloc : memref<!tpu.dma_semaphore, #tpu.memory_space<semaphore_mem>>
      %dma_start3A = arith.constant 0 : i32
      %dma_start3A_407 = tpu.memref_slice %arg11[%arg1, %dma_start3A] : memref<16x2048xi32, #tpu.memory_space<vmem_shared>> -> memref<1x2048xi32, #tpu.memory_space<vmem_shared>>
      %dma_start3A_408 = tpu.memref_squeeze %dma_start3A_407 : memref<1x2048xi32, #tpu.memory_space<vmem_shared>> -> memref<2048xi32, #tpu.memory_space<vmem_shared>>
      %dma_start3A_409 = arith.constant 0 : i32
      %dma_start3A_410 = tpu.memref_slice %arg11[%arg1, %dma_start3A_409] : memref<16x2048xi32, #tpu.memory_space<vmem_shared>> -> memref<1x2048xi32, #tpu.memory_space<vmem_shared>>
      %dma_start3A_411 = tpu.memref_squeeze %dma_start3A_410 : memref<1x2048xi32, #tpu.memory_space<vmem_shared>> -> memref<2048xi32, #tpu.memory_space<vmem_shared>>
      tpu.enqueue_dma source(%arg5 : memref<2048xi32, #tpu.memory_space<vmem>>) target(%dma_start3A_411 : memref<2048xi32, #tpu.memory_space<vmem_shared>>) target_semaphore(%run_scoped3A : memref<!tpu.dma_semaphore, #tpu.memory_space<semaphore_mem>>)
      %dma_wait3A = arith.constant 0 : i32
      %dma_wait3A_412 = tpu.memref_slice %arg11[%arg1, %dma_wait3A] : memref<16x2048xi32, #tpu.memory_space<vmem_shared>> -> memref<1x2048xi32, #tpu.memory_space<vmem_shared>>
      %dma_wait3A_413 = tpu.memref_squeeze %dma_wait3A_412 : memref<1x2048xi32, #tpu.memory_space<vmem_shared>> -> memref<2048xi32, #tpu.memory_space<vmem_shared>>
      %dma_wait3A_414 = arith.constant 0 : i32
      %dma_wait3A_415 = tpu.memref_slice %arg11[%arg1, %dma_wait3A_414] : memref<16x2048xi32, #tpu.memory_space<vmem_shared>> -> memref<1x2048xi32, #tpu.memory_space<vmem_shared>>
      %dma_wait3A_416 = tpu.memref_squeeze %dma_wait3A_415 : memref<1x2048xi32, #tpu.memory_space<vmem_shared>> -> memref<2048xi32, #tpu.memory_space<vmem_shared>>
      tpu.wait_dma2 semaphore(%run_scoped3A : memref<!tpu.dma_semaphore, #tpu.memory_space<semaphore_mem>>) src(%arg5 : memref<2048xi32, #tpu.memory_space<vmem>>) dst(%dma_wait3A_416 : memref<2048xi32, #tpu.memory_space<vmem_shared>>)
      tpu.yield
    }) : () -> ()
    %barrier3A_60 = arith.constant 0 : index
    tpu.barrier barrier_id(%barrier3A_60)
    "tpu.region"() ({
      %run_scoped3A = tpu.sem_alloc : memref<!tpu.dma_semaphore, #tpu.memory_space<semaphore_mem>>
      tpu.enqueue_dma source(%arg11 : memref<16x2048xi32, #tpu.memory_space<vmem_shared>>) target(%arg7 : memref<16x2048xi32, #tpu.memory_space<vmem>>) target_semaphore(%run_scoped3A : memref<!tpu.dma_semaphore, #tpu.memory_space<semaphore_mem>>)
      tpu.wait_dma2 semaphore(%run_scoped3A : memref<!tpu.dma_semaphore, #tpu.memory_space<semaphore_mem>>) src(%arg11 : memref<16x2048xi32, #tpu.memory_space<vmem_shared>>) dst(%arg7 : memref<16x2048xi32, #tpu.memory_space<vmem>>)
      tpu.yield
    }) : () -> ()
    %parallel_loop3A_61 = arith.constant 0 : i32
    %parallel_loop3A_62 = arith.constant 64 : i32
    %parallel_loop3A_63 = arith.constant 1 : i32
    scf.for %parallel_loop3A_407 = %parallel_loop3A_61 to %parallel_loop3A_62 step %parallel_loop3A_63  : i32 {
      %parallel_loop3A_408 = arith.constant 16 : i32
      %parallel_loop3A_409 = arith.muli %parallel_loop3A_407, %parallel_loop3A_408 : i32
      %parallel_loop3A_410 = arith.constant 0 : i32
      %parallel_loop3A_411 = arith.index_cast %parallel_loop3A_410 : i32 to index
      %parallel_loop3A_412 = arith.index_cast %parallel_loop3A_409 : i32 to index
      %parallel_loop3A_413 = tpu.vector_load %arg7[%parallel_loop3A_411, %parallel_loop3A_412] {strides = array<i32>} : memref<16x2048xi32, #tpu.memory_space<vmem>>, vector<16xi32>,
      %parallel_loop3A_414 = arith.constant 16 : i32
      %parallel_loop3A_415 = arith.muli %parallel_loop3A_407, %parallel_loop3A_414 : i32
      %parallel_loop3A_416 = arith.constant 1 : i32
      %parallel_loop3A_417 = arith.index_cast %parallel_loop3A_416 : i32 to index
      %parallel_loop3A_418 = arith.index_cast %parallel_loop3A_415 : i32 to index
      %parallel_loop3A_419 = tpu.vector_load %arg7[%parallel_loop3A_417, %parallel_loop3A_418] {strides = array<i32>} : memref<16x2048xi32, #tpu.memory_space<vmem>>, vector<16xi32>,
      %parallel_loop3A_420 = arith.addi %parallel_loop3A_413, %parallel_loop3A_419 : vector<16xi32>
      %parallel_loop3A_421 = arith.constant 16 : i32
      %parallel_loop3A_422 = arith.muli %parallel_loop3A_407, %parallel_loop3A_421 : i32
      %parallel_loop3A_423 = arith.constant 2 : i32
      %parallel_loop3A_424 = arith.index_cast %parallel_loop3A_423 : i32 to index
      %parallel_loop3A_425 = arith.index_cast %parallel_loop3A_422 : i32 to index
      %parallel_loop3A_426 = tpu.vector_load %arg7[%parallel_loop3A_424, %parallel_loop3A_425] {strides = array<i32>} : memref<16x2048xi32, #tpu.memory_space<vmem>>, vector<16xi32>,
      %parallel_loop3A_427 = arith.addi %parallel_loop3A_420, %parallel_loop3A_426 : vector<16xi32>
      %parallel_loop3A_428 = arith.constant 16 : i32
      %parallel_loop3A_429 = arith.muli %parallel_loop3A_407, %parallel_loop3A_428 : i32
      %parallel_loop3A_430 = arith.constant 3 : i32
      %parallel_loop3A_431 = arith.index_cast %parallel_loop3A_430 : i32 to index
      %parallel_loop3A_432 = arith.index_cast %parallel_loop3A_429 : i32 to index
      %parallel_loop3A_433 = tpu.vector_load %arg7[%parallel_loop3A_431, %parallel_loop3A_432] {strides = array<i32>} : memref<16x2048xi32, #tpu.memory_space<vmem>>, vector<16xi32>,
      %parallel_loop3A_434 = arith.addi %parallel_loop3A_427, %parallel_loop3A_433 : vector<16xi32>
      %parallel_loop3A_435 = arith.constant 16 : i32
      %parallel_loop3A_436 = arith.muli %parallel_loop3A_407, %parallel_loop3A_435 : i32
      %parallel_loop3A_437 = arith.constant 4 : i32
      %parallel_loop3A_438 = arith.index_cast %parallel_loop3A_437 : i32 to index
      %parallel_loop3A_439 = arith.index_cast %parallel_loop3A_436 : i32 to index
      %parallel_loop3A_440 = tpu.vector_load %arg7[%parallel_loop3A_438, %parallel_loop3A_439] {strides = array<i32>} : memref<16x2048xi32, #tpu.memory_space<vmem>>, vector<16xi32>,
      %parallel_loop3A_441 = arith.addi %parallel_loop3A_434, %parallel_loop3A_440 : vector<16xi32>
      %parallel_loop3A_442 = arith.constant 16 : i32
      %parallel_loop3A_443 = arith.muli %parallel_loop3A_407, %parallel_loop3A_442 : i32
      %parallel_loop3A_444 = arith.constant 5 : i32
      %parallel_loop3A_445 = arith.index_cast %parallel_loop3A_444 : i32 to index
      %parallel_loop3A_446 = arith.index_cast %parallel_loop3A_443 : i32 to index
      %parallel_loop3A_447 = tpu.vector_load %arg7[%parallel_loop3A_445, %parallel_loop3A_446] {strides = array<i32>} : memref<16x2048xi32, #tpu.memory_space<vmem>>, vector<16xi32>,
      %parallel_loop3A_448 = arith.addi %parallel_loop3A_441, %parallel_loop3A_447 : vector<16xi32>
      %parallel_loop3A_449 = arith.constant 16 : i32
      %parallel_loop3A_450 = arith.muli %parallel_loop3A_407, %parallel_loop3A_449 : i32
      %parallel_loop3A_451 = arith.constant 6 : i32
      %parallel_loop3A_452 = arith.index_cast %parallel_loop3A_451 : i32 to index
      %parallel_loop3A_453 = arith.index_cast %parallel_loop3A_450 : i32 to index
      %parallel_loop3A_454 = tpu.vector_load %arg7[%parallel_loop3A_452, %parallel_loop3A_453] {strides = array<i32>} : memref<16x2048xi32, #tpu.memory_space<vmem>>, vector<16xi32>,
      %parallel_loop3A_455 = arith.addi %parallel_loop3A_448, %parallel_loop3A_454 : vector<16xi32>
      %parallel_loop3A_456 = arith.constant 16 : i32
      %parallel_loop3A_457 = arith.muli %parallel_loop3A_407, %parallel_loop3A_456 : i32
      %parallel_loop3A_458 = arith.constant 7 : i32
      %parallel_loop3A_459 = arith.index_cast %parallel_loop3A_458 : i32 to index
      %parallel_loop3A_460 = arith.index_cast %parallel_loop3A_457 : i32 to index
      %parallel_loop3A_461 = tpu.vector_load %arg7[%parallel_loop3A_459, %parallel_loop3A_460] {strides = array<i32>} : memref<16x2048xi32, #tpu.memory_space<vmem>>, vector<16xi32>,
      %parallel_loop3A_462 = arith.addi %parallel_loop3A_455, %parallel_loop3A_461 : vector<16xi32>
      %parallel_loop3A_463 = arith.constant 16 : i32
      %parallel_loop3A_464 = arith.muli %parallel_loop3A_407, %parallel_loop3A_463 : i32
      %parallel_loop3A_465 = arith.constant 8 : i32
      %parallel_loop3A_466 = arith.index_cast %parallel_loop3A_465 : i32 to index
      %parallel_loop3A_467 = arith.index_cast %parallel_loop3A_464 : i32 to index
      %parallel_loop3A_468 = tpu.vector_load %arg7[%parallel_loop3A_466, %parallel_loop3A_467] {strides = array<i32>} : memref<16x2048xi32, #tpu.memory_space<vmem>>, vector<16xi32>,
      %parallel_loop3A_469 = arith.addi %parallel_loop3A_462, %parallel_loop3A_468 : vector<16xi32>
      %parallel_loop3A_470 = arith.constant 16 : i32
      %parallel_loop3A_471 = arith.muli %parallel_loop3A_407, %parallel_loop3A_470 : i32
      %parallel_loop3A_472 = arith.constant 9 : i32
      %parallel_loop3A_473 = arith.index_cast %parallel_loop3A_472 : i32 to index
      %parallel_loop3A_474 = arith.index_cast %parallel_loop3A_471 : i32 to index
      %parallel_loop3A_475 = tpu.vector_load %arg7[%parallel_loop3A_473, %parallel_loop3A_474] {strides = array<i32>} : memref<16x2048xi32, #tpu.memory_space<vmem>>, vector<16xi32>,
      %parallel_loop3A_476 = arith.addi %parallel_loop3A_469, %parallel_loop3A_475 : vector<16xi32>
      %parallel_loop3A_477 = arith.constant 16 : i32
      %parallel_loop3A_478 = arith.muli %parallel_loop3A_407, %parallel_loop3A_477 : i32
      %parallel_loop3A_479 = arith.constant 10 : i32
      %parallel_loop3A_480 = arith.index_cast %parallel_loop3A_479 : i32 to index
      %parallel_loop3A_481 = arith.index_cast %parallel_loop3A_478 : i32 to index
      %parallel_loop3A_482 = tpu.vector_load %arg7[%parallel_loop3A_480, %parallel_loop3A_481] {strides = array<i32>} : memref<16x2048xi32, #tpu.memory_space<vmem>>, vector<16xi32>,
      %parallel_loop3A_483 = arith.addi %parallel_loop3A_476, %parallel_loop3A_482 : vector<16xi32>
      %parallel_loop3A_484 = arith.constant 16 : i32
      %parallel_loop3A_485 = arith.muli %parallel_loop3A_407, %parallel_loop3A_484 : i32
      %parallel_loop3A_486 = arith.constant 11 : i32
      %parallel_loop3A_487 = arith.index_cast %parallel_loop3A_486 : i32 to index
      %parallel_loop3A_488 = arith.index_cast %parallel_loop3A_485 : i32 to index
      %parallel_loop3A_489 = tpu.vector_load %arg7[%parallel_loop3A_487, %parallel_loop3A_488] {strides = array<i32>} : memref<16x2048xi32, #tpu.memory_space<vmem>>, vector<16xi32>,
      %parallel_loop3A_490 = arith.addi %parallel_loop3A_483, %parallel_loop3A_489 : vector<16xi32>
      %parallel_loop3A_491 = arith.constant 16 : i32
      %parallel_loop3A_492 = arith.muli %parallel_loop3A_407, %parallel_loop3A_491 : i32
      %parallel_loop3A_493 = arith.constant 12 : i32
      %parallel_loop3A_494 = arith.index_cast %parallel_loop3A_493 : i32 to index
      %parallel_loop3A_495 = arith.index_cast %parallel_loop3A_492 : i32 to index
      %parallel_loop3A_496 = tpu.vector_load %arg7[%parallel_loop3A_494, %parallel_loop3A_495] {strides = array<i32>} : memref<16x2048xi32, #tpu.memory_space<vmem>>, vector<16xi32>,
      %parallel_loop3A_497 = arith.addi %parallel_loop3A_490, %parallel_loop3A_496 : vector<16xi32>
      %parallel_loop3A_498 = arith.constant 16 : i32
      %parallel_loop3A_499 = arith.muli %parallel_loop3A_407, %parallel_loop3A_498 : i32
      %parallel_loop3A_500 = arith.constant 13 : i32
      %parallel_loop3A_501 = arith.index_cast %parallel_loop3A_500 : i32 to index
      %parallel_loop3A_502 = arith.index_cast %parallel_loop3A_499 : i32 to index
      %parallel_loop3A_503 = tpu.vector_load %arg7[%parallel_loop3A_501, %parallel_loop3A_502] {strides = array<i32>} : memref<16x2048xi32, #tpu.memory_space<vmem>>, vector<16xi32>,
      %parallel_loop3A_504 = arith.addi %parallel_loop3A_497, %parallel_loop3A_503 : vector<16xi32>
      %parallel_loop3A_505 = arith.constant 16 : i32
      %parallel_loop3A_506 = arith.muli %parallel_loop3A_407, %parallel_loop3A_505 : i32
      %parallel_loop3A_507 = arith.constant 14 : i32
      %parallel_loop3A_508 = arith.index_cast %parallel_loop3A_507 : i32 to index
      %parallel_loop3A_509 = arith.index_cast %parallel_loop3A_506 : i32 to index
      %parallel_loop3A_510 = tpu.vector_load %arg7[%parallel_loop3A_508, %parallel_loop3A_509] {strides = array<i32>} : memref<16x2048xi32, #tpu.memory_space<vmem>>, vector<16xi32>,
      %parallel_loop3A_511 = arith.addi %parallel_loop3A_504, %parallel_loop3A_510 : vector<16xi32>
      %parallel_loop3A_512 = arith.constant 16 : i32
      %parallel_loop3A_513 = arith.muli %parallel_loop3A_407, %parallel_loop3A_512 : i32
      %parallel_loop3A_514 = arith.constant 15 : i32
      %parallel_loop3A_515 = arith.index_cast %parallel_loop3A_514 : i32 to index
      %parallel_loop3A_516 = arith.index_cast %parallel_loop3A_513 : i32 to index
      %parallel_loop3A_517 = tpu.vector_load %arg7[%parallel_loop3A_515, %parallel_loop3A_516] {strides = array<i32>} : memref<16x2048xi32, #tpu.memory_space<vmem>>, vector<16xi32>,
      %parallel_loop3A_518 = arith.addi %parallel_loop3A_511, %parallel_loop3A_517 : vector<16xi32>
      %parallel_loop3A_519 = arith.constant 16 : i32
      %parallel_loop3A_520 = arith.muli %parallel_loop3A_407, %parallel_loop3A_519 : i32
      %parallel_loop3A_521 = arith.index_cast %parallel_loop3A_520 : i32 to index
      %parallel_loop3A_522 = tpu.vector_load %arg6[%parallel_loop3A_521] {strides = array<i32>} : memref<2048xi32, #tpu.memory_space<vmem>>, vector<16xi32>,
      tpu.vector_store %arg6[%parallel_loop3A_521], %parallel_loop3A_518 {strides = array<i32>} : memref<2048xi32, #tpu.memory_space<vmem>>, vector<16xi32>,
    } {sc.loop_unroll_factor = 2 : i64, sc.parallel_access}
    %barrier3A_64 = arith.constant 0 : index
    tpu.barrier barrier_id(%barrier3A_64)
    %scan3A_65 = arith.constant 0 : i32
    %scan3A_66 = arith.constant 0 : i32
    %scan3A_67 = arith.constant 0 : i32
    %scan3A_68 = arith.constant 0 : i32
    %scan3A_69 = arith.constant 64 : i32
    %scan3A_70 = arith.addi %scan3A_68, %scan3A_69 : i32
    %scan3A_71 = arith.constant 1 : i32
    %scan3A_72:4 = scf.for %scan3A_407 = %scan3A_68 to %scan3A_70 step %scan3A_71 iter_args(%scan3A_408 = %scan3A_47#0, %scan3A_409 = %scan3A_65, %scan3A_410 = %scan3A_66, %scan3A_411 = %scan3A_67) -> (i32, i32, i32, i32)  : i32 {
      %sub3A_412 = arith.constant 63 : i32
      %sub3A_413 = arith.subi %sub3A_412, %scan3A_407 : i32
      %mul3A_414 = arith.constant 16 : i32
      %mul3A_415 = arith.muli %sub3A_413, %mul3A_414 : i32
      %get3A_416 = arith.index_cast %mul3A_415 : i32 to index
      %get3A_417 = tpu.vector_load %arg6[%get3A_416] {strides = array<i32>} : memref<2048xi32, #tpu.memory_space<vmem>>, vector<16xi32>,
      %rev3A = arith.constant 15 : i32
      %rev3A_418 = vector.broadcast %rev3A : i32 to vector<16xi32>
      %rev3A_419 = tpu.iota {dimensions = array<i32: 0>} : vector<16xi32>
      %rev3A_420 = arith.subi %rev3A_418, %rev3A_419 : vector<16xi32>
      %rev3A_421 = tpu.dynamic_gather %get3A_417[%rev3A_420] in [0] : vector<16xi32>, vector<16xi32> -> vector<16xi32>
      %broadcast_in_dim3A_422 = arith.constant true
      %broadcast_in_dim3A_423 = vector.broadcast %broadcast_in_dim3A_422 : i1 to vector<16xi1>
      %masked_cumsum3A = tpu.scan <sum>, %rev3A_421 masked %broadcast_in_dim3A_423 : vector<16xi32>, vector<16xi1> -> vector<16xi32>
      %add3A_424 = vector.broadcast %scan3A_408 : i32 to vector<16xi32>
      %add3A_425 = arith.addi %add3A_424, %masked_cumsum3A : vector<16xi32>
      %ge3A = arith.constant 44237 : i32
      %ge3A_426 = vector.broadcast %ge3A : i32 to vector<16xi32>
      %ge3A_427 = arith.cmpi sge, %add3A_425, %ge3A_426 : vector<16xi32>
      %all_reduce_population_count3A = tpu.all_reduce %ge3A_427 {dim = 0 : i64, kind = #tpu.reduction_kind<sum>} : vector<16xi1> -> vector<16xi32>
      %reduce_max3A_428 = arith.constant true
      %reduce_max3A_429 = vector.broadcast %reduce_max3A_428 : i1 to vector<16xi1>
      %reduce_max3A_430 = arith.constant -2147483648 : i32
      %reduce_max3A_431 = vector.broadcast %reduce_max3A_430 : i32 to vector<16xi32>
      %reduce_max3A_432 = arith.xori %all_reduce_population_count3A, %reduce_max3A_431 : vector<16xi32>
      %reduce_max3A_433 = tpu.scan <max>, %reduce_max3A_432 masked %reduce_max3A_429 : vector<16xi32>, vector<16xi1> -> vector<16xi32>
      %reduce_max3A_434 = arith.xori %reduce_max3A_433, %reduce_max3A_431 : vector<16xi32>
      %reduce_max3A_435 = vector.extract %reduce_max3A_434[15] : i32 from vector<16xi32>
      %sub3A_436 = arith.constant 16 : i32
      %sub3A_437 = arith.subi %sub3A_436, %reduce_max3A_435 : i32
      %eq3A_438 = vector.broadcast %sub3A_437 : i32 to vector<16xi32>
      %eq3A_439 = arith.cmpi eq, %iota3A, %eq3A_438 : vector<16xi32>
      %jit3A_440 = arith.constant 0 : i32
      %broadcast_in_dim3A_441 = vector.broadcast %jit3A_440 : i32 to vector<16xi32>
      %select_n3A_442 = arith.select %eq3A_439, %masked_cumsum3A, %broadcast_in_dim3A_441 : vector<16xi1>, vector<16xi32>
      %reduce_sum3A_443 = arith.constant true
      %reduce_sum3A_444 = vector.broadcast %reduce_sum3A_443 : i1 to vector<16xi1>
      %reduce_sum3A_445 = tpu.scan <sum>, %select_n3A_442 masked %reduce_sum3A_444 : vector<16xi32>, vector<16xi1> -> vector<16xi32>
      %reduce_sum3A_446 = vector.extract %reduce_sum3A_445[15] : i32 from vector<16xi32>
      %jit3A_447 = arith.constant 0 : i32
      %broadcast_in_dim3A_448 = vector.broadcast %jit3A_447 : i32 to vector<16xi32>
      %select_n3A_449 = arith.select %eq3A_439, %rev3A_421, %broadcast_in_dim3A_448 : vector<16xi1>, vector<16xi32>
      %reduce_sum3A_450 = arith.constant true
      %reduce_sum3A_451 = vector.broadcast %reduce_sum3A_450 : i1 to vector<16xi1>
      %reduce_sum3A_452 = tpu.scan <sum>, %select_n3A_449 masked %reduce_sum3A_451 : vector<16xi32>, vector<16xi1> -> vector<16xi32>
      %reduce_sum3A_453 = vector.extract %reduce_sum3A_452[15] : i32 from vector<16xi32>
      %reduce_sum3A_454 = arith.constant true
      %reduce_sum3A_455 = vector.broadcast %reduce_sum3A_454 : i1 to vector<16xi1>
      %reduce_sum3A_456 = tpu.scan <sum>, %get3A_417 masked %reduce_sum3A_455 : vector<16xi32>, vector<16xi1> -> vector<16xi32>
      %reduce_sum3A_457 = vector.extract %reduce_sum3A_456[15] : i32 from vector<16xi32>
      %gt3A = arith.constant 0 : i32
      %gt3A_458 = arith.cmpi sgt, %reduce_max3A_435, %gt3A : i32
      %convert_element_type3A_459 = arith.extui %gt3A_458 : i1 to i32
      %sub3A_460 = arith.constant 1 : i32
      %sub3A_461 = arith.subi %sub3A_460, %scan3A_409 : i32
      %mul3A_462 = arith.muli %convert_element_type3A_459, %sub3A_461 : i32
      %mul3A_463 = arith.constant 16 : i32
      %mul3A_464 = arith.muli %sub3A_413, %mul3A_463 : i32
      %add3A_465 = arith.constant 15 : i32
      %add3A_466 = arith.addi %mul3A_464, %add3A_465 : i32
      %sub3A_467 = arith.subi %add3A_466, %sub3A_437 : i32
      %eq3A_468 = arith.constant 1 : i32
      %eq3A_469 = arith.cmpi eq, %mul3A_462, %eq3A_468 : i32
      %select_n3A_470 = arith.select %eq3A_469, %sub3A_467, %scan3A_410 : i32
      %eq3A_471 = arith.constant 1 : i32
      %eq3A_472 = arith.cmpi eq, %mul3A_462, %eq3A_471 : i32
      %select_n3A_473 = arith.select %eq3A_472, %reduce_sum3A_453, %scan3A_411 : i32
      %eq3A_474 = arith.constant 1 : i32
      %eq3A_475 = arith.cmpi eq, %mul3A_462, %eq3A_474 : i32
      %add3A_476 = arith.addi %scan3A_408, %reduce_sum3A_446 : i32
      %sub3A_477 = arith.subi %add3A_476, %reduce_sum3A_453 : i32
      %eq3A_478 = arith.constant 1 : i32
      %eq3A_479 = arith.cmpi eq, %scan3A_409, %eq3A_478 : i32
      %add3A_480 = arith.addi %scan3A_408, %reduce_sum3A_457 : i32
      %select_n3A_481 = arith.select %eq3A_479, %scan3A_408, %add3A_480 : i32
      %select_n3A_482 = arith.select %eq3A_475, %sub3A_477, %select_n3A_481 : i32
      %max3A = arith.maxsi %scan3A_409, %convert_element_type3A_459 : i32
      scf.yield %select_n3A_482, %max3A, %select_n3A_470, %select_n3A_473 : i32, i32, i32, i32
    }
    %scan3A_73 = arith.constant 64 : i32
    %shift_left3A_74 = arith.constant 0 : i32
    %shift_left3A_75 = arith.shli %scan3A_72#2, %shift_left3A_74 : i32
    %or3A_76 = arith.ori %or3A_51, %shift_left3A_75 : i32
    %mul3A_77 = arith.constant 64 : i32
    %mul3A_78 = arith.muli %mul3A_77, %scan3A_72#0 : i32
    %sub3A = arith.constant 2831155 : i32
    %sub3A_79 = arith.subi %sub3A, %mul3A_78 : i32
    %broadcast_in_dim3A_80 = arith.constant 1 : i32
    %broadcast_in_dim3A_81 = vector.broadcast %broadcast_in_dim3A_80 : i32 to vector<16xi32>
    %and3A = arith.constant 1023 : i32
    %and3A_82 = arith.andi %or3A_76, %and3A : i32
    %mul3A_83 = vector.broadcast %and3A_82 : i32 to vector<16xi32>
    %mul3A_84 = arith.muli %broadcast_in_dim3A_81, %mul3A_83 : vector<16xi32>
    %gather3A = tpu.vector_load_idx %arg5[%mul3A_84] : memref<2048xi32, #tpu.memory_space<vmem>>[vector<16xi32>], vector<16xi32>,
    %reduce_max3A = arith.constant true
    %reduce_max3A_85 = vector.broadcast %reduce_max3A : i1 to vector<16xi1>
    %reduce_max3A_86 = arith.constant -2147483648 : i32
    %reduce_max3A_87 = vector.broadcast %reduce_max3A_86 : i32 to vector<16xi32>
    %reduce_max3A_88 = arith.xori %gather3A, %reduce_max3A_87 : vector<16xi32>
    %reduce_max3A_89 = tpu.scan <max>, %reduce_max3A_88 masked %reduce_max3A_85 : vector<16xi32>, vector<16xi1> -> vector<16xi32>
    %reduce_max3A_90 = arith.xori %reduce_max3A_89, %reduce_max3A_87 : vector<16xi32>
    %reduce_max3A_91 = vector.extract %reduce_max3A_90[15] : i32 from vector<16xi32>
    %eq3A = arith.constant 0 : i32
    %eq3A_92 = vector.broadcast %eq3A : i32 to vector<16xi32>
    %eq3A_93 = arith.cmpi eq, %iota3A, %eq3A_92 : vector<16xi32>
    %jit3A = arith.constant 0 : i32
    %broadcast_in_dim3A_94 = vector.broadcast %reduce_max3A_91 : i32 to vector<16xi32>
    %broadcast_in_dim3A_95 = vector.broadcast %jit3A : i32 to vector<16xi32>
    %select_n3A = arith.select %eq3A_93, %broadcast_in_dim3A_94, %broadcast_in_dim3A_95 : vector<16xi1>, vector<16xi32>
    %swap3A = arith.constant 0 : index
    %swap3A_96 = tpu.vector_load %arg9[%swap3A] {strides = array<i32>} : memref<16xi32, #tpu.memory_space<vmem>>, vector<16xi32>,
    tpu.vector_store %arg9[%swap3A], %select_n3A {strides = array<i32>} : memref<16xi32, #tpu.memory_space<vmem>>, vector<16xi32>,
    "tpu.region"() ({
      %run_scoped3A = tpu.sem_alloc : memref<!tpu.dma_semaphore, #tpu.memory_space<semaphore_mem>>
      %dma_start3A = arith.constant 0 : i32
      %dma_start3A_407 = tpu.memref_slice %arg12[%arg1, %dma_start3A] : memref<16x16xi32, #tpu.memory_space<vmem_shared>> -> memref<1x16xi32, #tpu.memory_space<vmem_shared>>
      %dma_start3A_408 = tpu.memref_squeeze %dma_start3A_407 : memref<1x16xi32, #tpu.memory_space<vmem_shared>> -> memref<16xi32, #tpu.memory_space<vmem_shared>>
      %dma_start3A_409 = arith.constant 0 : i32
      %dma_start3A_410 = tpu.memref_slice %arg12[%arg1, %dma_start3A_409] : memref<16x16xi32, #tpu.memory_space<vmem_shared>> -> memref<1x16xi32, #tpu.memory_space<vmem_shared>>
      %dma_start3A_411 = tpu.memref_squeeze %dma_start3A_410 : memref<1x16xi32, #tpu.memory_space<vmem_shared>> -> memref<16xi32, #tpu.memory_space<vmem_shared>>
      tpu.enqueue_dma source(%arg9 : memref<16xi32, #tpu.memory_space<vmem>>) target(%dma_start3A_411 : memref<16xi32, #tpu.memory_space<vmem_shared>>) target_semaphore(%run_scoped3A : memref<!tpu.dma_semaphore, #tpu.memory_space<semaphore_mem>>)
      %dma_wait3A = arith.constant 0 : i32
      %dma_wait3A_412 = tpu.memref_slice %arg12[%arg1, %dma_wait3A] : memref<16x16xi32, #tpu.memory_space<vmem_shared>> -> memref<1x16xi32, #tpu.memory_space<vmem_shared>>
      %dma_wait3A_413 = tpu.memref_squeeze %dma_wait3A_412 : memref<1x16xi32, #tpu.memory_space<vmem_shared>> -> memref<16xi32, #tpu.memory_space<vmem_shared>>
      %dma_wait3A_414 = arith.constant 0 : i32
      %dma_wait3A_415 = tpu.memref_slice %arg12[%arg1, %dma_wait3A_414] : memref<16x16xi32, #tpu.memory_space<vmem_shared>> -> memref<1x16xi32, #tpu.memory_space<vmem_shared>>
      %dma_wait3A_416 = tpu.memref_squeeze %dma_wait3A_415 : memref<1x16xi32, #tpu.memory_space<vmem_shared>> -> memref<16xi32, #tpu.memory_space<vmem_shared>>
      tpu.wait_dma2 semaphore(%run_scoped3A : memref<!tpu.dma_semaphore, #tpu.memory_space<semaphore_mem>>) src(%arg9 : memref<16xi32, #tpu.memory_space<vmem>>) dst(%dma_wait3A_416 : memref<16xi32, #tpu.memory_space<vmem_shared>>)
      tpu.yield
    }) : () -> ()
    %barrier3A_97 = arith.constant 0 : index
    tpu.barrier barrier_id(%barrier3A_97)
    "tpu.region"() ({
      %run_scoped3A = tpu.sem_alloc : memref<!tpu.dma_semaphore, #tpu.memory_space<semaphore_mem>>
      tpu.enqueue_dma source(%arg12 : memref<16x16xi32, #tpu.memory_space<vmem_shared>>) target(%arg10 : memref<16x16xi32, #tpu.memory_space<vmem>>) target_semaphore(%run_scoped3A : memref<!tpu.dma_semaphore, #tpu.memory_space<semaphore_mem>>)
      tpu.wait_dma2 semaphore(%run_scoped3A : memref<!tpu.dma_semaphore, #tpu.memory_space<semaphore_mem>>) src(%arg12 : memref<16x16xi32, #tpu.memory_space<vmem_shared>>) dst(%arg10 : memref<16x16xi32, #tpu.memory_space<vmem>>)
      tpu.yield
    }) : () -> ()
    %eq3A_98 = arith.constant 0 : i32
    %eq3A_99 = vector.broadcast %eq3A_98 : i32 to vector<16xi32>
    %eq3A_100 = arith.cmpi eq, %iota3A, %eq3A_99 : vector<16xi32>
    %get3A = arith.constant 0 : i32
    %get3A_101 = arith.index_cast %get3A : i32 to index
    %get3A_102 = arith.constant 0 : index
    %get3A_103 = tpu.vector_load %arg10[%get3A_101, %get3A_102] {strides = array<i32>} : memref<16x16xi32, #tpu.memory_space<vmem>>, vector<16xi32>,
    %jit3A_104 = arith.constant 0 : i32
    %broadcast_in_dim3A_105 = vector.broadcast %jit3A_104 : i32 to vector<16xi32>
    %select_n3A_106 = arith.select %eq3A_100, %get3A_103, %broadcast_in_dim3A_105 : vector<16xi1>, vector<16xi32>
    %reduce_sum3A = arith.constant true
    %reduce_sum3A_107 = vector.broadcast %reduce_sum3A : i1 to vector<16xi1>
    %reduce_sum3A_108 = tpu.scan <sum>, %select_n3A_106 masked %reduce_sum3A_107 : vector<16xi32>, vector<16xi1> -> vector<16xi32>
    %reduce_sum3A_109 = vector.extract %reduce_sum3A_108[15] : i32 from vector<16xi32>
    %lt3A = arith.constant 0 : i32
    %lt3A_110 = arith.cmpi slt, %lt3A, %arg1 : i32
    %jit3A_111 = arith.constant 0 : i32
    %select_n3A_112 = arith.select %lt3A_110, %reduce_sum3A_109, %jit3A_111 : i32
    %add3A = arith.constant 0 : i32
    %add3A_113 = arith.addi %add3A, %select_n3A_112 : i32
    %eq3A_114 = arith.constant 0 : i32
    %eq3A_115 = vector.broadcast %eq3A_114 : i32 to vector<16xi32>
    %eq3A_116 = arith.cmpi eq, %iota3A, %eq3A_115 : vector<16xi32>
    %get3A_117 = arith.constant 1 : i32
    %get3A_118 = arith.index_cast %get3A_117 : i32 to index
    %get3A_119 = arith.constant 0 : index
    %get3A_120 = tpu.vector_load %arg10[%get3A_118, %get3A_119] {strides = array<i32>} : memref<16x16xi32, #tpu.memory_space<vmem>>, vector<16xi32>,
    %jit3A_121 = arith.constant 0 : i32
    %broadcast_in_dim3A_122 = vector.broadcast %jit3A_121 : i32 to vector<16xi32>
    %select_n3A_123 = arith.select %eq3A_116, %get3A_120, %broadcast_in_dim3A_122 : vector<16xi1>, vector<16xi32>
    %reduce_sum3A_124 = arith.constant true
    %reduce_sum3A_125 = vector.broadcast %reduce_sum3A_124 : i1 to vector<16xi1>
    %reduce_sum3A_126 = tpu.scan <sum>, %select_n3A_123 masked %reduce_sum3A_125 : vector<16xi32>, vector<16xi1> -> vector<16xi32>
    %reduce_sum3A_127 = vector.extract %reduce_sum3A_126[15] : i32 from vector<16xi32>
    %lt3A_128 = arith.constant 1 : i32
    %lt3A_129 = arith.cmpi slt, %lt3A_128, %arg1 : i32
    %jit3A_130 = arith.constant 0 : i32
    %select_n3A_131 = arith.select %lt3A_129, %reduce_sum3A_127, %jit3A_130 : i32
    %add3A_132 = arith.addi %add3A_113, %select_n3A_131 : i32
    %eq3A_133 = arith.constant 0 : i32
    %eq3A_134 = vector.broadcast %eq3A_133 : i32 to vector<16xi32>
    %eq3A_135 = arith.cmpi eq, %iota3A, %eq3A_134 : vector<16xi32>
    %get3A_136 = arith.constant 2 : i32
    %get3A_137 = arith.index_cast %get3A_136 : i32 to index
    %get3A_138 = arith.constant 0 : index
    %get3A_139 = tpu.vector_load %arg10[%get3A_137, %get3A_138] {strides = array<i32>} : memref<16x16xi32, #tpu.memory_space<vmem>>, vector<16xi32>,
    %jit3A_140 = arith.constant 0 : i32
    %broadcast_in_dim3A_141 = vector.broadcast %jit3A_140 : i32 to vector<16xi32>
    %select_n3A_142 = arith.select %eq3A_135, %get3A_139, %broadcast_in_dim3A_141 : vector<16xi1>, vector<16xi32>
    %reduce_sum3A_143 = arith.constant true
    %reduce_sum3A_144 = vector.broadcast %reduce_sum3A_143 : i1 to vector<16xi1>
    %reduce_sum3A_145 = tpu.scan <sum>, %select_n3A_142 masked %reduce_sum3A_144 : vector<16xi32>, vector<16xi1> -> vector<16xi32>
    %reduce_sum3A_146 = vector.extract %reduce_sum3A_145[15] : i32 from vector<16xi32>
    %lt3A_147 = arith.constant 2 : i32
    %lt3A_148 = arith.cmpi slt, %lt3A_147, %arg1 : i32
    %jit3A_149 = arith.constant 0 : i32
    %select_n3A_150 = arith.select %lt3A_148, %reduce_sum3A_146, %jit3A_149 : i32
    %add3A_151 = arith.addi %add3A_132, %select_n3A_150 : i32
    %eq3A_152 = arith.constant 0 : i32
    %eq3A_153 = vector.broadcast %eq3A_152 : i32 to vector<16xi32>
    %eq3A_154 = arith.cmpi eq, %iota3A, %eq3A_153 : vector<16xi32>
    %get3A_155 = arith.constant 3 : i32
    %get3A_156 = arith.index_cast %get3A_155 : i32 to index
    %get3A_157 = arith.constant 0 : index
    %get3A_158 = tpu.vector_load %arg10[%get3A_156, %get3A_157] {strides = array<i32>} : memref<16x16xi32, #tpu.memory_space<vmem>>, vector<16xi32>,
    %jit3A_159 = arith.constant 0 : i32
    %broadcast_in_dim3A_160 = vector.broadcast %jit3A_159 : i32 to vector<16xi32>
    %select_n3A_161 = arith.select %eq3A_154, %get3A_158, %broadcast_in_dim3A_160 : vector<16xi1>, vector<16xi32>
    %reduce_sum3A_162 = arith.constant true
    %reduce_sum3A_163 = vector.broadcast %reduce_sum3A_162 : i1 to vector<16xi1>
    %reduce_sum3A_164 = tpu.scan <sum>, %select_n3A_161 masked %reduce_sum3A_163 : vector<16xi32>, vector<16xi1> -> vector<16xi32>
    %reduce_sum3A_165 = vector.extract %reduce_sum3A_164[15] : i32 from vector<16xi32>
    %lt3A_166 = arith.constant 3 : i32
    %lt3A_167 = arith.cmpi slt, %lt3A_166, %arg1 : i32
    %jit3A_168 = arith.constant 0 : i32
    %select_n3A_169 = arith.select %lt3A_167, %reduce_sum3A_165, %jit3A_168 : i32
    %add3A_170 = arith.addi %add3A_151, %select_n3A_169 : i32
    %eq3A_171 = arith.constant 0 : i32
    %eq3A_172 = vector.broadcast %eq3A_171 : i32 to vector<16xi32>
    %eq3A_173 = arith.cmpi eq, %iota3A, %eq3A_172 : vector<16xi32>
    %get3A_174 = arith.constant 4 : i32
    %get3A_175 = arith.index_cast %get3A_174 : i32 to index
    %get3A_176 = arith.constant 0 : index
    %get3A_177 = tpu.vector_load %arg10[%get3A_175, %get3A_176] {strides = array<i32>} : memref<16x16xi32, #tpu.memory_space<vmem>>, vector<16xi32>,
    %jit3A_178 = arith.constant 0 : i32
    %broadcast_in_dim3A_179 = vector.broadcast %jit3A_178 : i32 to vector<16xi32>
    %select_n3A_180 = arith.select %eq3A_173, %get3A_177, %broadcast_in_dim3A_179 : vector<16xi1>, vector<16xi32>
    %reduce_sum3A_181 = arith.constant true
    %reduce_sum3A_182 = vector.broadcast %reduce_sum3A_181 : i1 to vector<16xi1>
    %reduce_sum3A_183 = tpu.scan <sum>, %select_n3A_180 masked %reduce_sum3A_182 : vector<16xi32>, vector<16xi1> -> vector<16xi32>
    %reduce_sum3A_184 = vector.extract %reduce_sum3A_183[15] : i32 from vector<16xi32>
    %lt3A_185 = arith.constant 4 : i32
    %lt3A_186 = arith.cmpi slt, %lt3A_185, %arg1 : i32
    %jit3A_187 = arith.constant 0 : i32
    %select_n3A_188 = arith.select %lt3A_186, %reduce_sum3A_184, %jit3A_187 : i32
    %add3A_189 = arith.addi %add3A_170, %select_n3A_188 : i32
    %eq3A_190 = arith.constant 0 : i32
    %eq3A_191 = vector.broadcast %eq3A_190 : i32 to vector<16xi32>
    %eq3A_192 = arith.cmpi eq, %iota3A, %eq3A_191 : vector<16xi32>
    %get3A_193 = arith.constant 5 : i32
    %get3A_194 = arith.index_cast %get3A_193 : i32 to index
    %get3A_195 = arith.constant 0 : index
    %get3A_196 = tpu.vector_load %arg10[%get3A_194, %get3A_195] {strides = array<i32>} : memref<16x16xi32, #tpu.memory_space<vmem>>, vector<16xi32>,
    %jit3A_197 = arith.constant 0 : i32
    %broadcast_in_dim3A_198 = vector.broadcast %jit3A_197 : i32 to vector<16xi32>
    %select_n3A_199 = arith.select %eq3A_192, %get3A_196, %broadcast_in_dim3A_198 : vector<16xi1>, vector<16xi32>
    %reduce_sum3A_200 = arith.constant true
    %reduce_sum3A_201 = vector.broadcast %reduce_sum3A_200 : i1 to vector<16xi1>
    %reduce_sum3A_202 = tpu.scan <sum>, %select_n3A_199 masked %reduce_sum3A_201 : vector<16xi32>, vector<16xi1> -> vector<16xi32>
    %reduce_sum3A_203 = vector.extract %reduce_sum3A_202[15] : i32 from vector<16xi32>
    %lt3A_204 = arith.constant 5 : i32
    %lt3A_205 = arith.cmpi slt, %lt3A_204, %arg1 : i32
    %jit3A_206 = arith.constant 0 : i32
    %select_n3A_207 = arith.select %lt3A_205, %reduce_sum3A_203, %jit3A_206 : i32
    %add3A_208 = arith.addi %add3A_189, %select_n3A_207 : i32
    %eq3A_209 = arith.constant 0 : i32
    %eq3A_210 = vector.broadcast %eq3A_209 : i32 to vector<16xi32>
    %eq3A_211 = arith.cmpi eq, %iota3A, %eq3A_210 : vector<16xi32>
    %get3A_212 = arith.constant 6 : i32
    %get3A_213 = arith.index_cast %get3A_212 : i32 to index
    %get3A_214 = arith.constant 0 : index
    %get3A_215 = tpu.vector_load %arg10[%get3A_213, %get3A_214] {strides = array<i32>} : memref<16x16xi32, #tpu.memory_space<vmem>>, vector<16xi32>,
    %jit3A_216 = arith.constant 0 : i32
    %broadcast_in_dim3A_217 = vector.broadcast %jit3A_216 : i32 to vector<16xi32>
    %select_n3A_218 = arith.select %eq3A_211, %get3A_215, %broadcast_in_dim3A_217 : vector<16xi1>, vector<16xi32>
    %reduce_sum3A_219 = arith.constant true
    %reduce_sum3A_220 = vector.broadcast %reduce_sum3A_219 : i1 to vector<16xi1>
    %reduce_sum3A_221 = tpu.scan <sum>, %select_n3A_218 masked %reduce_sum3A_220 : vector<16xi32>, vector<16xi1> -> vector<16xi32>
    %reduce_sum3A_222 = vector.extract %reduce_sum3A_221[15] : i32 from vector<16xi32>
    %lt3A_223 = arith.constant 6 : i32
    %lt3A_224 = arith.cmpi slt, %lt3A_223, %arg1 : i32
    %jit3A_225 = arith.constant 0 : i32
    %select_n3A_226 = arith.select %lt3A_224, %reduce_sum3A_222, %jit3A_225 : i32
    %add3A_227 = arith.addi %add3A_208, %select_n3A_226 : i32
    %eq3A_228 = arith.constant 0 : i32
    %eq3A_229 = vector.broadcast %eq3A_228 : i32 to vector<16xi32>
    %eq3A_230 = arith.cmpi eq, %iota3A, %eq3A_229 : vector<16xi32>
    %get3A_231 = arith.constant 7 : i32
    %get3A_232 = arith.index_cast %get3A_231 : i32 to index
    %get3A_233 = arith.constant 0 : index
    %get3A_234 = tpu.vector_load %arg10[%get3A_232, %get3A_233] {strides = array<i32>} : memref<16x16xi32, #tpu.memory_space<vmem>>, vector<16xi32>,
    %jit3A_235 = arith.constant 0 : i32
    %broadcast_in_dim3A_236 = vector.broadcast %jit3A_235 : i32 to vector<16xi32>
    %select_n3A_237 = arith.select %eq3A_230, %get3A_234, %broadcast_in_dim3A_236 : vector<16xi1>, vector<16xi32>
    %reduce_sum3A_238 = arith.constant true
    %reduce_sum3A_239 = vector.broadcast %reduce_sum3A_238 : i1 to vector<16xi1>
    %reduce_sum3A_240 = tpu.scan <sum>, %select_n3A_237 masked %reduce_sum3A_239 : vector<16xi32>, vector<16xi1> -> vector<16xi32>
    %reduce_sum3A_241 = vector.extract %reduce_sum3A_240[15] : i32 from vector<16xi32>
    %lt3A_242 = arith.constant 7 : i32
    %lt3A_243 = arith.cmpi slt, %lt3A_242, %arg1 : i32
    %jit3A_244 = arith.constant 0 : i32
    %select_n3A_245 = arith.select %lt3A_243, %reduce_sum3A_241, %jit3A_244 : i32
    %add3A_246 = arith.addi %add3A_227, %select_n3A_245 : i32
    %eq3A_247 = arith.constant 0 : i32
    %eq3A_248 = vector.broadcast %eq3A_247 : i32 to vector<16xi32>
    %eq3A_249 = arith.cmpi eq, %iota3A, %eq3A_248 : vector<16xi32>
    %get3A_250 = arith.constant 8 : i32
    %get3A_251 = arith.index_cast %get3A_250 : i32 to index
    %get3A_252 = arith.constant 0 : index
    %get3A_253 = tpu.vector_load %arg10[%get3A_251, %get3A_252] {strides = array<i32>} : memref<16x16xi32, #tpu.memory_space<vmem>>, vector<16xi32>,
    %jit3A_254 = arith.constant 0 : i32
    %broadcast_in_dim3A_255 = vector.broadcast %jit3A_254 : i32 to vector<16xi32>
    %select_n3A_256 = arith.select %eq3A_249, %get3A_253, %broadcast_in_dim3A_255 : vector<16xi1>, vector<16xi32>
    %reduce_sum3A_257 = arith.constant true
    %reduce_sum3A_258 = vector.broadcast %reduce_sum3A_257 : i1 to vector<16xi1>
    %reduce_sum3A_259 = tpu.scan <sum>, %select_n3A_256 masked %reduce_sum3A_258 : vector<16xi32>, vector<16xi1> -> vector<16xi32>
    %reduce_sum3A_260 = vector.extract %reduce_sum3A_259[15] : i32 from vector<16xi32>
    %lt3A_261 = arith.constant 8 : i32
    %lt3A_262 = arith.cmpi slt, %lt3A_261, %arg1 : i32
    %jit3A_263 = arith.constant 0 : i32
    %select_n3A_264 = arith.select %lt3A_262, %reduce_sum3A_260, %jit3A_263 : i32
    %add3A_265 = arith.addi %add3A_246, %select_n3A_264 : i32
    %eq3A_266 = arith.constant 0 : i32
    %eq3A_267 = vector.broadcast %eq3A_266 : i32 to vector<16xi32>
    %eq3A_268 = arith.cmpi eq, %iota3A, %eq3A_267 : vector<16xi32>
    %get3A_269 = arith.constant 9 : i32
    %get3A_270 = arith.index_cast %get3A_269 : i32 to index
    %get3A_271 = arith.constant 0 : index
    %get3A_272 = tpu.vector_load %arg10[%get3A_270, %get3A_271] {strides = array<i32>} : memref<16x16xi32, #tpu.memory_space<vmem>>, vector<16xi32>,
    %jit3A_273 = arith.constant 0 : i32
    %broadcast_in_dim3A_274 = vector.broadcast %jit3A_273 : i32 to vector<16xi32>
    %select_n3A_275 = arith.select %eq3A_268, %get3A_272, %broadcast_in_dim3A_274 : vector<16xi1>, vector<16xi32>
    %reduce_sum3A_276 = arith.constant true
    %reduce_sum3A_277 = vector.broadcast %reduce_sum3A_276 : i1 to vector<16xi1>
    %reduce_sum3A_278 = tpu.scan <sum>, %select_n3A_275 masked %reduce_sum3A_277 : vector<16xi32>, vector<16xi1> -> vector<16xi32>
    %reduce_sum3A_279 = vector.extract %reduce_sum3A_278[15] : i32 from vector<16xi32>
    %lt3A_280 = arith.constant 9 : i32
    %lt3A_281 = arith.cmpi slt, %lt3A_280, %arg1 : i32
    %jit3A_282 = arith.constant 0 : i32
    %select_n3A_283 = arith.select %lt3A_281, %reduce_sum3A_279, %jit3A_282 : i32
    %add3A_284 = arith.addi %add3A_265, %select_n3A_283 : i32
    %eq3A_285 = arith.constant 0 : i32
    %eq3A_286 = vector.broadcast %eq3A_285 : i32 to vector<16xi32>
    %eq3A_287 = arith.cmpi eq, %iota3A, %eq3A_286 : vector<16xi32>
    %get3A_288 = arith.constant 10 : i32
    %get3A_289 = arith.index_cast %get3A_288 : i32 to index
    %get3A_290 = arith.constant 0 : index
    %get3A_291 = tpu.vector_load %arg10[%get3A_289, %get3A_290] {strides = array<i32>} : memref<16x16xi32, #tpu.memory_space<vmem>>, vector<16xi32>,
    %jit3A_292 = arith.constant 0 : i32
    %broadcast_in_dim3A_293 = vector.broadcast %jit3A_292 : i32 to vector<16xi32>
    %select_n3A_294 = arith.select %eq3A_287, %get3A_291, %broadcast_in_dim3A_293 : vector<16xi1>, vector<16xi32>
    %reduce_sum3A_295 = arith.constant true
    %reduce_sum3A_296 = vector.broadcast %reduce_sum3A_295 : i1 to vector<16xi1>
    %reduce_sum3A_297 = tpu.scan <sum>, %select_n3A_294 masked %reduce_sum3A_296 : vector<16xi32>, vector<16xi1> -> vector<16xi32>
    %reduce_sum3A_298 = vector.extract %reduce_sum3A_297[15] : i32 from vector<16xi32>
    %lt3A_299 = arith.constant 10 : i32
    %lt3A_300 = arith.cmpi slt, %lt3A_299, %arg1 : i32
    %jit3A_301 = arith.constant 0 : i32
    %select_n3A_302 = arith.select %lt3A_300, %reduce_sum3A_298, %jit3A_301 : i32
    %add3A_303 = arith.addi %add3A_284, %select_n3A_302 : i32
    %eq3A_304 = arith.constant 0 : i32
    %eq3A_305 = vector.broadcast %eq3A_304 : i32 to vector<16xi32>
    %eq3A_306 = arith.cmpi eq, %iota3A, %eq3A_305 : vector<16xi32>
    %get3A_307 = arith.constant 11 : i32
    %get3A_308 = arith.index_cast %get3A_307 : i32 to index
    %get3A_309 = arith.constant 0 : index
    %get3A_310 = tpu.vector_load %arg10[%get3A_308, %get3A_309] {strides = array<i32>} : memref<16x16xi32, #tpu.memory_space<vmem>>, vector<16xi32>,
    %jit3A_311 = arith.constant 0 : i32
    %broadcast_in_dim3A_312 = vector.broadcast %jit3A_311 : i32 to vector<16xi32>
    %select_n3A_313 = arith.select %eq3A_306, %get3A_310, %broadcast_in_dim3A_312 : vector<16xi1>, vector<16xi32>
    %reduce_sum3A_314 = arith.constant true
    %reduce_sum3A_315 = vector.broadcast %reduce_sum3A_314 : i1 to vector<16xi1>
    %reduce_sum3A_316 = tpu.scan <sum>, %select_n3A_313 masked %reduce_sum3A_315 : vector<16xi32>, vector<16xi1> -> vector<16xi32>
    %reduce_sum3A_317 = vector.extract %reduce_sum3A_316[15] : i32 from vector<16xi32>
    %lt3A_318 = arith.constant 11 : i32
    %lt3A_319 = arith.cmpi slt, %lt3A_318, %arg1 : i32
    %jit3A_320 = arith.constant 0 : i32
    %select_n3A_321 = arith.select %lt3A_319, %reduce_sum3A_317, %jit3A_320 : i32
    %add3A_322 = arith.addi %add3A_303, %select_n3A_321 : i32
    %eq3A_323 = arith.constant 0 : i32
    %eq3A_324 = vector.broadcast %eq3A_323 : i32 to vector<16xi32>
    %eq3A_325 = arith.cmpi eq, %iota3A, %eq3A_324 : vector<16xi32>
    %get3A_326 = arith.constant 12 : i32
    %get3A_327 = arith.index_cast %get3A_326 : i32 to index
    %get3A_328 = arith.constant 0 : index
    %get3A_329 = tpu.vector_load %arg10[%get3A_327, %get3A_328] {strides = array<i32>} : memref<16x16xi32, #tpu.memory_space<vmem>>, vector<16xi32>,
    %jit3A_330 = arith.constant 0 : i32
    %broadcast_in_dim3A_331 = vector.broadcast %jit3A_330 : i32 to vector<16xi32>
    %select_n3A_332 = arith.select %eq3A_325, %get3A_329, %broadcast_in_dim3A_331 : vector<16xi1>, vector<16xi32>
    %reduce_sum3A_333 = arith.constant true
    %reduce_sum3A_334 = vector.broadcast %reduce_sum3A_333 : i1 to vector<16xi1>
    %reduce_sum3A_335 = tpu.scan <sum>, %select_n3A_332 masked %reduce_sum3A_334 : vector<16xi32>, vector<16xi1> -> vector<16xi32>
    %reduce_sum3A_336 = vector.extract %reduce_sum3A_335[15] : i32 from vector<16xi32>
    %lt3A_337 = arith.constant 12 : i32
    %lt3A_338 = arith.cmpi slt, %lt3A_337, %arg1 : i32
    %jit3A_339 = arith.constant 0 : i32
    %select_n3A_340 = arith.select %lt3A_338, %reduce_sum3A_336, %jit3A_339 : i32
    %add3A_341 = arith.addi %add3A_322, %select_n3A_340 : i32
    %eq3A_342 = arith.constant 0 : i32
    %eq3A_343 = vector.broadcast %eq3A_342 : i32 to vector<16xi32>
    %eq3A_344 = arith.cmpi eq, %iota3A, %eq3A_343 : vector<16xi32>
    %get3A_345 = arith.constant 13 : i32
    %get3A_346 = arith.index_cast %get3A_345 : i32 to index
    %get3A_347 = arith.constant 0 : index
    %get3A_348 = tpu.vector_load %arg10[%get3A_346, %get3A_347] {strides = array<i32>} : memref<16x16xi32, #tpu.memory_space<vmem>>, vector<16xi32>,
    %jit3A_349 = arith.constant 0 : i32
    %broadcast_in_dim3A_350 = vector.broadcast %jit3A_349 : i32 to vector<16xi32>
    %select_n3A_351 = arith.select %eq3A_344, %get3A_348, %broadcast_in_dim3A_350 : vector<16xi1>, vector<16xi32>
    %reduce_sum3A_352 = arith.constant true
    %reduce_sum3A_353 = vector.broadcast %reduce_sum3A_352 : i1 to vector<16xi1>
    %reduce_sum3A_354 = tpu.scan <sum>, %select_n3A_351 masked %reduce_sum3A_353 : vector<16xi32>, vector<16xi1> -> vector<16xi32>
    %reduce_sum3A_355 = vector.extract %reduce_sum3A_354[15] : i32 from vector<16xi32>
    %lt3A_356 = arith.constant 13 : i32
    %lt3A_357 = arith.cmpi slt, %lt3A_356, %arg1 : i32
    %jit3A_358 = arith.constant 0 : i32
    %select_n3A_359 = arith.select %lt3A_357, %reduce_sum3A_355, %jit3A_358 : i32
    %add3A_360 = arith.addi %add3A_341, %select_n3A_359 : i32
    %eq3A_361 = arith.constant 0 : i32
    %eq3A_362 = vector.broadcast %eq3A_361 : i32 to vector<16xi32>
    %eq3A_363 = arith.cmpi eq, %iota3A, %eq3A_362 : vector<16xi32>
    %get3A_364 = arith.constant 14 : i32
    %get3A_365 = arith.index_cast %get3A_364 : i32 to index
    %get3A_366 = arith.constant 0 : index
    %get3A_367 = tpu.vector_load %arg10[%get3A_365, %get3A_366] {strides = array<i32>} : memref<16x16xi32, #tpu.memory_space<vmem>>, vector<16xi32>,
    %jit3A_368 = arith.constant 0 : i32
    %broadcast_in_dim3A_369 = vector.broadcast %jit3A_368 : i32 to vector<16xi32>
    %select_n3A_370 = arith.select %eq3A_363, %get3A_367, %broadcast_in_dim3A_369 : vector<16xi1>, vector<16xi32>
    %reduce_sum3A_371 = arith.constant true
    %reduce_sum3A_372 = vector.broadcast %reduce_sum3A_371 : i1 to vector<16xi1>
    %reduce_sum3A_373 = tpu.scan <sum>, %select_n3A_370 masked %reduce_sum3A_372 : vector<16xi32>, vector<16xi1> -> vector<16xi32>
    %reduce_sum3A_374 = vector.extract %reduce_sum3A_373[15] : i32 from vector<16xi32>
    %lt3A_375 = arith.constant 14 : i32
    %lt3A_376 = arith.cmpi slt, %lt3A_375, %arg1 : i32
    %jit3A_377 = arith.constant 0 : i32
    %select_n3A_378 = arith.select %lt3A_376, %reduce_sum3A_374, %jit3A_377 : i32
    %add3A_379 = arith.addi %add3A_360, %select_n3A_378 : i32
    %eq3A_380 = arith.constant 0 : i32
    %eq3A_381 = vector.broadcast %eq3A_380 : i32 to vector<16xi32>
    %eq3A_382 = arith.cmpi eq, %iota3A, %eq3A_381 : vector<16xi32>
    %get3A_383 = arith.constant 15 : i32
    %get3A_384 = arith.index_cast %get3A_383 : i32 to index
    %get3A_385 = arith.constant 0 : index
    %get3A_386 = tpu.vector_load %arg10[%get3A_384, %get3A_385] {strides = array<i32>} : memref<16x16xi32, #tpu.memory_space<vmem>>, vector<16xi32>,
    %jit3A_387 = arith.constant 0 : i32
    %broadcast_in_dim3A_388 = vector.broadcast %jit3A_387 : i32 to vector<16xi32>
    %select_n3A_389 = arith.select %eq3A_382, %get3A_386, %broadcast_in_dim3A_388 : vector<16xi1>, vector<16xi32>
    %reduce_sum3A_390 = arith.constant true
    %reduce_sum3A_391 = vector.broadcast %reduce_sum3A_390 : i1 to vector<16xi1>
    %reduce_sum3A_392 = tpu.scan <sum>, %select_n3A_389 masked %reduce_sum3A_391 : vector<16xi32>, vector<16xi1> -> vector<16xi32>
    %reduce_sum3A_393 = vector.extract %reduce_sum3A_392[15] : i32 from vector<16xi32>
    %lt3A_394 = arith.constant 15 : i32
    %lt3A_395 = arith.cmpi slt, %lt3A_394, %arg1 : i32
    %jit3A_396 = arith.constant 0 : i32
    %select_n3A_397 = arith.select %lt3A_395, %reduce_sum3A_393, %jit3A_396 : i32
    %add3A_398 = arith.addi %add3A_379, %select_n3A_397 : i32
    %div3A = arith.divsi %sub3A_79, %scan3A_72#3 : i32
    %rem3A = arith.remsi %sub3A_79, %scan3A_72#3 : i32
    %parallel_loop3A_399 = arith.constant 0 : i32
    %parallel_loop3A_400 = arith.constant 1728 : i32
    %parallel_loop3A_401 = arith.constant 1 : i32
    %parallel_loop3A_402 = arith.constant 0 : i32
    %parallel_loop3A_403 = scf.for %parallel_loop3A_407 = %parallel_loop3A_399 to %parallel_loop3A_400 step %parallel_loop3A_401 iter_args(%parallel_loop3A_408 = %parallel_loop3A_402) -> (i32)  : i32 {
      %parallel_loop3A_409 = arith.constant 16 : i32
      %parallel_loop3A_410 = arith.muli %parallel_loop3A_407, %parallel_loop3A_409 : i32
      %parallel_loop3A_411 = arith.index_cast %parallel_loop3A_410 : i32 to index
      %parallel_loop3A_412 = tpu.vector_load %arg4[%parallel_loop3A_411] {strides = array<i32>} : memref<27648xi32, #tpu.memory_space<vmem>>, vector<16xi32>,
      %parallel_loop3A_413 = vector.broadcast %or3A_76 : i32 to vector<16xi32>
      %parallel_loop3A_414 = arith.cmpi sgt, %parallel_loop3A_412, %parallel_loop3A_413 : vector<16xi32>
      %parallel_loop3A_415 = vector.broadcast %or3A_76 : i32 to vector<16xi32>
      %parallel_loop3A_416 = arith.cmpi eq, %parallel_loop3A_412, %parallel_loop3A_415 : vector<16xi32>
      %parallel_loop3A_417 = arith.extui %parallel_loop3A_416 : vector<16xi1> to vector<16xi32>
      %parallel_loop3A_418 = arith.constant true
      %parallel_loop3A_419 = vector.broadcast %parallel_loop3A_418 : i1 to vector<16xi1>
      %parallel_loop3A_420 = tpu.scan <sum>, %parallel_loop3A_417 masked %parallel_loop3A_419 : vector<16xi32>, vector<16xi1> -> vector<16xi32>
      %parallel_loop3A_421 = arith.addi %add3A_398, %parallel_loop3A_408 : i32
      %parallel_loop3A_422 = arith.subi %parallel_loop3A_420, %parallel_loop3A_417 : vector<16xi32>
      %parallel_loop3A_423 = vector.broadcast %parallel_loop3A_421 : i32 to vector<16xi32>
      %parallel_loop3A_424 = arith.addi %parallel_loop3A_423, %parallel_loop3A_422 : vector<16xi32>
      %parallel_loop3A_425 = vector.broadcast %rem3A : i32 to vector<16xi32>
      %parallel_loop3A_426 = arith.cmpi slt, %parallel_loop3A_424, %parallel_loop3A_425 : vector<16xi32>
      %parallel_loop3A_427 = arith.extui %parallel_loop3A_426 : vector<16xi1> to vector<16xi32>
      %parallel_loop3A_428 = vector.broadcast %div3A : i32 to vector<16xi32>
      %parallel_loop3A_429 = arith.addi %parallel_loop3A_428, %parallel_loop3A_427 : vector<16xi32>
      %parallel_loop3A_430 = arith.constant 0 : i32
      %parallel_loop3A_431 = vector.broadcast %parallel_loop3A_430 : i32 to vector<16xi32>
      %parallel_loop3A_432 = arith.select %parallel_loop3A_416, %parallel_loop3A_429, %parallel_loop3A_431 : vector<16xi1>, vector<16xi32>
      %parallel_loop3A_433 = arith.constant 64 : i32
      %parallel_loop3A_434 = vector.broadcast %parallel_loop3A_433 : i32 to vector<16xi32>
      %parallel_loop3A_435 = arith.select %parallel_loop3A_414, %parallel_loop3A_434, %parallel_loop3A_432 : vector<16xi1>, vector<16xi32>
      %parallel_loop3A_436 = arith.constant 16 : i32
      %parallel_loop3A_437 = arith.muli %parallel_loop3A_407, %parallel_loop3A_436 : i32
      %parallel_loop3A_438 = arith.index_cast %parallel_loop3A_437 : i32 to index
      %parallel_loop3A_439 = tpu.vector_load %arg8[%parallel_loop3A_438] {strides = array<i32>} : memref<27648xi32, #tpu.memory_space<vmem>>, vector<16xi32>,
      tpu.vector_store %arg8[%parallel_loop3A_438], %parallel_loop3A_435 {strides = array<i32>} : memref<27648xi32, #tpu.memory_space<vmem>>, vector<16xi32>,
      %parallel_loop3A_440 = tpu.all_reduce %parallel_loop3A_416 {dim = 0 : i64, kind = #tpu.reduction_kind<sum>} : vector<16xi1> -> vector<16xi32>
      %parallel_loop3A_441 = arith.constant true
      %parallel_loop3A_442 = vector.broadcast %parallel_loop3A_441 : i1 to vector<16xi1>
      %parallel_loop3A_443 = arith.constant -2147483648 : i32
      %parallel_loop3A_444 = vector.broadcast %parallel_loop3A_443 : i32 to vector<16xi32>
      %parallel_loop3A_445 = arith.xori %parallel_loop3A_440, %parallel_loop3A_444 : vector<16xi32>
      %parallel_loop3A_446 = tpu.scan <max>, %parallel_loop3A_445 masked %parallel_loop3A_442 : vector<16xi32>, vector<16xi1> -> vector<16xi32>
      %parallel_loop3A_447 = arith.xori %parallel_loop3A_446, %parallel_loop3A_444 : vector<16xi32>
      %parallel_loop3A_448 = vector.extract %parallel_loop3A_447[15] : i32 from vector<16xi32>
      %parallel_loop3A_449 = arith.addi %parallel_loop3A_408, %parallel_loop3A_448 : i32
      scf.yield %parallel_loop3A_449 : i32
    } {sc.loop_unroll_factor = 8 : i64, sc.parallel_access}
    %eq3A_404 = arith.constant 0 : i32
    %eq3A_405 = arith.cmpi eq, %arg0, %eq3A_404 : i32
    %convert_element_type3A = arith.extui %eq3A_405 : i1 to i32
    %cond3A = arith.constant 0 : i32
    %cond3A_406 = arith.cmpi ne, %convert_element_type3A, %cond3A : i32
    scf.if %cond3A_406 {
      "tpu.region"() ({
        %run_scoped3A = tpu.sem_alloc : memref<!tpu.dma_semaphore, #tpu.memory_space<semaphore_mem>>
        %dma_start3A = tpu.memref_slice %arg3[%mul3A_0] : memref<442368xi32, #tpu.memory_space<hbm>> -> memref<27648xi32, #tpu.memory_space<hbm>>
        %dma_start3A_407 = tpu.memref_slice %arg3[%mul3A_0] : memref<442368xi32, #tpu.memory_space<hbm>> -> memref<27648xi32, #tpu.memory_space<hbm>>
        tpu.enqueue_dma source(%arg8 : memref<27648xi32, #tpu.memory_space<vmem>>) target(%dma_start3A_407 : memref<27648xi32, #tpu.memory_space<hbm>>) target_semaphore(%run_scoped3A : memref<!tpu.dma_semaphore, #tpu.memory_space<semaphore_mem>>)
        %dma_wait3A = tpu.memref_slice %arg3[%mul3A_0] : memref<442368xi32, #tpu.memory_space<hbm>> -> memref<27648xi32, #tpu.memory_space<hbm>>
        %dma_wait3A_408 = tpu.memref_slice %arg3[%mul3A_0] : memref<442368xi32, #tpu.memory_space<hbm>> -> memref<27648xi32, #tpu.memory_space<hbm>>
        tpu.wait_dma2 semaphore(%run_scoped3A : memref<!tpu.dma_semaphore, #tpu.memory_space<semaphore_mem>>) src(%arg8 : memref<27648xi32, #tpu.memory_space<vmem>>) dst(%dma_wait3A_408 : memref<27648xi32, #tpu.memory_space<hbm>>)
        tpu.yield
      }) : () -> ()
    } else {
    }
    return
  }
}

module attributes {stable_mosaic.version = 14 : i64} {
  func.func @_score_kernel(%arg0: memref<576x1152xf32, #tpu.memory_space<vmem>>, %arg1: memref<576x1152xf32, #tpu.memory_space<vmem>>, %arg2: memref<1152x768xf32, #tpu.memory_space<vmem>>, %arg3: memref<576x1xf32, #tpu.memory_space<vmem>>, %arg4: memref<576x1xf32, #tpu.memory_space<vmem>>, %arg5: memref<576x768xi32, #tpu.memory_space<vmem>>) attributes {dimension_semantics = [], scalar_prefetch = 0 : i64, scratch_operands = 0 : i64, tpu.core_type = #tpu.core_type<tc>} {
    %get3A = arith.constant 0 : index
    %get3A_0 = arith.constant 0 : index
    %get3A_1 = vector.load %arg0[%get3A, %get3A_0] : memref<576x1152xf32, #tpu.memory_space<vmem>>, vector<576x1152xf32>
    %get3A_2 = arith.constant 0 : index
    %get3A_3 = arith.constant 0 : index
    %get3A_4 = vector.load %arg2[%get3A_2, %get3A_3] : memref<1152x768xf32, #tpu.memory_space<vmem>>, vector<1152x768xf32>
    %dot_general3A = arith.constant dense<0.000000e+00> : vector<576x768xf32>
    %dot_general3A_5 = tpu.matmul %get3A_1, %get3A_4, %dot_general3A {dimension_numbers = #tpu.dot_dimension_numbers<[1], [0], [0], [1], [0, 0, 1, 1], [], []>, transpose_lhs_hint = false} : vector<576x1152xf32>, vector<1152x768xf32>, vector<576x768xf32> -> vector<576x768xf32>
    %get3A_6 = arith.constant 0 : index
    %get3A_7 = arith.constant 0 : index
    %get3A_8 = vector.load %arg3[%get3A_6, %get3A_7] : memref<576x1xf32, #tpu.memory_space<vmem>>, vector<576x1xf32>
    %add3A = vector.broadcast %get3A_8 : vector<576x1xf32> to vector<576x768xf32>
    %add3A_9 = arith.addf %dot_general3A_5, %add3A : vector<576x768xf32>
    %get3A_10 = arith.constant 0 : index
    %get3A_11 = arith.constant 0 : index
    %get3A_12 = vector.load %arg1[%get3A_10, %get3A_11] : memref<576x1152xf32, #tpu.memory_space<vmem>>, vector<576x1152xf32>
    %get3A_13 = arith.constant 0 : index
    %get3A_14 = arith.constant 0 : index
    %get3A_15 = vector.load %arg2[%get3A_13, %get3A_14] : memref<1152x768xf32, #tpu.memory_space<vmem>>, vector<1152x768xf32>
    %dot_general3A_16 = arith.constant dense<0.000000e+00> : vector<576x768xf32>
    %dot_general3A_17 = tpu.matmul %get3A_12, %get3A_15, %dot_general3A_16 {dimension_numbers = #tpu.dot_dimension_numbers<[1], [0], [0], [1], [0, 0, 1, 1], [], []>, transpose_lhs_hint = false} : vector<576x1152xf32>, vector<1152x768xf32>, vector<576x768xf32> -> vector<576x768xf32>
    %get3A_18 = arith.constant 0 : index
    %get3A_19 = arith.constant 0 : index
    %get3A_20 = vector.load %arg4[%get3A_18, %get3A_19] : memref<576x1xf32, #tpu.memory_space<vmem>>, vector<576x1xf32>
    %add3A_21 = vector.broadcast %get3A_20 : vector<576x1xf32> to vector<576x768xf32>
    %add3A_22 = arith.addf %dot_general3A_17, %add3A_21 : vector<576x768xf32>
    %max3A = arith.maximumf %add3A_9, %add3A_22 : vector<576x768xf32>
    %sub3A = arith.subf %add3A_9, %max3A : vector<576x768xf32>
    %sub3A_23 = arith.subf %add3A_22, %max3A : vector<576x768xf32>
    %exp3A = math.exp %sub3A : vector<576x768xf32>
    %exp3A_24 = math.exp %sub3A_23 : vector<576x768xf32>
    %add3A_25 = arith.addf %exp3A, %exp3A_24 : vector<576x768xf32>
    %log3A = math.log %add3A_25 : vector<576x768xf32>
    %sub3A_26 = arith.subf %sub3A, %log3A : vector<576x768xf32>
    %sub3A_27 = arith.subf %sub3A_23, %log3A : vector<576x768xf32>
    %max3A_28 = arith.maximumf %sub3A_26, %sub3A_27 : vector<576x768xf32>
    %sub3A_29 = arith.subf %sub3A_26, %max3A_28 : vector<576x768xf32>
    %exp3A_30 = math.exp %sub3A_29 : vector<576x768xf32>
    %sub3A_31 = arith.subf %sub3A_27, %max3A_28 : vector<576x768xf32>
    %exp3A_32 = math.exp %sub3A_31 : vector<576x768xf32>
    %add3A_33 = arith.addf %exp3A_30, %exp3A_32 : vector<576x768xf32>
    %div3A = arith.divf %exp3A_30, %add3A_33 : vector<576x768xf32>
    %bitcast_convert_type3A = tpu.bitcast %div3A : vector<576x768xf32> -> vector<576x768xi32>
    %swap3A = arith.constant 0 : index
    %swap3A_34 = arith.constant 0 : index
    %swap3A_35 = vector.load %arg5[%swap3A, %swap3A_34] : memref<576x768xi32, #tpu.memory_space<vmem>>, vector<576x768xi32>
    tpu.vector_store %arg5[%swap3A, %swap3A_34], %bitcast_convert_type3A {strides = array<i32>} : memref<576x768xi32, #tpu.memory_space<vmem>>, vector<576x768xi32>,
    return
  }
}

module attributes {stable_mosaic.version = 14 : i64} {
  func.func @_mask_ln_kernel(%arg0: i32, %arg1: memref<1x576x768xf32, #tpu.memory_space<vmem>>, %arg2: memref<1x576x768xf32, #tpu.memory_space<vmem>>, %arg3: memref<576x768xi32, #tpu.memory_space<vmem>>, %arg4: memref<1x768xf32, #tpu.memory_space<vmem>>, %arg5: memref<1x768xf32, #tpu.memory_space<vmem>>, %arg6: memref<1x576x768xf32, #tpu.memory_space<vmem>>, %arg7: memref<1x576x768xf32, #tpu.memory_space<vmem>>) attributes {dimension_semantics = [#tpu.dimension_semantics<arbitrary>], iteration_bounds = array<i64: 64>, scalar_prefetch = 0 : i64, scratch_operands = 0 : i64, tpu.core_type = #tpu.core_type<tc>, window_params = [{transform_indices = @transform_0, window_bounds = array<i64: 1, 576, 768>}, {pipeline_mode = #tpu.pipeline_mode<synchronous>, transform_indices = @transform_1, window_bounds = array<i64: 1, 576, 768>}, {pipeline_mode = #tpu.pipeline_mode<synchronous>, transform_indices = @transform_2, window_bounds = array<i64: 576, 768>}, {pipeline_mode = #tpu.pipeline_mode<synchronous>, transform_indices = @transform_3, window_bounds = array<i64: 1, 768>}, {pipeline_mode = #tpu.pipeline_mode<synchronous>, transform_indices = @transform_4, window_bounds = array<i64: 1, 768>}, {transform_indices = @transform_5, window_bounds = array<i64: 1, 576, 768>}, {transform_indices = @transform_6, window_bounds = array<i64: 1, 576, 768>}]} {
    %get3A = arith.constant 0 : index
    %get3A_0 = arith.constant 0 : index
    %get3A_1 = vector.load %arg3[%get3A, %get3A_0] : memref<576x768xi32, #tpu.memory_space<vmem>>, vector<576x768xi32>
    %gt3A = vector.broadcast %arg0 : i32 to vector<576x768xi32>
    %gt3A_2 = arith.cmpi sgt, %get3A_1, %gt3A : vector<576x768xi32>
    %broadcast_in_dim3A = vector.shape_cast %gt3A_2 : vector<576x768xi1> to vector<1x576x768xi1>
    %get3A_3 = arith.constant 0 : index
    %get3A_4 = arith.constant 0 : index
    %get3A_5 = arith.constant 0 : index
    %get3A_6 = vector.load %arg1[%get3A_3, %get3A_4, %get3A_5] : memref<1x576x768xf32, #tpu.memory_space<vmem>>, vector<1x576x768xf32>
    %get3A_7 = arith.constant 0 : index
    %get3A_8 = arith.constant 0 : index
    %get3A_9 = arith.constant 0 : index
    %get3A_10 = vector.load %arg2[%get3A_7, %get3A_8, %get3A_9] : memref<1x576x768xf32, #tpu.memory_space<vmem>>, vector<1x576x768xf32>
    %select_n3A = arith.select %broadcast_in_dim3A, %get3A_6, %get3A_10 : vector<1x576x768xi1>, vector<1x576x768xf32>
    %convert_element_type3A = arith.extui %broadcast_in_dim3A : vector<1x576x768xi1> to vector<1x576x768xi32>
    %convert_element_type3A_11 = arith.sitofp %convert_element_type3A : vector<1x576x768xi32> to vector<1x576x768xf32>
    %swap3A = arith.constant 0 : index
    %swap3A_12 = arith.constant 0 : index
    %swap3A_13 = arith.constant 0 : index
    %swap3A_14 = vector.load %arg7[%swap3A, %swap3A_12, %swap3A_13] : memref<1x576x768xf32, #tpu.memory_space<vmem>>, vector<1x576x768xf32>
    tpu.vector_store %arg7[%swap3A, %swap3A_12, %swap3A_13], %convert_element_type3A_11 {strides = array<i32>} : memref<1x576x768xf32, #tpu.memory_space<vmem>>, vector<1x576x768xf32>,
    %reduce_sum3A = arith.constant dense<0.000000e+00> : vector<1x576xf32>
    %reduce_sum3A_15 = vector.multi_reduction <add>, %select_n3A, %reduce_sum3A [2] : vector<1x576x768xf32> to vector<1x576xf32>
    %broadcast_in_dim3A_16 = vector.shape_cast %reduce_sum3A_15 : vector<1x576xf32> to vector<1x576x1xf32>
    %div3A = arith.constant 7.680000e+02 : f32
    %div3A_17 = vector.broadcast %div3A : f32 to vector<1x576x1xf32>
    %div3A_18 = arith.divf %broadcast_in_dim3A_16, %div3A_17 : vector<1x576x1xf32>
    %sub3A = vector.broadcast %div3A_18 : vector<1x576x1xf32> to vector<1x576x768xf32>
    %sub3A_19 = arith.subf %select_n3A, %sub3A : vector<1x576x768xf32>
    %mul3A = arith.mulf %sub3A_19, %sub3A_19 : vector<1x576x768xf32>
    %reduce_sum3A_20 = arith.constant dense<0.000000e+00> : vector<1x576xf32>
    %reduce_sum3A_21 = vector.multi_reduction <add>, %mul3A, %reduce_sum3A_20 [2] : vector<1x576x768xf32> to vector<1x576xf32>
    %broadcast_in_dim3A_22 = vector.shape_cast %reduce_sum3A_21 : vector<1x576xf32> to vector<1x576x1xf32>
    %div3A_23 = arith.constant 7.680000e+02 : f32
    %div3A_24 = vector.broadcast %div3A_23 : f32 to vector<1x576x1xf32>
    %div3A_25 = arith.divf %broadcast_in_dim3A_22, %div3A_24 : vector<1x576x1xf32>
    %add3A = arith.constant 9.99999974E-6 : f32
    %add3A_26 = vector.broadcast %add3A : f32 to vector<1x576x1xf32>
    %add3A_27 = arith.addf %div3A_25, %add3A_26 : vector<1x576x1xf32>
    %sqrt3A = math.sqrt %add3A_27 : vector<1x576x1xf32>
    %div3A_28 = vector.broadcast %sqrt3A : vector<1x576x1xf32> to vector<1x576x768xf32>
    %div3A_29 = arith.divf %sub3A_19, %div3A_28 : vector<1x576x768xf32>
    %get3A_30 = arith.constant 0 : index
    %get3A_31 = arith.constant 0 : index
    %get3A_32 = vector.load %arg4[%get3A_30, %get3A_31] : memref<1x768xf32, #tpu.memory_space<vmem>>, vector<1x768xf32>
    %broadcast_in_dim3A_33 = vector.shape_cast %get3A_32 : vector<1x768xf32> to vector<1x1x768xf32>
    %mul3A_34 = vector.broadcast %broadcast_in_dim3A_33 : vector<1x1x768xf32> to vector<1x576x768xf32>
    %mul3A_35 = arith.mulf %div3A_29, %mul3A_34 : vector<1x576x768xf32>
    %get3A_36 = arith.constant 0 : index
    %get3A_37 = arith.constant 0 : index
    %get3A_38 = vector.load %arg5[%get3A_36, %get3A_37] : memref<1x768xf32, #tpu.memory_space<vmem>>, vector<1x768xf32>
    %broadcast_in_dim3A_39 = vector.shape_cast %get3A_38 : vector<1x768xf32> to vector<1x1x768xf32>
    %add3A_40 = vector.broadcast %broadcast_in_dim3A_39 : vector<1x1x768xf32> to vector<1x576x768xf32>
    %add3A_41 = arith.addf %mul3A_35, %add3A_40 : vector<1x576x768xf32>
    %swap3A_42 = arith.constant 0 : index
    %swap3A_43 = arith.constant 0 : index
    %swap3A_44 = arith.constant 0 : index
    %swap3A_45 = vector.load %arg6[%swap3A_42, %swap3A_43, %swap3A_44] : memref<1x576x768xf32, #tpu.memory_space<vmem>>, vector<1x576x768xf32>
    tpu.vector_store %arg6[%swap3A_42, %swap3A_43, %swap3A_44], %add3A_41 {strides = array<i32>} : memref<1x576x768xf32, #tpu.memory_space<vmem>>, vector<1x576x768xf32>,
    return
  }
  func.func @transform_0(%arg0: i32) -> (i32, i32, i32) {
    %c0_i32 = arith.constant 0 : i32
    %c0_i32_0 = arith.constant 0 : i32
    %c0_i32_1 = arith.constant 0 : i32
    return %arg0, %c0_i32, %c0_i32_0 : i32, i32, i32
  }
  func.func @transform_1(%arg0: i32) -> (i32, i32, i32) {
    %c0_i32 = arith.constant 0 : i32
    %c0_i32_0 = arith.constant 0 : i32
    %c0_i32_1 = arith.constant 0 : i32
    %c0_i32_2 = arith.constant 0 : i32
    return %c0_i32, %c0_i32_0, %c0_i32_1 : i32, i32, i32
  }
  func.func @transform_2(%arg0: i32) -> (i32, i32) {
    %c0_i32 = arith.constant 0 : i32
    %c0_i32_0 = arith.constant 0 : i32
    %c0_i32_1 = arith.constant 0 : i32
    return %c0_i32, %c0_i32_0 : i32, i32
  }
  func.func @transform_3(%arg0: i32) -> (i32, i32) {
    %c0_i32 = arith.constant 0 : i32
    %c0_i32_0 = arith.constant 0 : i32
    %c0_i32_1 = arith.constant 0 : i32
    return %c0_i32, %c0_i32_0 : i32, i32
  }
  func.func @transform_4(%arg0: i32) -> (i32, i32) {
    %c0_i32 = arith.constant 0 : i32
    %c0_i32_0 = arith.constant 0 : i32
    %c0_i32_1 = arith.constant 0 : i32
    return %c0_i32, %c0_i32_0 : i32, i32
  }
  func.func @transform_5(%arg0: i32) -> (i32, i32, i32) {
    %c0_i32 = arith.constant 0 : i32
    %c0_i32_0 = arith.constant 0 : i32
    %c0_i32_1 = arith.constant 0 : i32
    return %arg0, %c0_i32, %c0_i32_0 : i32, i32, i32
  }
  func.func @transform_6(%arg0: i32) -> (i32, i32, i32) {
    %c0_i32 = arith.constant 0 : i32
    %c0_i32_0 = arith.constant 0 : i32
    %c0_i32_1 = arith.constant 0 : i32
    return %arg0, %c0_i32, %c0_i32_0 : i32, i32, i32
  }
}

</mosaic_0001>

<sc_bundles>
// kernel: kernel.5.cloned.1.call-start
scs
__scs_entry_jumppad:
0x0: {  	(pc) =	sbr.rel $0x88, $3  }
0x1: {  	(tag) =	ssettag $0x0;
	lr =	simm.s32 $0x1  }
0x2: {  	[smem:$0x3F9A] =	sst lr;
	_ =	strace $0xD0000000  }
0x3: {  	_ = 	snop  }
0x4: {  	_ = 	snop  }
0x5: {  	_ = 	snop  }
0x6: {  	_ = 	snop  }
0x7: {  	_ = 	snop  }
__scs_overlays_trampoline_lowered:
0x8: {  	[smem:$0x3FA9] =	sst s0  }
0x9: {  	[smem:$0x3FAA] =	sst s1  }
0xa: {  	[smem:$0x3FAB] =	sst s2  }
0xb: {  	[smem:$0x3FAC] =	sst s3  }
0xc: {  	[smem:$0x3FAD] =	sst s4  }
0xd: {  	[smem:$0x3FAE] =	sst s5  }
0xe: {  	[smem:$0x3FAF] =	sst s6  }
0xf: {  	[smem:$0x3FB0] =	sst s7  }
0x10: {  	[smem:$0x3FB1] =	sst s8  }
0x11: {  	[smem:$0x3FB2] =	sst s9;
	s0 =	simm.s32 @!p0 $0x0  }
0x12: {  	s1 =	sld [smem:$0x3F98];
	s0 =	simm.s32 @p0 $0x1  }
0x13: {  	[smem:$0x3FB3] =	sst s0;
	s0 =	simm.s32 @!p1 $0x0  }
0x14: {  	s2 =	sld [smem:$0x3F97];
	s0 =	simm.s32 @p1 $0x1  }
0x15: {  	[smem:$0x3FB4] =	sst s0;
	s0 =	simm.s32 @!p2 $0x0  }
0x16: {  	s3 =	sld [smem:$0x3FDB];
	s0 =	simm.s32 @p2 $0x1  }
0x17: {  	s4 =	simm.s32 $0x1BF5;
	[smem:$0x3FB6] =	sst s0  }
0x18: {  	s0 =	sld [smem:$0x3F99];
	_ =	swait.ge [sflag:s4], $0x0  }
0x19: {  	s7 =	sld [smem:$0x3F9A]  }
0x1a: {  	s8 =	sadd.s32 $0xFFFFE003, lr  }
0x1b: {  	s9 =	sadd.s32 $0xFFFFFEF7, lr;
	s5 =	simm.s32 $0xFFFFFFFF;
	p2 =	slt.u32 s8, $0xFFFFF086  }
0x1c: {  	p1 =	slt.u32 s9, $0xF7A;
	s5 =	simm.s32 @!p2 $0x0  }
0x1d: {  	s5 =	simm.s32 @p1 $0x1;
	p0 =	seq.s32 s7, s2  }
0x1e: {  	s7 =	smul.u32 @!p0 $0xF7A, s2;
	p2 =	seq.s32 @!p0 s5, $0x0  }
0x1f: {  	s9 =	smul.u32 $0xF7A, s1;
	s8 =	simm.s32 @!p0 $0x1BF5;
	p2 =	por !p2, p0  }
0x20: {  	[sflag:s8] =	ssyncset.s32 @!p0 $0xFFFFF086;
	s6 =	sadd.s32 @!p0 s3, s7;
	s7 =	simm.s32 @!p0 $0x108  }
0x21: {  	s3 =	sadd.s32 s3, s9;
	s6 =	sadd.s32 @!p0 $0x88, s6;
	s7 =	simm.s32 @p2 $0x1082  }
0x22: {  	[simem:s7], [sflag:s8] =	dma.local @!p0 [hbm:s6], $0xF7A  }
0x23: {  	s9 =	sor.u32 $0xD0000000, s2;
	s6 =	simm.s32 $0x108;
	_ =	swait.ge @!p0 [sflag:s8], $0x0  }
0x24: {  	s3 =	sadd.s32 $0x88, s3;
	s6 =	simm.s32 @!p1 $0x1082;
	[sflag:s4] =	ssyncset.s32 $0xFFFFF086  }
0x25: {  	[simem:s6], [sflag:s4] =	dma.local [hbm:s3], $0xF7A  }
0x26: {  	[smem:$0x3F9A] =	sst s1;
	(tag) =	ssettag s2;
	_ =	strace s9  }
0x27: {  	s1 =	sld [smem:$0x3FAA]  }
0x28: {  	s2 =	sld [smem:$0x3FAB]  }
0x29: {  	s4 =	sld [smem:$0x3FAD]  }
0x2a: {  	p0 =	seq.s32 s5, $0x0;
	s5 =	sld [smem:$0x3FAE]  }
0x2b: {  	s6 =	sld [smem:$0x3FAF]  }
0x2c: {  	s7 =	sld [smem:$0x3FB0]  }
0x2d: {  	s3 =	simm.s32 $0x108;
	s8 =	sld [smem:$0x3FB1]  }
0x2e: {  	s3 =	simm.s32 @!p0 $0x1082;
	s9 =	sld [smem:$0x3FB2]  }
0x2f: {  	lr =	sadd.s32 s0, s3;
	s0 =	sld [smem:$0x3FA9]  }
0x30: {  	s3 =	sld [smem:$0x3FAC]  }
0x31: {  	[smem:$0x3FB5] =	sst s10  }
0x32: {  	s10 =	sld [smem:$0x3FB3];
	_ =	sdelay $0x3  }
0x33: {  	p0 =	seq.s32 s10, $0x1;
	s10 =	sld [smem:$0x3FB5];
	_ =	sdelay $0x3  }
0x34: {  	[smem:$0x3FB5] =	sst s10  }
0x35: {  	s10 =	sld [smem:$0x3FB4];
	_ =	sdelay $0x3  }
0x36: {  	p1 =	seq.s32 s10, $0x1;
	s10 =	sld [smem:$0x3FB5];
	_ =	sdelay $0x3  }
0x37: {  	[smem:$0x3FB5] =	sst s10  }
0x38: {  	s10 =	sld [smem:$0x3FB6]  }
0x39: {  	_ = 	snop;
	(pc) =	sbr.ind lr, $3  }
0x3a: {  	_ = 	snop  }
0x3b: {  	_ = 	snop  }
0x3c: {  	p2 =	seq.s32 s10, $0x1;
	s10 =	sld [smem:$0x3FB5]  }
0x3d: {  	_ =	shalt  }
0x3e: {  	_ =	shalt  }
0x3f: {  	_ =	shalt  }
0x40: {  	_ =	shalt  }
0x41: {  	_ =	shalt  }
0x42: {  	_ =	shalt  }
0x43: {  	_ =	shalt  }
0x44: {  	_ =	shalt  }
0x45: {  	_ =	shalt  }
0x46: {  	_ =	shalt  }
0x47: {  	_ =	shalt  }
0x48: {  	_ =	shalt  }
0x49: {  	_ =	shalt  }
0x4a: {  	_ =	shalt  }
0x4b: {  	_ =	shalt  }
0x4c: {  	_ =	shalt  }
0x4d: {  	_ =	shalt  }
0x4e: {  	_ =	shalt  }
0x4f: {  	_ =	shalt  }
0x50: {  	_ =	shalt  }
0x51: {  	_ =	shalt  }
0x52: {  	_ =	shalt  }
0x53: {  	_ =	shalt  }
0x54: {  	_ =	shalt  }
0x55: {  	_ =	shalt  }
0x56: {  	_ =	shalt  }
0x57: {  	_ =	shalt  }
0x58: {  	_ =	shalt  }
0x59: {  	_ =	shalt  }
0x5a: {  	_ =	shalt  }
0x5b: {  	_ =	shalt  }
0x5c: {  	_ =	shalt  }
0x5d: {  	_ =	shalt  }
0x5e: {  	_ =	shalt  }
0x5f: {  	_ =	shalt  }
0x60: {  	_ =	shalt  }
0x61: {  	_ =	shalt  }
0x62: {  	_ =	shalt  }
0x63: {  	_ =	shalt  }
0x64: {  	_ =	shalt  }
0x65: {  	_ =	shalt  }
0x66: {  	_ =	shalt  }
0x67: {  	_ =	shalt  }
0x68: {  	_ =	shalt  }
0x69: {  	_ =	shalt  }
0x6a: {  	_ =	shalt  }
0x6b: {  	_ =	shalt  }
0x6c: {  	_ =	shalt  }
0x6d: {  	_ =	shalt  }
0x6e: {  	_ =	shalt  }
0x6f: {  	_ =	shalt  }
0x70: {  	_ =	shalt  }
0x71: {  	_ =	shalt  }
0x72: {  	_ =	shalt  }
0x73: {  	_ =	shalt  }
0x74: {  	_ =	shalt  }
0x75: {  	_ =	shalt  }
0x76: {  	_ =	shalt  }
0x77: {  	_ =	shalt  }
0x78: {  	_ =	shalt  }
0x79: {  	_ =	shalt  }
0x7a: {  	_ =	shalt  }
0x7b: {  	_ =	shalt  }
0x7c: {  	_ =	shalt  }
0x7d: {  	_ =	shalt  }
0x7e: {  	_ =	shalt  }
0x7f: {  	_ =	shalt  }
0x80: {  	_ =	shalt  }
0x81: {  	_ =	shalt  }
0x82: {  	_ =	shalt  }
0x83: {  	_ =	shalt  }
0x84: {  	_ =	shalt  }
0x85: {  	_ =	shalt  }
0x86: {  	_ =	shalt  }
0x87: {  	_ =	shalt  }
.Lfunc_end0:
.L_simem_size_0:
called_computation_lowered:
.L_overlay_start_0:
0x88: {  	s2 =	sld [smem:$0x3FD9]  }
0x89: {  	s3 =	sld [smem:$0x3FFE];
	_ =	sdelay $0x1  }
0x8a: {  	s1 =	srdreg.scid  }
0x8b: {  	s0 =	sand.u32 $0x1, s1  }
0x8c: {  	s15 =	sshll.u32 s0, $0xA;
	s2 =	sadd.s32 s3, s2  }
0x8d: {  	s2 =	sadd.s32 s2, s15  }
0x8e: {  	[smem:$0x3FC1] =	sst s2  }
0x8f: {  	_ = 	snop  }
0x90: {  	s2 =	sld [smem:$0x3FD0];
	_ =	sdelay $0x2  }
0x91: {  	s16 =	simm.s32 $0xA;
	s4 =	simm.s32 $0x10  }
0x92: {  	[smem:s4], [sflag:s16] =	dma.local [hbm:s2], $0x1  }
0x93: {  	_ =	swait.eq [sflag:s16], $0x1  }
0x94: {  	[sflag:s16] =	ssyncset.done $0x0  }
0x95: {  	s17 =	sld [smem:$0x10];
	[sflag:s16] =	ssyncadd.s32 $0xFFFFFFFF  }
0x96: {  	s18 =	sld [smem:$0x11];
	(tm) =	ssettm $0x1  }
0x97: {  	s19 =	sld [smem:$0x3FFB];
	_ =	sdelay $0x3  }
0x98: {  	_ =	strace s19  }
0x99: {  	s4 =	sld [smem:$0x3FFC];
	_ =	sdelay $0x3  }
0x9a: {  	_ =	strace s4  }
0x9b: {  	s4 =	sld [smem:$0x3FFD];
	_ =	sdelay $0x3  }
0x9c: {  	_ =	strace s4  }
0x9d: {  	_ =	strace $0x8FFFFFFF  }
0x9e: {  	s20 =	sld [smem:$0x3FDB];
	_ =	sdelay $0x1  }
0x9f: {  	s5 =	simm.s32 $_scs_section_size  }
0xa0: {  	s6 =	simm.s32 $_size__tile_overlayer_lowered;
	s7 =	simm.s32 $_tile_overlayer_lowered  }
0xa1: {  	s23 =	simm.s32 $0x1BFF;
	s22 =	sshll.u32 s7, $0x1;
	s4 =	sadd.s32 s5, s20  }
0xa2: {  	s8 =	simm.s32 $0x0;
	s21 =	sshll.u32 s6, $0x1;
	s6 =	sadd.s32 s22, s4  }
0xa3: {  	[timem:s8], [sflag:s23] =	dma.local [hbm:s6], s21  }
0xa4: {  	_ =	swait.ge [sflag:s23], s21  }
0xa5: {  	s5 =	ssub.s32 $0x0, s21;
	[sflag:s23] =	ssyncset.done $0x0  }
0xa6: {  	[sflag:s23] =	ssyncadd.s32 s5;
	_ =	sdelay $0x1  }
0xa7: {  	s24 =	simm.s32 $0x1B8B  }
0xa8: {  	_ =	swait.ge [sflag:s24], $0x1  }
0xa9: {  	[sflag:s24] =	ssyncset.done $0x0  }
0xaa: {  	s25 =	simm.s32 $0x1B8E;
	[sflag:s24] =	ssyncadd.s32 $0xFFFFFFFF  }
0xab: {  	s26 =	simm.s32 $execute0_lowered;
	[smem:$0x3FD2] =	sst s25  }
0xac: {  	s5 =	sshll.u32 s26, $0x1;
	_ =	strace $0x80000046;
	[dreg:$0x1] =	wrdreg $0xFFFFFFFF  }
0xad: {  	s28 =	simm.s32 $_size_execute0_lowered;
	s4 =	sadd.s32 s4, s5;
	[dreg:$0x0] =	wrdreg $0x0  }
0xae: {  	s5 =	sshll.u32 s28, $0x1;
	[dreg:$0x2] =	wrdreg s4  }
0xaf: {  	[dreg:$0x3] =	wrdreg s5  }
0xb0: {  	[dreg:$0x4] =	wrdreg $0xC0  }
0xb1: {  	_ =	task [dreg:s8], $0x5FFFF  }
0xb2: {  	[dreg:$0x1] =	wrdreg $0xFFFFFFFF  }
0xb3: {  	[dreg:$0x0] =	wrdreg $0x60  }
0xb4: {  	[dreg:$0x2] =	wrdreg s18  }
0xb5: {  	[dreg:$0x3] =	wrdreg s17  }
0xb6: {  	[dreg:$0x4] =	wrdreg $0x178800  }
0xb7: {  	[dreg:$0x5] =	wrdreg $0x170800  }
0xb8: {  	[dreg:$0x6] =	wrdreg $0x9  }
0xb9: {  	_ =	task.clear_ibuf [dreg:s8], $0x7FFFF;
	_ =	strace $0x90000046  }
0xba: {  	s29 =	simm.s32 $0x9;
	_ =	strace $0x80000048  }
0xbb: {  	_ =	swait.ge [sflag:s29], $0x1  }
0xbc: {  	[sflag:s29] =	ssyncadd.s32 $0xFFFFFFFF  }
0xbd: {  	_ =	strace $0x90000048  }
0xbe: {  	_ =	sfence  }
0xbf: {  	s30 =	sld [smem:$0x0];
	_ =	sdelay $0x2  }
0xc0: {  	s31 =	sshll.u32 s1, $0xD;
	s1 =	sshrl.u32 s1, $0x2  }
0xc1: {  	s3 =	sand.u32 $0x4000, s31;
	s1 =	sadd.s32 s1, s30  }
0xc2: {  	s0 =	sor.u32 s3, s0;
	s1 =	sshll.u32 s1, $0x11  }
0xc3: {  	s0 =	sor.u32 s1, s0  }
0xc4: {  	s0 =	sadd.s32 $0x8F2B, s0  }
0xc5: {  	[sflag:s0] =	ssyncadd.remote.s32 $0x1  }
0xc6: {  	_ =	sfence.sel $0xFFFF  }
0xc7: {  	[dreg:$0x0] =	wrdreg $0xFFFFFFFF;
	(pc) =	sbr.abs _section_cstart, $3  }
0xc8: {  	[dreg:$0x1] =	wrdreg $0xFFFFFFFF  }
0xc9: {  	_ =	task.clear_ibuf [dreg:s8], $0x2FFFF;
	_ =	strace $0x9FFFFFFF  }
0xca: {  	(tm) =	ssettm $0x7FFFFFFF  }
0xcb: {  	_ =	shalt  }
tec
execute0_lowered:
.L_overlay_start_1:
0x0: {  	(tag) =	ssettag $0x1  }
0x1: {  	s0 =	rddreg [dreg:$0x0]  }
0x2: {  	s1 =	rddreg [dreg:$0x1];
	s15 =	stileid.u32  }
0x3: {  	s4 =	rddreg [dreg:$0x2];
	s8 =	smul.u32 $0xD80, s15  }
0x4: {  	s2 =	rddreg [dreg:$0x3];
	s5 =	simm.s32 $0x0  }
0x5: {  	[smem:$0x7FF] =	sst s5;
	p0 =	seq.s32 s15, $0xF;
	s0 =	sadd.s32 s0, s8  }
0x6: {  	_ =	strace $0x80000047;
	[dreg:$0x5] =	wrdreg s0;
	s0 =	simm.s32 @!p0 $0x0  }
0x7: {  	s0 =	simm.s32 @p0 $0x1;
	p0 =	sgt.u32 s15, $0xD  }
0x8: {  	[smem:$0x7F0] =	sst s0;
	s0 =	simm.s32 @!p0 $0x0  }
0x9: {  	s0 =	simm.s32 @p0 $0x1;
	p0 =	sgt.u32 s15, $0xC  }
0xa: {  	[smem:$0x7F1] =	sst s0;
	s0 =	simm.s32 @!p0 $0x0  }
0xb: {  	s0 =	simm.s32 @p0 $0x1;
	p0 =	sgt.u32 s15, $0xB  }
0xc: {  	[smem:$0x7F2] =	sst s0;
	s0 =	simm.s32 @!p0 $0x0  }
0xd: {  	s0 =	simm.s32 @p0 $0x1;
	p0 =	sgt.u32 s15, $0xA  }
0xe: {  	[smem:$0x7F3] =	sst s0;
	s0 =	simm.s32 @!p0 $0x0  }
0xf: {  	s3 =	srdreg.scid;
	s0 =	simm.s32 @p0 $0x1;
	p0 =	sgt.u32 s15, $0x9  }
0x10: {  	s11 =	simm.s32 $0x6C00;
	[smem:$0x7F4] =	sst s0;
	s0 =	simm.s32 @!p0 $0x0  }
0x11: {  	s12 =	simm.s32 $0x80;
	s0 =	simm.s32 @p0 $0x1;
	p0 =	sgt.u32 s15, $0x8  }
0x12: {  	s13 =	simm.s32 $0x400;
	[smem:$0x7F5] =	sst s0;
	s0 =	simm.s32 @!p0 $0x0  }
0x13: {  	s14 =	simm.s32 $0x7C00;
	s0 =	simm.s32 @p0 $0x1;
	p0 =	sgt.u32 s15, $0x7  }
0x14: {  	s17 =	simm.s32 $0x0;
	[smem:$0x7F6] =	sst s0;
	s0 =	simm.s32 @!p0 $0x0  }
0x15: {  	s3 =	sand.u32 $0x1, s3;
	s0 =	simm.s32 @p0 $0x1;
	p0 =	sgt.u32 s15, $0x6  }
0x16: {  	s6 =	sshll.u32 s15, $0xB;
	[smem:$0x7F7] =	sst s0;
	s0 =	simm.s32 @!p0 $0x0  }
0x17: {  	s7 =	sshll.u32 s15, $0x7;
	s0 =	simm.s32 @p0 $0x1;
	p0 =	sgt.u32 s15, $0x5  }
0x18: {  	p2 =	seq.s32 s15, $0x0;
	[smem:$0x7F8] =	sst s0;
	s0 =	simm.s32 @!p0 $0x0  }
0x19: {  	s31 =	ssub.s32 $0x2, s3;
	s0 =	simm.s32 @p0 $0x1;
	p0 =	sgt.u32 s15, $0x4  }
0x1a: {  	s6 =	sand.u32 $0x4000, s6;
	[smem:$0x7F9] =	sst s0;
	s0 =	simm.s32 @!p0 $0x0  }
0x1b: {  	s10 =	sand.u32 $0x380, s7;
	s0 =	simm.s32 @p0 $0x1;
	p0 =	sgt.u32 s15, $0x3  }
0x1c: {  	s7 =	sadd.s32 s7, s4;
	[smem:$0x7FA] =	sst s0;
	s0 =	simm.s32 @!p0 $0x0  }
0x1d: {  	p6 =	sne.s32 s3, $0x0;
	s0 =	simm.s32 @p0 $0x1;
	p0 =	sgt.u32 s15, $0x2  }
0x1e: {  	s9 =	sshrl.u32 s31, $0x1;
	[smem:$0x7FB] =	sst s0;
	s0 =	simm.s32 @!p0 $0x0  }
0x1f: {  	v0 =	vlaneseq.u32;
	s6 =	sadd.s32 s6, s2;
	s0 =	simm.s32 @p0 $0x1;
	p0 =	sgt.u32 s15, $0x1  }
0x20: {  	vm0 =	vmmov $0x1;
	v4 =	vimm.s32 $0x0;
	v3 =	vmul.u32 $0xFFFFFFFF, v0;
	s8 =	sadd.s32 s1, s8;
	[smem:$0x7FC] =	sst s0;
	s0 =	simm.s32 @!p0 $0x0  }
0x21: {  	v4 =	vsel vm0, $0xFFFFFFFF, v4;
	s9 =	ssub.s32 s31, s9;
	s6 =	sadd.s32 s10, s6;
	s0 =	simm.s32 @p0 $0x1  }
0x22: {  	v1 =	vimm.s32 $0x0;
	v2 =	vimm.s32 $0x1;
	[tilespmem:$0x1FFF0] =	vst v4;
	v3 =	vadd.s32 $0xF, v3;
	s10 =	simm.s32 $0x1;
	s9 =	smax.u32 s9, $0x1;
	[smem:$0x7FD] =	sst s0  }
.LBB2_1:
0x23: {  	s0 =	simm.s32 $0x0;
	s1 =	rddreg [dreg:$0x5]  }
0x24: {  	[tilespmem:s0], [sflag:$0x1] =	stream.linear.gather [hbm4b:s1+s0], $0x6C00, $0x38;
	[tilespmem:$0x17890] =	vst v63  }
0x25: {  	_ =	swait.ge [sflag:s10], $0x6C00  }
0x26: {  	[sflag:s10] =	ssyncset.done $0x0  }
0x27: {  	s1 =	simm.s32 $0x6C40;
	[sflag:s10] =	ssyncadd.s32 $0xFFFF9400  }
0x28: {  	[tilespmem:s1+$0xFFFFFFC0] =	vst v1  }
0x29: {  	[tilespmem:s1+$0x30] =	vst v1  }
0x2a: {  	[tilespmem:s1+$0x20] =	vst v1  }
0x2b: {  	[tilespmem:s1+$0x10] =	vst v1  }
0x2c: {  	[tilespmem:s1+$0x0] =	vst v1  }
0x2d: {  	[tilespmem:s1+$0xFFFFFFF0] =	vst v1  }
0x2e: {  	s3 =	simm.s32 $0x0;
	[tilespmem:s1+$0xFFFFFFE0] =	vst v1  }
.LBB2_2:
0x2f: {  	s3 =	sadd.s32 $0x8, s3;
	[tilespmem:s1+$0xFFFFFFD0] =	vst v1;
	s1 =	sadd.s32 $0x80, s1;
	s0 =	simm.s32 $0x40  }
0x30: {  	[tilespmem:s1+$0xFFFFFFC0] =	vst v1;
	p3 =	slt.u32 s3, $0x78  }
0x31: {  	[tilespmem:s1+$0x30] =	vst v1  }
.Ltmp0:
0x32: {  	[tilespmem:s1+$0x20] =	vst v1;
	(pc) =	sbr.rel @p3 .LBB2_2-.Ltmp0, $4  }
0x33: {  	[tilespmem:s1+$0x10] =	vst v1  }
0x34: {  	[tilespmem:s1+$0x0] =	vst v1  }
0x35: {  	[tilespmem:s1+$0xFFFFFFF0] =	vst v1  }
0x36: {  	[tilespmem:s1+$0xFFFFFFE0] =	vst v1  }
0x37: {  	[tilespmem:s1+$0xFFFFFFD0] =	vst v1  }
0x38: {  	v4 =	vld [tilespmem:s0+$0x30]  }
0x39: {  	v5 =	vld [tilespmem:s0+$0xFFFFFFD0]  }
0x3a: {  	v6 =	vld [tilespmem:s0+$0xFFFFFFE0]  }
0x3b: {  	v7 =	vld [tilespmem:s0+$0xFFFFFFF0]  }
0x3c: {  	v8 =	vld [tilespmem:s0+$0x0]  }
0x3d: {  	v4 =	vshrl.u32 v4, $0x14  }
0x3e: {  	v5 =	vshrl.u32 v5, $0x14;
	v4 =	vand.u32 $0x7FF, v4  }
0x3f: {  	v9 =	vld [tilespmem:s0+$0x10];
	v6 =	vshrl.u32 v6, $0x14;
	v5 =	vand.u32 $0x7FF, v5  }
0x40: {  	v10 =	vld [tilespmem:s0+$0x20];
	v7 =	vshrl.u32 v7, $0x14;
	v6 =	vand.u32 $0x7FF, v6  }
0x41: {  	v11 =	vld [tilespmem:s0+$0xFFFFFFC0];
	v8 =	vshrl.u32 v8, $0x14;
	v7 =	vand.u32 $0x7FF, v7  }
0x42: {  	v8 =	vand.u32 $0x7FF, v8  }
0x43: {  	[tilespmem:v4+s11+$0x0] =	vst.idx.add.s32.msk $0xffff, v2  }
0x44: {  	[tilespmem:v5+s11+$0x0] =	vst.idx.add.s32.msk $0xffff, v2  }
0x45: {  	[tilespmem:v6+s11+$0x0] =	vst.idx.add.s32.msk $0xffff, v2  }
0x46: {  	v4 =	vshrl.u32 v9, $0x14;
	v5 =	vshrl.u32 v10, $0x14;
	v6 =	vshrl.u32 v11, $0x14;
	[tilespmem:v7+s11+$0x0] =	vst.idx.add.s32.msk $0xffff, v2  }
0x47: {  	s1 =	simm.s32 $0xC0;
	s0 =	simm.s32 $0x0;
	[tilespmem:v8+s11+$0x0] =	vst.idx.add.s32.msk $0xffff, v2;
	v4 =	vand.u32 $0x7FF, v4;
	v5 =	vand.u32 $0x7FF, v5;
	v6 =	vand.u32 $0x7FF, v6  }
.LBB2_4:
0x48: {  	v7 =	vld [tilespmem:s1+$0x30];
	s0 =	sadd.s32 $0x8, s0  }
0x49: {  	v8 =	vld [tilespmem:s1+$0xFFFFFFD0];
	p3 =	slt.u32 s0, $0x6B8  }
0x4a: {  	v9 =	vld [tilespmem:s1+$0xFFFFFFE0]  }
0x4b: {  	v10 =	vld [tilespmem:s1+$0xFFFFFFF0]  }
0x4c: {  	v11 =	vld [tilespmem:s1+$0x0]  }
0x4d: {  	v12 =	vld [tilespmem:s1+$0x10];
	v7 =	vshrl.u32 v7, $0x14  }
0x4e: {  	v8 =	vshrl.u32 v8, $0x14;
	v13 =	vld [tilespmem:s1+$0x20];
	v7 =	vand.u32 $0x7FF, v7  }
0x4f: {  	v14 =	vld [tilespmem:s1+$0xFFFFFFC0];
	v8 =	vand.u32 $0x7FF, v8;
	v9 =	vshrl.u32 v9, $0x14  }
0x50: {  	v9 =	vand.u32 $0x7FF, v9;
	v10 =	vshrl.u32 v10, $0x14;
	[tilespmem:v6+s11+$0x0] =	vst.idx.add.s32.msk $0xffff, v2  }
0x51: {  	v10 =	vand.u32 $0x7FF, v10;
	v6 =	vshrl.u32 v11, $0x14;
	[tilespmem:v4+s11+$0x0] =	vst.idx.add.s32.msk $0xffff, v2  }
0x52: {  	v11 =	vand.u32 $0x7FF, v6;
	v4 =	vshrl.u32 v12, $0x14;
	[tilespmem:v5+s11+$0x0] =	vst.idx.add.s32.msk $0xffff, v2  }
.Ltmp1:
0x53: {  	v4 =	vand.u32 $0x7FF, v4;
	v5 =	vshrl.u32 v13, $0x14;
	[tilespmem:v7+s11+$0x0] =	vst.idx.add.s32.msk $0xffff, v2;
	(pc) =	sbr.rel @p3 .LBB2_4-.Ltmp1, $4  }
0x54: {  	v6 =	vshrl.u32 v14, $0x14;
	[tilespmem:v8+s11+$0x0] =	vst.idx.add.s32.msk $0xffff, v2;
	v5 =	vand.u32 $0x7FF, v5  }
0x55: {  	v6 =	vand.u32 $0x7FF, v6;
	[tilespmem:v9+s11+$0x0] =	vst.idx.add.s32.msk $0xffff, v2  }
0x56: {  	[tilespmem:v10+s11+$0x0] =	vst.idx.add.s32.msk $0xffff, v2  }
0x57: {  	s1 =	sadd.s32 $0x80, s1;
	[tilespmem:v11+s11+$0x0] =	vst.idx.add.s32.msk $0xffff, v2  }
0x58: {  	_ =	sdelay $0x3  }
0x59: {  	[tilespmem:v6+s11+$0x0] =	vst.idx.add.s32.msk $0xffff, v2  }
0x5a: {  	[tilespmem:v4+s11+$0x0] =	vst.idx.add.s32.msk $0xffff, v2  }
0x5b: {  	[tilespmem:v5+s11+$0x0] =	vst.idx.add.s32.msk $0xffff, v2  }
0x5c: {  	[spmem:s6] =	stream.strided.scatter [tilespmem:s11], [sflag:$0x1], $0x800, s13, s12, $0x38;
	[tilespmem:$0x17890] =	vst v63  }
0x5d: {  	_ =	swait.ge [sflag:s10], $0x800  }
0x5e: {  	[sflag:s10] =	ssyncset.done $0x0  }
0x5f: {  	[sflag:s10] =	ssyncadd.s32 $0xFFFFF800  }
0x60: {  	s19 =	simm.s32 $0x0;
	[bflag:$0x0] =	sbarrier.arrive $0xFFFF  }
0x61: {  	[tilespmem:s14], [sflag:$0x1] =	stream.linear.gather [spmem:s2], $0x8000, $0x38;
	[tilespmem:$0x17890] =	vst v63  }
0x62: {  	s0 =	sand.u32 $0x60, s19;
	s1 =	sand.u32 $0x3C00, s19;
	_ =	swait.ge [sflag:s10], $0x8000  }
0x63: {  	s3 =	sadd.s32 $0x7C00, s1;
	s20 =	sor.u32 $0x10, s0;
	[sflag:s10] =	ssyncset.done $0x0  }
0x64: {  	s15 =	sor.u32 s20, s3;
	[sflag:s10] =	ssyncadd.s32 $0xFFFF8000  }
0x65: {  	v4 =	vld [tilespmem:s15+$0x0]  }
0x66: {  	v5 =	vld [tilespmem:s15+$0x80]  }
0x67: {  	v6 =	vld [tilespmem:s15+$0x100]  }
0x68: {  	v7 =	vld [tilespmem:s15+$0x180]  }
0x69: {  	v8 =	vld [tilespmem:s15+$0x200]  }
0x6a: {  	v9 =	vld [tilespmem:s15+$0x280]  }
0x6b: {  	s16 =	sadd.s32 $0xBC00, s1;
	v10 =	vld [tilespmem:s15+$0x300]  }
0x6c: {  	s18 =	sadd.s32 $0xBC80, s1;
	s24 =	sor.u32 s20, s16;
	v11 =	vld [tilespmem:s15+$0x380]  }
0x6d: {  	s21 =	sadd.s32 $0xBD00, s1;
	s25 =	sor.u32 s20, s18;
	v12 =	vld [tilespmem:s24+$0x0]  }
0x6e: {  	s22 =	sadd.s32 $0xBD80, s1;
	s26 =	sor.u32 s20, s21;
	v13 =	vld [tilespmem:s25+$0x0]  }
0x6f: {  	s23 =	sadd.s32 $0xBE00, s1;
	s29 =	sor.u32 s20, s22;
	v14 =	vld [tilespmem:s26+$0x0]  }
0x70: {  	s30 =	sor.u32 s20, s23;
	v15 =	vld [tilespmem:s29+$0x0]  }
0x71: {  	s3 =	sor.u32 s0, s3;
	v16 =	vld [tilespmem:s30+$0x0]  }
0x72: {  	v20 =	vld [tilespmem:s3+$0x0]  }
0x73: {  	v21 =	vld [tilespmem:s3+$0x80]  }
0x74: {  	v22 =	vld [tilespmem:s3+$0x100]  }
0x75: {  	v23 =	vld [tilespmem:s3+$0x180]  }
0x76: {  	v24 =	vld [tilespmem:s3+$0x200]  }
0x77: {  	v25 =	vld [tilespmem:s3+$0x280]  }
0x78: {  	v26 =	vld [tilespmem:s3+$0x300]  }
0x79: {  	s16 =	sor.u32 s0, s16;
	v27 =	vld [tilespmem:s3+$0x380]  }
0x7a: {  	s18 =	sor.u32 s0, s18;
	v28 =	vld [tilespmem:s16+$0x0]  }
0x7b: {  	s26 =	sor.u32 s0, s21;
	v29 =	vld [tilespmem:s18+$0x0]  }
0x7c: {  	s29 =	sor.u32 s0, s22;
	v30 =	vld [tilespmem:s26+$0x0]  }
0x7d: {  	s24 =	sadd.s32 $0xBE80, s1;
	s30 =	sor.u32 s0, s23;
	v31 =	vld [tilespmem:s29+$0x0]  }
0x7e: {  	s25 =	sadd.s32 $0xBF00, s1;
	s31 =	sor.u32 s20, s24;
	v32 =	vld [tilespmem:s30+$0x0]  }
0x7f: {  	s1 =	sadd.s32 $0xBF80, s1;
	s4 =	sor.u32 s20, s25;
	v17 =	vld [tilespmem:s31+$0x0]  }
0x80: {  	s5 =	sor.u32 s20, s1;
	v18 =	vld [tilespmem:s4+$0x0]  }
0x81: {  	s22 =	simm.s32 $0x20;
	v19 =	vld [tilespmem:s5+$0x0];
	s31 =	sor.u32 s0, s24;
	s4 =	simm.s32 $0x100  }
0x82: {  	s21 =	sand.u32 $0x60, s22;
	s5 =	sor.u32 s0, s25;
	s15 =	sand.u32 $0x3C00, s4;
	v33 =	vld [tilespmem:s31+$0x0]  }
0x83: {  	s0 =	sor.u32 s0, s1;
	s23 =	sor.u32 $0x10, s21;
	v34 =	vld [tilespmem:s5+$0x0];
	s1 =	sadd.s32 $0x7C00, s15  }
0x84: {  	v35 =	vld [tilespmem:s0+$0x0];
	s18 =	sor.u32 s23, s1  }
0x85: {  	v36 =	vld [tilespmem:s18+$0x0]  }
0x86: {  	v37 =	vld [tilespmem:s18+$0x80]  }
0x87: {  	v38 =	vld [tilespmem:s18+$0x100]  }
0x88: {  	v39 =	vld [tilespmem:s18+$0x180]  }
0x89: {  	v40 =	vld [tilespmem:s18+$0x200]  }
0x8a: {  	v41 =	vld [tilespmem:s18+$0x280]  }
0x8b: {  	s3 =	sadd.s32 $0xBC00, s15;
	v42 =	vld [tilespmem:s18+$0x300]  }
0x8c: {  	s28 =	sadd.s32 $0xBE00, s15;
	v4 =	vadd.s32 v4, v5;
	s24 =	sor.u32 s23, s3;
	v5 =	vld [tilespmem:s18+$0x380]  }
0x8d: {  	s4 =	sor.u32 s23, s28;
	v4 =	vadd.s32 v6, v4;
	v6 =	vld [tilespmem:s24+$0x0]  }
0x8e: {  	s1 =	sor.u32 s21, s1;
	v54 =	vld [tilespmem:s4+$0x0];
	v4 =	vadd.s32 v7, v4  }
0x8f: {  	v58 =	vld [tilespmem:s1+$0x0];
	v4 =	vadd.s32 v8, v4  }
0x90: {  	s29 =	sadd.s32 $0xBC80, s15;
	v59 =	vld [tilespmem:s1+$0x80];
	v4 =	vadd.s32 v9, v4  }
0x91: {  	s0 =	sadd.s32 $0xBF80, s15;
	s25 =	sor.u32 s23, s29;
	v60 =	vld [tilespmem:s1+$0x100];
	v4 =	vadd.s32 v10, v4;
	v10 =	vadd.s32 v20, v21  }
0x92: {  	s26 =	sadd.s32 $0xBD00, s15;
	s18 =	sor.u32 s23, s0;
	v7 =	vld [tilespmem:s25+$0x0];
	v4 =	vadd.s32 v11, v4;
	v10 =	vadd.s32 v22, v10;
	v11 =	vadd.s32 v36, v37  }
0x93: {  	s30 =	sor.u32 s23, s26;
	s24 =	sadd.s32 $0xBD80, s15;
	v57 =	vld [tilespmem:s18+$0x0];
	v4 =	vadd.s32 v12, v4;
	v10 =	vadd.s32 v23, v10;
	v11 =	vadd.s32 v38, v11  }
0x94: {  	s31 =	sor.u32 s23, s24;
	s25 =	sadd.s32 $0xBE80, s15;
	v8 =	vld [tilespmem:s30+$0x0];
	v4 =	vadd.s32 v13, v4;
	v10 =	vadd.s32 v24, v10;
	v11 =	vadd.s32 v39, v11  }
0x95: {  	s30 =	sadd.s32 $0xBF00, s15;
	s5 =	sor.u32 s23, s25;
	v9 =	vld [tilespmem:s31+$0x0];
	v4 =	vadd.s32 v14, v4;
	v10 =	vadd.s32 v25, v10;
	v11 =	vadd.s32 v40, v11  }
0x96: {  	v55 =	vld [tilespmem:s5+$0x0];
	s16 =	sor.u32 s23, s30;
	v4 =	vadd.s32 v15, v4;
	v10 =	vadd.s32 v26, v10;
	v11 =	vadd.s32 v41, v11  }
0x97: {  	v56 =	vld [tilespmem:s16+$0x0];
	v4 =	vadd.s32 v16, v4;
	v10 =	vadd.s32 v27, v10;
	v11 =	vadd.s32 v42, v11  }
0x98: {  	v4 =	vadd.s32 v17, v4;
	v10 =	vadd.s32 v28, v10;
	v5 =	vadd.s32 v5, v11;
	v11 =	vld [tilespmem:s1+$0x180]  }
0x99: {  	v4 =	vadd.s32 v18, v4;
	v10 =	vadd.s32 v29, v10;
	v5 =	vadd.s32 v6, v5;
	v6 =	vld [tilespmem:s1+$0x200]  }
0x9a: {  	v61 =	vadd.s32 v19, v4;
	v4 =	vadd.s32 v30, v10;
	v5 =	vadd.s32 v7, v5;
	v7 =	vld [tilespmem:s1+$0x280]  }
0x9b: {  	v10 =	vld [tilespmem:s1+$0x300];
	v4 =	vadd.s32 v31, v4;
	v5 =	vadd.s32 v8, v5;
	v8 =	vadd.s32 v58, v59  }
0x9c: {  	s3 =	sor.u32 s21, s3;
	v4 =	vadd.s32 v32, v4;
	v5 =	vadd.s32 v9, v5;
	v8 =	vadd.s32 v60, v8;
	v9 =	vld [tilespmem:s1+$0x380]  }
0x9d: {  	s4 =	sor.u32 s21, s29;
	s29 =	sand.u32 $0x780, s22;
	s31 =	sand.u32 $0x780, s19;
	v62 =	vadd.s32 v33, v4;
	v5 =	vadd.s32 v54, v5;
	v8 =	vadd.s32 v11, v8;
	v4 =	vld [tilespmem:s3+$0x0]  }
0x9e: {  	s18 =	simm.s32 $0x7400;
	s5 =	sor.u32 s21, s26;
	s1 =	sor.u32 s20, s31;
	v11 =	vadd.s32 v34, v62;
	v63 =	vadd.s32 v55, v5;
	v6 =	vadd.s32 v6, v8;
	v5 =	vld [tilespmem:s4+$0x0]  }
0x9f: {  	s15 =	sor.u32 s21, s24;
	s19 =	simm.s32 $0x2;
	s26 =	sor.u32 s21, s25;
	[tilespmem:s1+$0x7400] =	vst v61;
	v8 =	vadd.s32 v35, v11;
	v11 =	vadd.s32 v56, v63;
	v7 =	vadd.s32 v7, v6;
	v6 =	vld [tilespmem:s5+$0x0]  }
0xa0: {  	s24 =	sor.u32 s21, s30;
	s20 =	sor.u32 s21, s28;
	s31 =	sor.u32 s23, s29;
	[tilespmem:s18+$0x0] =	vst v8;
	v8 =	vadd.s32 v57, v11;
	v10 =	vadd.s32 v10, v7;
	v7 =	vld [tilespmem:s15+$0x0]  }
0xa1: {  	s28 =	sor.u32 s21, s0;
	s21 =	simm.s32 $0x40;
	[tilespmem:s31+$0x7400] =	vst v8;
	v9 =	vadd.s32 v9, v10;
	v8 =	vld [tilespmem:s20+$0x0];
	s20 =	simm.s32 $0x200  }
.LBB2_6:
0xa2: {  	s25 =	sand.u32 $0x60, s21;
	s0 =	sand.u32 $0x3C00, s20;
	v4 =	vadd.s32 v4, v9;
	v9 =	vld [tilespmem:s26+$0x0]  }
0xa3: {  	s19 =	sadd.s32 $0x2, s19;
	s1 =	sadd.s32 $0x7C00, s0;
	s23 =	sor.u32 $0x10, s25;
	v4 =	vadd.s32 v5, v4;
	v5 =	vld [tilespmem:s24+$0x0]  }
0xa4: {  	p3 =	slt.u32 s19, $0x7E;
	s22 =	sor.u32 s25, s1;
	s1 =	sor.u32 s23, s1;
	v4 =	vadd.s32 v6, v4;
	v6 =	vld [tilespmem:s28+$0x0]  }
0xa5: {  	v10 =	vld [tilespmem:s1+$0x0];
	v4 =	vadd.s32 v7, v4  }
0xa6: {  	v7 =	vld [tilespmem:s1+$0x80];
	v4 =	vadd.s32 v8, v4  }
0xa7: {  	v8 =	vld [tilespmem:s1+$0x100];
	v4 =	vadd.s32 v9, v4  }
0xa8: {  	v9 =	vld [tilespmem:s1+$0x180];
	v4 =	vadd.s32 v5, v4  }
0xa9: {  	s18 =	sadd.s32 $0x20, s18;
	v5 =	vld [tilespmem:s1+$0x200];
	v4 =	vadd.s32 v6, v4  }
0xaa: {  	v6 =	vld [tilespmem:s1+$0x280];
	[tilespmem:s18+$0x0] =	vst v4  }
0xab: {  	s3 =	sadd.s32 $0xBC00, s0;
	v4 =	vadd.s32 v10, v7;
	v7 =	vld [tilespmem:s1+$0x300]  }
0xac: {  	s15 =	sadd.s32 $0xBC80, s0;
	s29 =	sor.u32 s25, s3;
	v4 =	vadd.s32 v8, v4;
	v8 =	vld [tilespmem:s1+$0x380];
	s1 =	sor.u32 s23, s3  }
0xad: {  	s16 =	sadd.s32 $0xBD00, s0;
	s3 =	sor.u32 s25, s15;
	v4 =	vadd.s32 v9, v4;
	v9 =	vld [tilespmem:s1+$0x0];
	s1 =	sor.u32 s23, s15  }
0xae: {  	s24 =	sadd.s32 $0xBD80, s0;
	s30 =	sor.u32 s25, s16;
	v4 =	vadd.s32 v5, v4;
	v5 =	vld [tilespmem:s1+$0x0];
	s1 =	sor.u32 s23, s16  }
0xaf: {  	s26 =	sadd.s32 $0xBE00, s0;
	s15 =	sor.u32 s25, s24;
	v4 =	vadd.s32 v6, v4;
	v6 =	vld [tilespmem:s1+$0x0];
	s1 =	sor.u32 s23, s24  }
0xb0: {  	s16 =	sor.u32 s25, s26;
	s24 =	sadd.s32 $0xBE80, s0;
	v4 =	vadd.s32 v7, v4;
	v7 =	vld [tilespmem:s1+$0x0];
	s1 =	sor.u32 s23, s26  }
0xb1: {  	s28 =	sadd.s32 $0xBF00, s0;
	s26 =	sor.u32 s25, s24;
	v4 =	vadd.s32 v8, v4;
	v8 =	vld [tilespmem:s1+$0x0];
	s1 =	sor.u32 s23, s24  }
0xb2: {  	s0 =	sadd.s32 $0xBF80, s0;
	s24 =	sor.u32 s25, s28;
	v4 =	vadd.s32 v9, v4;
	v9 =	vld [tilespmem:s1+$0x0];
	s1 =	sor.u32 s23, s28  }
0xb3: {  	s28 =	sor.u32 s25, s0;
	s0 =	sor.u32 s23, s0;
	v4 =	vadd.s32 v5, v4;
	v5 =	vld [tilespmem:s1+$0x0]  }
0xb4: {  	v4 =	vadd.s32 v6, v4;
	v6 =	vld [tilespmem:s0+$0x0]  }
0xb5: {  	v10 =	vld [tilespmem:s22+$0x0];
	v4 =	vadd.s32 v7, v4  }
0xb6: {  	v7 =	vld [tilespmem:s22+$0x80];
	v4 =	vadd.s32 v8, v4  }
0xb7: {  	v8 =	vld [tilespmem:s22+$0x100];
	v4 =	vadd.s32 v9, v4  }
0xb8: {  	s0 =	sand.u32 $0x780, s21;
	v9 =	vld [tilespmem:s22+$0x180];
	v4 =	vadd.s32 v5, v4  }
0xb9: {  	s0 =	sor.u32 s23, s0;
	v5 =	vld [tilespmem:s22+$0x200];
	v4 =	vadd.s32 v6, v4  }
0xba: {  	v6 =	vld [tilespmem:s22+$0x280];
	[tilespmem:s0+$0x7400] =	vst v4  }
0xbb: {  	v4 =	vadd.s32 v10, v7;
	v7 =	vld [tilespmem:s22+$0x300]  }
0xbc: {  	v4 =	vadd.s32 v8, v4;
	v8 =	vld [tilespmem:s22+$0x380]  }
.Ltmp2:
0xbd: {  	v9 =	vadd.s32 v9, v4;
	v4 =	vld [tilespmem:s29+$0x0];
	(pc) =	sbr.rel @p3 .LBB2_6-.Ltmp2, $4  }
0xbe: {  	v9 =	vadd.s32 v5, v9;
	v5 =	vld [tilespmem:s3+$0x0]  }
0xbf: {  	v9 =	vadd.s32 v6, v9;
	v6 =	vld [tilespmem:s30+$0x0]  }
0xc0: {  	v9 =	vadd.s32 v7, v9;
	v7 =	vld [tilespmem:s15+$0x0]  }
0xc1: {  	s20 =	sadd.s32 $0x100, s20;
	s21 =	sadd.s32 $0x20, s21;
	v9 =	vadd.s32 v8, v9;
	v8 =	vld [tilespmem:s16+$0x0]  }
0xc2: {  	v4 =	vadd.s32 v4, v9;
	v63 =	vld [tilespmem:s26+$0x0]  }
0xc3: {  	v4 =	vadd.s32 v5, v4;
	v5 =	vld [tilespmem:s24+$0x0]  }
0xc4: {  	v4 =	vadd.s32 v6, v4;
	v6 =	vld [tilespmem:s28+$0x0]  }
0xc5: {  	v4 =	vadd.s32 v7, v4  }
0xc6: {  	v4 =	vadd.s32 v8, v4  }
0xc7: {  	p4 =	por $0x0, $0x0;
	v4 =	vadd.s32 v63, v4  }
.Ltmp3:
0xc8: {  	v4 =	vadd.s32 v5, v4;
	(pc) =	sbr.rel @p4 .LBB2_8-.Ltmp3, $4  }
0xc9: {  	s0 =	sadd.s32 $0x20, s18;
	v4 =	vadd.s32 v6, v4  }
0xca: {  	[tilespmem:s0+$0x0] =	vst v4  }
0xcb: {  	s18 =	simm.s32 $0x0;
	s1 =	simm.s32 $0x7BF0;
	[bflag:$0x0] =	sbarrier.arrive $0xFFFF  }
0xcc: {  	s21 =	simm.s32 $0x800007DF;
	p3 =	por $0x0, $0x0;
	s0 =	simm.s32 $0x800007EF;
	v4 =	vld [tilespmem:s1+$0x0]  }
0xcd: {  	_ =	sdelay $0x3  }
0xce: {  	v5 =	vperm.xlane v4, v3;
	_ =	sdelay $0x1  }
0xcf: {  	(xrf0) =	vadd.scan.msk.s32 $0xffff, v5;
	_ =	sdelay $0x5  }
0xd0: {  	v6, _, _ =	vpop (xrf0)  }
0xd1: {  	v7 =	vadd.s32 s18, v6  }
0xd2: {  	vm0 =	vgt.s32 v7, $0xACCC  }
0xd3: {  	v7 =	vmpcnt.ones.xlane vm0;
	_ =	sdelay $0x1  }
0xd4: {  	v7 =	vxor.u32 $0x80000000, v7  }
0xd5: {  	(xrf0) =	vmax.scan.msk.u32 $0xffff, v7;
	_ =	sdelay $0x5  }
0xd6: {  	v7, _, _ =	vpop (xrf0)  }
0xd7: {  	(v2sf) =	vpush v7, $0xF;
	_ =	sdelay $0xe  }
0xd8: {  	s0 =	spop (v2sf)  }
0xd9: {  	s26 =	sxor.u32 $0x80000000, s0  }
0xda: {  	s1 =	ssub.s32 $0x10, s26  }
0xdb: {  	v7 =	vmov s1  }
0xdc: {  	vm15 =	veq.s32 v7, v0  }
0xdd: {  	(xrf0) =	vadd.scan.msk.s32 $0xffff, v4;
	v6 =	vnsel vm15, $0x0, v6  }
0xde: {  	v4 =	vnsel vm15, $0x0, v5;
	(xrf0) =	vadd.scan.msk.s32 $0xffff, v6  }
0xdf: {  	(xrf0) =	vadd.scan.msk.s32 $0xffff, v4;
	_ =	sdelay $0x3  }
0xe0: {  	v4, _, _ =	vpop (xrf0)  }
0xe1: {  	p4 =	por $0x0, $0x0;
	(v2sf) =	vpush v4, $0xF;
	v5, _, _ =	vpop (xrf0)  }
.Ltmp4:
0xe2: {  	(v2sf) =	vpush v5, $0xF;
	v4, _, _ =	vpop (xrf0);
	(pc) =	sbr.rel @p4 .LBB2_10-.Ltmp4, $4  }
0xe3: {  	(v2sf) =	vpush v4, $0xF  }
0xe4: {  	s24 =	simm.s32 $0x7BE0  }
0xe5: {  	s25 =	simm.s32 $0x800007CF;
	p3 =	por $0x1, $0x1;
	s20 =	simm.s32 $0x0  }
0xe6: {  	s23 =	simm.s32 $0x0;
	s19 =	simm.s32 $0x0;
	s22 =	sadd.s32 $0x800007EF, s0;
	v4 =	vld [tilespmem:s24+$0x0]  }
.LBB2_11:
0xe7: {  	s0 =	smov.u32 s20  }
0xe8: {  	p4 =	seq.s32 s25, $0x7FFFFFFF;
	_ =	sdelay $0x3  }
0xe9: {  	v5 =	vperm.xlane v4, v3;
	_ =	sdelay $0x1  }
0xea: {  	(xrf0) =	vadd.scan.msk.s32 $0xffff, v5  }
0xeb: {  	p5 =	seq.s32 s20, $0x0  }
0xec: {  	p0 =	seq.s32 s20, $0x1;
	p1 =	sgt.s32 s26, $0x0;
	s1 =	spop (v2sf)  }
0xed: {  	s20 =	simm.s32 $0x1;
	s1 =	simm.s32 @p0 $0x0;
	s3 =	spop (v2sf)  }
0xee: {  	p0 =	por !p1, !p5;
	s3 =	sadd.s32 s23, s3;
	s15 =	spop (v2sf)  }
0xef: {  	p0 =	por !p0, !p0;
	s23 =	sadd.s32 s23, s1;
	s3 =	ssub.s32 s3, s15  }
0xf0: {  	s20 =	simm.s32 @!p1 $0x0;
	v6, _, _ =	vpop (xrf0);
	s23 =	smov.u32 @p0 s3  }
0xf1: {  	s19 =	smov.u32 @p0 s22;
	p0 =	sgt.s32 s0, s20;
	v7 =	vadd.s32 s23, v6  }
0xf2: {  	s20 =	smov.u32 @p0 s0;
	vm0 =	vgt.s32 v7, $0xACCC  }
0xf3: {  	v7 =	vmpcnt.ones.xlane vm0;
	_ =	sdelay $0x1  }
0xf4: {  	v7 =	vxor.u32 $0x80000000, v7  }
0xf5: {  	(xrf0) =	vmax.scan.msk.u32 $0xffff, v7;
	_ =	sdelay $0x5  }
0xf6: {  	v7, _, _ =	vpop (xrf0)  }
0xf7: {  	(v2sf) =	vpush v7, $0xF;
	_ =	sdelay $0xe  }
0xf8: {  	s0 =	spop (v2sf)  }
0xf9: {  	s26 =	sxor.u32 $0x80000000, s0;
	s22 =	sadd.s32 s21, s0;
	s21 =	smov.u32 s25  }
0xfa: {  	s0 =	ssub.s32 $0x10, s26  }
0xfb: {  	v7 =	vmov s0  }
0xfc: {  	vm0 =	veq.s32 v7, v0  }
0xfd: {  	v6 =	vnsel vm0, $0x0, v6;
	(xrf0) =	vadd.scan.msk.s32 $0xffff, v4  }
0xfe: {  	v4 =	vnsel vm0, $0x0, v5;
	(xrf0) =	vadd.scan.msk.s32 $0xffff, v6  }
0xff: {  	(xrf0) =	vadd.scan.msk.s32 $0xffff, v4;
	_ =	sdelay $0x3  }
0x100: {  	v4, _, _ =	vpop (xrf0)  }
0x101: {  	v5, _, _ =	vpop (xrf0);
	(v2sf) =	vpush v4, $0xF  }
0x102: {  	(v2sf) =	vpush v5, $0xF;
	v4, _, _ =	vpop (xrf0)  }
.Ltmp5:
0x103: {  	(v2sf) =	vpush v4, $0xF;
	(pc) =	sbr.rel @!p4 .LBB2_11-.Ltmp5, $3  }
0x104: {  	_ =	sdelay $0x1  }
0x105: {  	s24 =	sadd.s32 $0xFFFFFFF0, s24  }
0x106: {  	s25 =	sadd.s32 $0xFFFFFFF0, s25;
	v4 =	vld [tilespmem:s24+$0x0]  }
0x107: {  	s0 =	smov.u32 s21  }
.LBB2_13:
0x108: {  	_ =	sdelay $0x3  }
0x109: {  	v5 =	vperm.xlane v4, v3;
	_ =	sdelay $0x1  }
0x10a: {  	p0 =	seq.s32 @p3 s20, $0x0;
	p4 =	sgt.s32 @p3 s26, $0x0;
	(xrf0) =	vadd.scan.msk.s32 $0xffff, v5  }
0x10b: {  	p1 =	seq.s32 @p3 s20, $0x1;
	p0 =	por @p3 !p4, !p0;
	s1 =	spop @p3 (v2sf)  }
0x10c: {  	p1 =	por !p1, !p3;
	p0 =	por @p3 !p0, !p0;
	s3 =	spop @p3 (v2sf)  }
0x10d: {  	s1 =	simm.s32 @!p1 $0x0;
	s3 =	sadd.s32 @p3 s23, s3;
	s15 =	spop @p3 (v2sf)  }
0x10e: {  	p5 =	por !p0, !p3;
	s1 =	sadd.s32 @p3 s23, s1;
	s3 =	ssub.s32 @p3 s3, s15  }
0x10f: {  	s3 =	smov.u32 @p5 s1;
	s1 =	simm.s32 $0x0  }
0x110: {  	v6, _, _ =	vpop (xrf0);
	s1 =	smov.u32 @p3 s3  }
0x111: {  	v7 =	vadd.s32 s1, v6  }
0x112: {  	vm0 =	vgt.s32 v7, $0xACCC  }
0x113: {  	v7 =	vmpcnt.ones.xlane vm0;
	_ =	sdelay $0x1  }
0x114: {  	v7 =	vxor.u32 $0x80000000, v7  }
0x115: {  	(xrf0) =	vmax.scan.msk.u32 $0xffff, v7;
	_ =	sdelay $0x5  }
0x116: {  	v7, _, _ =	vpop (xrf0)  }
0x117: {  	(v2sf) =	vpush v7, $0xF;
	_ =	sdelay $0xe  }
0x118: {  	s28 =	spop (v2sf)  }
0x119: {  	s29 =	sxor.u32 $0x80000000, s28  }
0x11a: {  	s16 =	ssub.s32 $0x10, s29  }
0x11b: {  	v63 =	vmov s16  }
0x11c: {  	vm15 =	veq.s32 v63, v0  }
0x11d: {  	(xrf0) =	vadd.scan.msk.s32 $0xffff, v4;
	v6 =	vnsel vm15, $0x0, v6  }
0x11e: {  	v4 =	vnsel vm15, $0x0, v5;
	(xrf0) =	vadd.scan.msk.s32 $0xffff, v6  }
0x11f: {  	(xrf0) =	vadd.scan.msk.s32 $0xffff, v4;
	_ =	sdelay $0x3  }
0x120: {  	v4, _, _ =	vpop (xrf0)  }
0x121: {  	(v2sf) =	vpush v4, $0xF;
	v5, _, _ =	vpop (xrf0)  }
0x122: {  	(v2sf) =	vpush v5, $0xF;
	v4, _, _ =	vpop (xrf0)  }
0x123: {  	(v2sf) =	vpush v4, $0xF  }
0x124: {  	p0 =	por !p4, !p3;
	s16 =	simm.s32 $0x1  }
0x125: {  	s16 =	simm.s32 @p0 $0x0  }
0x126: {  	p0 =	sgt.s32 @p3 s20, s16  }
0x127: {  	p0 =	por !p0, !p3  }
0x128: {  	s20 =	smov.u32 @p0 s16;
	s16 =	simm.s32 $0x0  }
0x129: {  	s16 =	smov.u32 @p3 s20  }
0x12a: {  	s22 =	smov.u32 @p5 s19;
	p5 =	sgt.s32 s29, $0x0;
	p4 =	seq.s32 s16, $0x0  }
0x12b: {  	p0 =	por !p5, !p4  }
0x12c: {  	s18 =	smov.u32 @p3 s22;
	s0 =	sadd.s32 s0, s28;
	p0 =	por !p0, !p0  }
0x12d: {  	s18 =	smov.u32 @p0 s0;
	s0 =	simm.s32 $0x6C40  }
0x12e: {  	[tilespmem:s0+$0xFFFFFFC0] =	vst v1  }
0x12f: {  	[tilespmem:s0+$0x30] =	vst v1  }
0x130: {  	[tilespmem:s0+$0x20] =	vst v1;
	s3 =	spop (v2sf)  }
0x131: {  	p1 =	seq.s32 s16, $0x1;
	[tilespmem:s0+$0x10] =	vst v1;
	s30 =	spop (v2sf)  }
0x132: {  	[tilespmem:s0+$0x0] =	vst v1;
	s3 =	simm.s32 @p1 $0x0;
	s15 =	sadd.s32 s1, s30;
	s31 =	spop (v2sf)  }
0x133: {  	[tilespmem:s0+$0xFFFFFFF0] =	vst v1;
	s19 =	sadd.s32 s1, s3;
	s15 =	ssub.s32 s15, s31  }
0x134: {  	[tilespmem:s0+$0xFFFFFFE0] =	vst v1;
	s1 =	simm.s32 $0x0;
	s19 =	smov.u32 @p0 s15  }
.LBB2_14:
0x135: {  	s1 =	sadd.s32 $0x8, s1;
	[tilespmem:s0+$0xFFFFFFD0] =	vst v1;
	s0 =	sadd.s32 $0x80, s0  }
0x136: {  	[tilespmem:s0+$0xFFFFFFC0] =	vst v1;
	p0 =	slt.u32 s1, $0x78  }
0x137: {  	[tilespmem:s0+$0x30] =	vst v1  }
.Ltmp6:
0x138: {  	[tilespmem:s0+$0x20] =	vst v1;
	(pc) =	sbr.rel @p0 .LBB2_14-.Ltmp6, $4  }
0x139: {  	[tilespmem:s0+$0x10] =	vst v1  }
0x13a: {  	[tilespmem:s0+$0x0] =	vst v1  }
0x13b: {  	[tilespmem:s0+$0xFFFFFFF0] =	vst v1  }
0x13c: {  	[tilespmem:s0+$0xFFFFFFE0] =	vst v1  }
0x13d: {  	[tilespmem:s0+$0xFFFFFFD0] =	vst v1;
	s31 =	simm.s32 $0x40  }
0x13e: {  	v5 =	vld [tilespmem:s31+$0x30]  }
0x13f: {  	v6 =	vld [tilespmem:s31+$0xFFFFFFD0]  }
0x140: {  	v7 =	vld [tilespmem:s31+$0xFFFFFFE0]  }
0x141: {  	v8 =	vld [tilespmem:s31+$0xFFFFFFF0]  }
0x142: {  	v9 =	vld [tilespmem:s31+$0x0]  }
0x143: {  	v10 =	vld [tilespmem:s31+$0x10]  }
0x144: {  	s18 =	sshll.u32 s18, $0x14  }
0x145: {  	v4 =	vmov s18;
	v13 =	vld [tilespmem:s31+$0x20];
	v11 =	vand.u32 $0x7FF00000, v5;
	v5 =	vshrl.u32 v5, $0xA  }
0x146: {  	v12 =	vand.u32 $0x7FF00000, v6;
	v6 =	vshrl.u32 v6, $0xA;
	v14 =	vand.u32 $0x7FF00000, v7  }
0x147: {  	v7 =	vshrl.u32 v7, $0xA;
	v16 =	vand.u32 $0x7FF00000, v8;
	v8 =	vshrl.u32 v8, $0xA  }
0x148: {  	v62 =	vand.u32 $0x7FF00000, v9;
	v9 =	vshrl.u32 v9, $0xA;
	v17 =	vand.u32 $0x7FF00000, v10  }
0x149: {  	v18 =	vshrl.u32 v10, $0xA;
	vm0 =	veq.s32 v11, v4;
	v5 =	vand.u32 $0x3FF, v5;
	v11 =	vld [tilespmem:s31+$0xFFFFFFC0]  }
0x14a: {  	v63 =	vand.u32 $0x7FF00000, v13;
	vm1 =	veq.s32 v14, v4;
	v15 =	vnsel vm0, $0x7FF, v5  }
0x14b: {  	v7 =	vand.u32 $0x3FF, v7;
	vm2 =	veq.s32 v16, v4;
	v8 =	vand.u32 $0x3FF, v8  }
0x14c: {  	vm3 =	veq.s32 v62, v4;
	v9 =	vand.u32 $0x3FF, v9;
	vm5 =	veq.s32 v17, v4  }
0x14d: {  	vm6 =	veq.s32 v63, v4;
	vm0 =	veq.s32 v12, v4;
	v5 =	vand.u32 $0x3FF, v6  }
0x14e: {  	v6 =	vshrl.u32 v13, $0xA;
	v10 =	vand.u32 $0x7FF00000, v11;
	v11 =	vshrl.u32 v11, $0xA  }
0x14f: {  	s20 =	simm.s32 $0x0;
	s21 =	simm.s32 $0xC0;
	vm4 =	veq.s32 v10, v4;
	v10 =	vand.u32 $0x3FF, v11;
	[tilespmem:v15+s11+$0x0] =	vst.idx.add.s32.msk $0xffff, v2;
	v11 =	vand.u32 $0x3FF, v18  }
.LBB2_16:
0x150: {  	v12 =	vld [tilespmem:s21+$0x30];
	s20 =	sadd.s32 $0x8, s20;
	v10 =	vnsel vm4, $0x7FF, v10;
	v5 =	vnsel vm0, $0x7FF, v5;
	v6 =	vand.u32 $0x3FF, v6  }
0x151: {  	v7 =	vnsel vm1, $0x7FF, v7;
	v8 =	vnsel vm2, $0x7FF, v8;
	v9 =	vnsel vm3, $0x7FF, v9;
	v13 =	vld [tilespmem:s21+$0xFFFFFFD0];
	p3 =	slt.u32 s20, $0x6B8  }
0x152: {  	v11 =	vnsel vm5, $0x7FF, v11;
	v15 =	vnsel vm6, $0x7FF, v6;
	v14 =	vld [tilespmem:s21+$0xFFFFFFE0]  }
0x153: {  	v6 =	vld [tilespmem:s21+$0xFFFFFFF0]  }
0x154: {  	v16 =	vld [tilespmem:s21+$0x0]  }
0x155: {  	v17 =	vld [tilespmem:s21+$0x10];
	v18 =	vand.u32 $0x7FF00000, v12;
	v12 =	vshrl.u32 v12, $0xA  }
0x156: {  	v19 =	vand.u32 $0x7FF00000, v13;
	v20 =	vld [tilespmem:s21+$0x20];
	vm0 =	veq.s32 v18, v4;
	v12 =	vand.u32 $0x3FF, v12  }
0x157: {  	v13 =	vshrl.u32 v13, $0xA;
	v18 =	vld [tilespmem:s21+$0xFFFFFFC0];
	v21 =	vand.u32 $0x7FF00000, v14;
	v12 =	vnsel vm0, $0x7FF, v12  }
0x158: {  	v14 =	vshrl.u32 v14, $0xA;
	v22 =	vand.u32 $0x7FF00000, v6;
	v23 =	vshrl.u32 v6, $0xA;
	[tilespmem:v10+s11+$0x0] =	vst.idx.add.s32.msk $0xffff, v2  }
0x159: {  	vm0 =	veq.s32 v19, v4;
	v19 =	vand.u32 $0x7FF00000, v16;
	v16 =	vshrl.u32 v16, $0xA;
	[tilespmem:v5+s11+$0x0] =	vst.idx.add.s32.msk $0xffff, v2  }
0x15a: {  	v5 =	vand.u32 $0x3FF, v13;
	v13 =	vand.u32 $0x7FF00000, v17;
	v17 =	vshrl.u32 v17, $0xA;
	[tilespmem:v7+s11+$0x0] =	vst.idx.add.s32.msk $0xffff, v2  }
.Ltmp7:
0x15b: {  	vm1 =	veq.s32 v21, v4;
	v21 =	vand.u32 $0x7FF00000, v20;
	v6 =	vshrl.u32 v20, $0xA;
	[tilespmem:v8+s11+$0x0] =	vst.idx.add.s32.msk $0xffff, v2;
	(pc) =	sbr.rel @p3 .LBB2_16-.Ltmp7, $4  }
0x15c: {  	v7 =	vand.u32 $0x3FF, v14;
	v8 =	vand.u32 $0x7FF00000, v18;
	v10 =	vshrl.u32 v18, $0xA;
	[tilespmem:v12+s11+$0x0] =	vst.idx.add.s32.msk $0xffff, v2  }
0x15d: {  	vm2 =	veq.s32 v22, v4;
	vm4 =	veq.s32 v8, v4;
	v10 =	vand.u32 $0x3FF, v10;
	[tilespmem:v9+s11+$0x0] =	vst.idx.add.s32.msk $0xffff, v2  }
0x15e: {  	vm3 =	veq.s32 v19, v4;
	v8 =	vand.u32 $0x3FF, v23;
	v9 =	vand.u32 $0x3FF, v16;
	[tilespmem:v11+s11+$0x0] =	vst.idx.add.s32.msk $0xffff, v2  }
0x15f: {  	s21 =	sadd.s32 $0x80, s21;
	vm5 =	veq.s32 v13, v4;
	vm6 =	veq.s32 v21, v4;
	v11 =	vand.u32 $0x3FF, v17;
	[tilespmem:v15+s11+$0x0] =	vst.idx.add.s32.msk $0xffff, v2  }
0x160: {  	v4 =	vnsel vm4, $0x7FF, v10  }
0x161: {  	v5 =	vnsel vm0, $0x7FF, v5  }
0x162: {  	v7 =	vnsel vm1, $0x7FF, v7  }
0x163: {  	v8 =	vnsel vm2, $0x7FF, v8  }
0x164: {  	v9 =	vnsel vm3, $0x7FF, v9  }
0x165: {  	v6 =	vand.u32 $0x3FF, v6;
	v10 =	vnsel vm5, $0x7FF, v11;
	[tilespmem:v4+s11+$0x0] =	vst.idx.add.s32.msk $0xffff, v2  }
0x166: {  	v4 =	vnsel vm6, $0x7FF, v6;
	[tilespmem:v5+s11+$0x0] =	vst.idx.add.s32.msk $0xffff, v2  }
0x167: {  	[tilespmem:v7+s11+$0x0] =	vst.idx.add.s32.msk $0xffff, v2  }
0x168: {  	[tilespmem:v8+s11+$0x0] =	vst.idx.add.s32.msk $0xffff, v2  }
0x169: {  	[tilespmem:v9+s11+$0x0] =	vst.idx.add.s32.msk $0xffff, v2  }
0x16a: {  	[tilespmem:v10+s11+$0x0] =	vst.idx.add.s32.msk $0xffff, v2  }
0x16b: {  	[tilespmem:v4+s11+$0x0] =	vst.idx.add.s32.msk $0xffff, v2  }
0x16c: {  	[spmem:s6] =	stream.strided.scatter [tilespmem:s11], [sflag:$0x1], $0x800, s13, s12, $0x38;
	[tilespmem:$0x17890] =	vst v63  }
0x16d: {  	_ =	swait.ge [sflag:s10], $0x800  }
0x16e: {  	[sflag:s10] =	ssyncset.done $0x0  }
0x16f: {  	[sflag:s10] =	ssyncadd.s32 $0xFFFFF800  }
0x170: {  	s21 =	simm.s32 $0x0;
	[bflag:$0x0] =	sbarrier.arrive $0xFFFF  }
0x171: {  	[tilespmem:s14], [sflag:$0x1] =	stream.linear.gather [spmem:s2], $0x8000, $0x38;
	[tilespmem:$0x17890] =	vst v63  }
0x172: {  	s0 =	sand.u32 $0x60, s21;
	s1 =	sand.u32 $0x1C00, s21;
	_ =	swait.ge [sflag:s10], $0x8000  }
0x173: {  	s3 =	sadd.s32 $0x7C00, s1;
	s22 =	sor.u32 $0x10, s0;
	[sflag:s10] =	ssyncset.done $0x0  }
0x174: {  	s15 =	sor.u32 s22, s3;
	[sflag:s10] =	ssyncadd.s32 $0xFFFF8000  }
0x175: {  	v4 =	vld [tilespmem:s15+$0x0]  }
0x176: {  	v5 =	vld [tilespmem:s15+$0x80]  }
0x177: {  	v6 =	vld [tilespmem:s15+$0x100]  }
0x178: {  	v7 =	vld [tilespmem:s15+$0x180]  }
0x179: {  	v8 =	vld [tilespmem:s15+$0x200]  }
0x17a: {  	v9 =	vld [tilespmem:s15+$0x280]  }
0x17b: {  	s16 =	sadd.s32 $0xBC00, s1;
	v10 =	vld [tilespmem:s15+$0x300]  }
0x17c: {  	s20 =	sadd.s32 $0xBC80, s1;
	s25 =	sor.u32 s22, s16;
	v11 =	vld [tilespmem:s15+$0x380]  }
0x17d: {  	s23 =	sadd.s32 $0xBD00, s1;
	s26 =	sor.u32 s22, s20;
	v12 =	vld [tilespmem:s25+$0x0]  }
0x17e: {  	s24 =	sadd.s32 $0xBD80, s1;
	s28 =	sor.u32 s22, s23;
	v13 =	vld [tilespmem:s26+$0x0]  }
0x17f: {  	s31 =	sor.u32 s22, s24;
	v14 =	vld [tilespmem:s28+$0x0]  }
0x180: {  	s3 =	sor.u32 s0, s3;
	v15 =	vld [tilespmem:s31+$0x0]  }
0x181: {  	v20 =	vld [tilespmem:s3+$0x0]  }
0x182: {  	v21 =	vld [tilespmem:s3+$0x80]  }
0x183: {  	v22 =	vld [tilespmem:s3+$0x100]  }
0x184: {  	v23 =	vld [tilespmem:s3+$0x180]  }
0x185: {  	v24 =	vld [tilespmem:s3+$0x200]  }
0x186: {  	v25 =	vld [tilespmem:s3+$0x280]  }
0x187: {  	s25 =	sadd.s32 $0xBE00, s1;
	v26 =	vld [tilespmem:s3+$0x300]  }
0x188: {  	s26 =	sadd.s32 $0xBE80, s1;
	v27 =	vld [tilespmem:s3+$0x380];
	s4 =	sor.u32 s22, s25  }
0x189: {  	s28 =	sadd.s32 $0xBF00, s1;
	s5 =	sor.u32 s22, s26;
	v16 =	vld [tilespmem:s4+$0x0]  }
0x18a: {  	s1 =	sadd.s32 $0xBF80, s1;
	s31 =	sor.u32 s22, s28;
	v17 =	vld [tilespmem:s5+$0x0]  }
0x18b: {  	v18 =	vld [tilespmem:s31+$0x0];
	s4 =	sor.u32 s22, s1  }
0x18c: {  	s5 =	sor.u32 s0, s16;
	v19 =	vld [tilespmem:s4+$0x0]  }
0x18d: {  	s16 =	sor.u32 s0, s20;
	v28 =	vld [tilespmem:s5+$0x0]  }
0x18e: {  	s20 =	sor.u32 s0, s23;
	v29 =	vld [tilespmem:s16+$0x0]  }
0x18f: {  	s23 =	sor.u32 s0, s24;
	v30 =	vld [tilespmem:s20+$0x0]  }
0x190: {  	s24 =	sor.u32 s0, s25;
	v31 =	vld [tilespmem:s23+$0x0]  }
0x191: {  	s25 =	sor.u32 s0, s26;
	s26 =	simm.s32 $0x100;
	v32 =	vld [tilespmem:s24+$0x0];
	s24 =	simm.s32 $0x20  }
0x192: {  	s31 =	sor.u32 s0, s28;
	s15 =	sand.u32 $0x1C00, s26;
	v33 =	vld [tilespmem:s25+$0x0];
	s23 =	sand.u32 $0x60, s24  }
0x193: {  	s0 =	sor.u32 s0, s1;
	v34 =	vld [tilespmem:s31+$0x0];
	s1 =	sadd.s32 $0x7C00, s15;
	s25 =	sor.u32 $0x10, s23  }
0x194: {  	v35 =	vld [tilespmem:s0+$0x0];
	s4 =	sor.u32 s25, s1  }
0x195: {  	v36 =	vld [tilespmem:s4+$0x0]  }
0x196: {  	v37 =	vld [tilespmem:s4+$0x80]  }
0x197: {  	v38 =	vld [tilespmem:s4+$0x100]  }
0x198: {  	v39 =	vld [tilespmem:s4+$0x180]  }
0x199: {  	v40 =	vld [tilespmem:s4+$0x200]  }
0x19a: {  	v41 =	vld [tilespmem:s4+$0x280]  }
0x19b: {  	s20 =	sadd.s32 $0xBC00, s15;
	v42 =	vld [tilespmem:s4+$0x300]  }
0x19c: {  	s31 =	sadd.s32 $0xBC80, s15;
	v4 =	vadd.s32 v4, v5;
	s5 =	sor.u32 s25, s20;
	v5 =	vld [tilespmem:s4+$0x380]  }
0x19d: {  	v4 =	vadd.s32 v6, v4;
	s16 =	sor.u32 s25, s31;
	v6 =	vld [tilespmem:s5+$0x0]  }
0x19e: {  	s1 =	sor.u32 s23, s1;
	v4 =	vadd.s32 v7, v4;
	v7 =	vld [tilespmem:s16+$0x0]  }
0x19f: {  	v58 =	vld [tilespmem:s1+$0x0];
	v4 =	vadd.s32 v8, v4  }
0x1a0: {  	s29 =	sadd.s32 $0xBD00, s15;
	v59 =	vld [tilespmem:s1+$0x80];
	v4 =	vadd.s32 v9, v4  }
0x1a1: {  	s30 =	sadd.s32 $0xBE00, s15;
	s28 =	sor.u32 s25, s29;
	v60 =	vld [tilespmem:s1+$0x100];
	v4 =	vadd.s32 v10, v4;
	v10 =	vadd.s32 v20, v21  }
0x1a2: {  	s26 =	sadd.s32 $0xBD80, s15;
	s4 =	sor.u32 s25, s30;
	v8 =	vld [tilespmem:s28+$0x0];
	v4 =	vadd.s32 v11, v4;
	v10 =	vadd.s32 v22, v10;
	v11 =	vadd.s32 v36, v37  }
0x1a3: {  	s0 =	sadd.s32 $0xBF00, s15;
	s3 =	sor.u32 s25, s26;
	v54 =	vld [tilespmem:s4+$0x0];
	v4 =	vadd.s32 v12, v4;
	v10 =	vadd.s32 v23, v10;
	v11 =	vadd.s32 v38, v11  }
0x1a4: {  	s28 =	sadd.s32 $0xBE80, s15;
	s4 =	sor.u32 s25, s0;
	v9 =	vld [tilespmem:s3+$0x0];
	v4 =	vadd.s32 v13, v4;
	v10 =	vadd.s32 v24, v10;
	v11 =	vadd.s32 v39, v11  }
0x1a5: {  	s5 =	sor.u32 s25, s28;
	s3 =	sadd.s32 $0xBF80, s15;
	v56 =	vld [tilespmem:s4+$0x0];
	v4 =	vadd.s32 v14, v4;
	v10 =	vadd.s32 v25, v10;
	v11 =	vadd.s32 v40, v11  }
0x1a6: {  	v55 =	vld [tilespmem:s5+$0x0];
	s5 =	sor.u32 s25, s3;
	v4 =	vadd.s32 v15, v4;
	v10 =	vadd.s32 v26, v10;
	v11 =	vadd.s32 v41, v11  }
0x1a7: {  	v57 =	vld [tilespmem:s5+$0x0];
	v4 =	vadd.s32 v16, v4;
	v10 =	vadd.s32 v27, v10;
	v11 =	vadd.s32 v42, v11  }
0x1a8: {  	v4 =	vadd.s32 v17, v4;
	v10 =	vadd.s32 v28, v10;
	v5 =	vadd.s32 v5, v11;
	v11 =	vld [tilespmem:s1+$0x180]  }
0x1a9: {  	v4 =	vadd.s32 v18, v4;
	v10 =	vadd.s32 v29, v10;
	v5 =	vadd.s32 v6, v5;
	v6 =	vld [tilespmem:s1+$0x200]  }
0x1aa: {  	v61 =	vadd.s32 v19, v4;
	v4 =	vadd.s32 v30, v10;
	v5 =	vadd.s32 v7, v5;
	v7 =	vld [tilespmem:s1+$0x280]  }
0x1ab: {  	v10 =	vld [tilespmem:s1+$0x300];
	v4 =	vadd.s32 v31, v4;
	v5 =	vadd.s32 v8, v5;
	v8 =	vadd.s32 v58, v59  }
0x1ac: {  	s16 =	sor.u32 s23, s20;
	v4 =	vadd.s32 v32, v4;
	v5 =	vadd.s32 v9, v5;
	v8 =	vadd.s32 v60, v8;
	v9 =	vld [tilespmem:s1+$0x380]  }
0x1ad: {  	s24 =	sand.u32 $0x380, s24;
	s4 =	sand.u32 $0x380, s21;
	s5 =	sor.u32 s23, s31;
	v62 =	vadd.s32 v33, v4;
	v4 =	vld [tilespmem:s16+$0x0];
	v5 =	vadd.s32 v54, v5;
	v8 =	vadd.s32 v11, v8  }
0x1ae: {  	s20 =	simm.s32 $0x7400;
	s31 =	sor.u32 s23, s29;
	s1 =	sor.u32 s22, s4;
	v11 =	vadd.s32 v34, v62;
	v63 =	vadd.s32 v55, v5;
	v6 =	vadd.s32 v6, v8;
	v5 =	vld [tilespmem:s5+$0x0]  }
0x1af: {  	s21 =	simm.s32 $0x2;
	s29 =	sor.u32 s23, s28;
	s4 =	sor.u32 s23, s26;
	[tilespmem:s1+$0x7400] =	vst v61;
	v8 =	vadd.s32 v35, v11;
	v11 =	vadd.s32 v56, v63;
	v7 =	vadd.s32 v7, v6;
	v6 =	vld [tilespmem:s31+$0x0]  }
0x1b0: {  	s26 =	sor.u32 s23, s0;
	s5 =	sor.u32 s23, s30;
	[tilespmem:s20+$0x0] =	vst v8;
	s31 =	sor.u32 s25, s24;
	v8 =	vadd.s32 v57, v11;
	v10 =	vadd.s32 v10, v7;
	v7 =	vld [tilespmem:s4+$0x0]  }
0x1b1: {  	s22 =	simm.s32 $0x200;
	s30 =	sor.u32 s23, s3;
	s23 =	simm.s32 $0x40;
	[tilespmem:s31+$0x7400] =	vst v8;
	v9 =	vadd.s32 v9, v10;
	v8 =	vld [tilespmem:s5+$0x0]  }
.LBB2_18:
0x1b2: {  	s28 =	sand.u32 $0x60, s23;
	s0 =	sand.u32 $0x1C00, s22;
	v4 =	vadd.s32 v4, v9;
	v9 =	vld [tilespmem:s29+$0x0]  }
0x1b3: {  	s21 =	sadd.s32 $0x2, s21;
	s1 =	sadd.s32 $0x7C00, s0;
	s25 =	sor.u32 $0x10, s28;
	v4 =	vadd.s32 v5, v4;
	v5 =	vld [tilespmem:s26+$0x0]  }
0x1b4: {  	p3 =	slt.u32 s21, $0x3E;
	s24 =	sor.u32 s28, s1;
	s1 =	sor.u32 s25, s1;
	v4 =	vadd.s32 v6, v4;
	v6 =	vld [tilespmem:s30+$0x0]  }
0x1b5: {  	v10 =	vld [tilespmem:s1+$0x0];
	v4 =	vadd.s32 v7, v4  }
0x1b6: {  	v7 =	vld [tilespmem:s1+$0x80];
	v4 =	vadd.s32 v8, v4  }
0x1b7: {  	v8 =	vld [tilespmem:s1+$0x100];
	v4 =	vadd.s32 v9, v4  }
0x1b8: {  	v9 =	vld [tilespmem:s1+$0x180];
	v4 =	vadd.s32 v5, v4  }
0x1b9: {  	s20 =	sadd.s32 $0x20, s20;
	v5 =	vld [tilespmem:s1+$0x200];
	v4 =	vadd.s32 v6, v4  }
0x1ba: {  	v6 =	vld [tilespmem:s1+$0x280];
	[tilespmem:s20+$0x0] =	vst v4  }
0x1bb: {  	s3 =	sadd.s32 $0xBC00, s0;
	v4 =	vadd.s32 v10, v7;
	v7 =	vld [tilespmem:s1+$0x300]  }
0x1bc: {  	s15 =	sadd.s32 $0xBC80, s0;
	s31 =	sor.u32 s28, s3;
	v4 =	vadd.s32 v8, v4;
	v8 =	vld [tilespmem:s1+$0x380];
	s1 =	sor.u32 s25, s3  }
0x1bd: {  	s16 =	sadd.s32 $0xBD00, s0;
	s3 =	sor.u32 s28, s15;
	v4 =	vadd.s32 v9, v4;
	v9 =	vld [tilespmem:s1+$0x0];
	s1 =	sor.u32 s25, s15  }
0x1be: {  	s26 =	sadd.s32 $0xBD80, s0;
	s15 =	sor.u32 s28, s16;
	v4 =	vadd.s32 v5, v4;
	v5 =	vld [tilespmem:s1+$0x0];
	s1 =	sor.u32 s25, s16  }
0x1bf: {  	s29 =	sadd.s32 $0xBE00, s0;
	s16 =	sor.u32 s28, s26;
	s26 =	sor.u32 s25, s26;
	v4 =	vadd.s32 v6, v4;
	v6 =	vld [tilespmem:s1+$0x0]  }
0x1c0: {  	s30 =	sadd.s32 $0xBE80, s0;
	s1 =	sor.u32 s28, s29;
	v4 =	vadd.s32 v7, v4;
	v7 =	vld [tilespmem:s26+$0x0];
	s26 =	sor.u32 s25, s29  }
0x1c1: {  	s4 =	sadd.s32 $0xBF00, s0;
	s29 =	sor.u32 s28, s30;
	s30 =	sor.u32 s25, s30;
	v4 =	vadd.s32 v8, v4;
	v8 =	vld [tilespmem:s26+$0x0]  }
0x1c2: {  	s0 =	sadd.s32 $0xBF80, s0;
	s26 =	sor.u32 s28, s4;
	s4 =	sor.u32 s25, s4;
	v4 =	vadd.s32 v9, v4;
	v9 =	vld [tilespmem:s30+$0x0]  }
0x1c3: {  	s30 =	sor.u32 s28, s0;
	s0 =	sor.u32 s25, s0;
	v4 =	vadd.s32 v5, v4;
	v5 =	vld [tilespmem:s4+$0x0]  }
0x1c4: {  	v4 =	vadd.s32 v6, v4;
	v6 =	vld [tilespmem:s0+$0x0]  }
0x1c5: {  	v10 =	vld [tilespmem:s24+$0x0];
	v4 =	vadd.s32 v7, v4  }
0x1c6: {  	v7 =	vld [tilespmem:s24+$0x80];
	v4 =	vadd.s32 v8, v4  }
0x1c7: {  	v8 =	vld [tilespmem:s24+$0x100];
	v4 =	vadd.s32 v9, v4  }
0x1c8: {  	s0 =	sand.u32 $0x380, s23;
	v9 =	vld [tilespmem:s24+$0x180];
	v4 =	vadd.s32 v5, v4  }
0x1c9: {  	s0 =	sor.u32 s25, s0;
	v5 =	vld [tilespmem:s24+$0x200];
	v4 =	vadd.s32 v6, v4  }
0x1ca: {  	v6 =	vld [tilespmem:s24+$0x280];
	[tilespmem:s0+$0x7400] =	vst v4  }
0x1cb: {  	v4 =	vadd.s32 v10, v7;
	v7 =	vld [tilespmem:s24+$0x300]  }
0x1cc: {  	v4 =	vadd.s32 v8, v4;
	v8 =	vld [tilespmem:s24+$0x380]  }
.Ltmp8:
0x1cd: {  	v9 =	vadd.s32 v9, v4;
	v4 =	vld [tilespmem:s31+$0x0];
	(pc) =	sbr.rel @p3 .LBB2_18-.Ltmp8, $4  }
0x1ce: {  	v9 =	vadd.s32 v5, v9;
	v5 =	vld [tilespmem:s3+$0x0]  }
0x1cf: {  	v9 =	vadd.s32 v6, v9;
	v6 =	vld [tilespmem:s15+$0x0]  }
0x1d0: {  	v9 =	vadd.s32 v7, v9;
	v7 =	vld [tilespmem:s16+$0x0]  }
0x1d1: {  	s22 =	sadd.s32 $0x100, s22;
	s23 =	sadd.s32 $0x20, s23;
	v9 =	vadd.s32 v8, v9;
	v8 =	vld [tilespmem:s1+$0x0]  }
0x1d2: {  	v4 =	vadd.s32 v4, v9;
	v63 =	vld [tilespmem:s29+$0x0]  }
0x1d3: {  	v4 =	vadd.s32 v5, v4;
	v5 =	vld [tilespmem:s26+$0x0]  }
0x1d4: {  	v4 =	vadd.s32 v6, v4;
	v6 =	vld [tilespmem:s30+$0x0]  }
0x1d5: {  	v4 =	vadd.s32 v7, v4  }
0x1d6: {  	v4 =	vadd.s32 v8, v4  }
0x1d7: {  	p0 =	por $0x0, $0x0;
	v4 =	vadd.s32 v63, v4  }
.Ltmp9:
0x1d8: {  	v4 =	vadd.s32 v5, v4;
	(pc) =	sbr.rel @p0 .LBB2_20-.Ltmp9, $4  }
0x1d9: {  	s0 =	sadd.s32 $0x20, s20;
	v4 =	vadd.s32 v6, v4  }
0x1da: {  	[tilespmem:s0+$0x0] =	vst v4  }
0x1db: {  	s20 =	simm.s32 $0x0;
	s1 =	simm.s32 $0x77F0;
	[bflag:$0x0] =	sbarrier.arrive $0xFFFF  }
0x1dc: {  	s23 =	simm.s32 $0x800003DF;
	p3 =	por $0x0, $0x0;
	s0 =	simm.s32 $0x800003EF;
	v4 =	vld [tilespmem:s1+$0x0]  }
0x1dd: {  	_ =	sdelay $0x3  }
0x1de: {  	v5 =	vperm.xlane v4, v3;
	_ =	sdelay $0x1  }
0x1df: {  	(xrf0) =	vadd.scan.msk.s32 $0xffff, v5;
	_ =	sdelay $0x5  }
0x1e0: {  	v6, _, _ =	vpop (xrf0)  }
0x1e1: {  	v7 =	vadd.s32 s19, v6  }
0x1e2: {  	vm0 =	vgt.s32 v7, $0xACCC  }
0x1e3: {  	v7 =	vmpcnt.ones.xlane vm0;
	_ =	sdelay $0x1  }
0x1e4: {  	v7 =	vxor.u32 $0x80000000, v7  }
0x1e5: {  	(xrf0) =	vmax.scan.msk.u32 $0xffff, v7;
	_ =	sdelay $0x5  }
0x1e6: {  	v7, _, _ =	vpop (xrf0)  }
0x1e7: {  	(v2sf) =	vpush v7, $0xF;
	_ =	sdelay $0xe  }
0x1e8: {  	s0 =	spop (v2sf)  }
0x1e9: {  	s29 =	sxor.u32 $0x80000000, s0  }
0x1ea: {  	s1 =	ssub.s32 $0x10, s29  }
0x1eb: {  	v7 =	vmov s1  }
0x1ec: {  	vm15 =	veq.s32 v7, v0  }
0x1ed: {  	(xrf0) =	vadd.scan.msk.s32 $0xffff, v4;
	v6 =	vnsel vm15, $0x0, v6  }
0x1ee: {  	v4 =	vnsel vm15, $0x0, v5;
	(xrf0) =	vadd.scan.msk.s32 $0xffff, v6  }
0x1ef: {  	(xrf0) =	vadd.scan.msk.s32 $0xffff, v4;
	_ =	sdelay $0x3  }
0x1f0: {  	v4, _, _ =	vpop (xrf0)  }
0x1f1: {  	p0 =	por $0x0, $0x0;
	(v2sf) =	vpush v4, $0xF;
	v5, _, _ =	vpop (xrf0)  }
.Ltmp10:
0x1f2: {  	(v2sf) =	vpush v5, $0xF;
	v4, _, _ =	vpop (xrf0);
	(pc) =	sbr.rel @p0 .LBB2_22-.Ltmp10, $4  }
0x1f3: {  	(v2sf) =	vpush v4, $0xF  }
0x1f4: {  	s26 =	simm.s32 $0x77E0  }
0x1f5: {  	s28 =	simm.s32 $0x800003CF;
	p3 =	por $0x1, $0x1;
	s22 =	simm.s32 $0x0  }
0x1f6: {  	s25 =	smov.u32 s19;
	s21 =	simm.s32 $0x0;
	s24 =	sadd.s32 $0x800003EF, s0;
	v4 =	vld [tilespmem:s26+$0x0]  }
.LBB2_23:
0x1f7: {  	s0 =	smov.u32 s22  }
0x1f8: {  	p4 =	seq.s32 s28, $0x7FFFFFFF;
	_ =	sdelay $0x3  }
0x1f9: {  	v5 =	vperm.xlane v4, v3;
	_ =	sdelay $0x1  }
0x1fa: {  	(xrf0) =	vadd.scan.msk.s32 $0xffff, v5  }
0x1fb: {  	p0 =	seq.s32 s22, $0x0  }
0x1fc: {  	p1 =	seq.s32 s22, $0x1;
	p5 =	sgt.s32 s29, $0x0;
	s1 =	spop (v2sf)  }
0x1fd: {  	s22 =	simm.s32 $0x1;
	s1 =	simm.s32 @p1 $0x0;
	s3 =	spop (v2sf)  }
0x1fe: {  	p0 =	por !p5, !p0;
	s3 =	sadd.s32 s25, s3;
	s4 =	spop (v2sf)  }
0x1ff: {  	p0 =	por !p0, !p0;
	s25 =	sadd.s32 s25, s1;
	s3 =	ssub.s32 s3, s4  }
0x200: {  	s22 =	simm.s32 @!p5 $0x0;
	v6, _, _ =	vpop (xrf0);
	s25 =	smov.u32 @p0 s3  }
0x201: {  	s21 =	smov.u32 @p0 s24;
	p0 =	sgt.s32 s0, s22;
	v7 =	vadd.s32 s25, v6  }
0x202: {  	s22 =	smov.u32 @p0 s0;
	vm0 =	vgt.s32 v7, $0xACCC  }
0x203: {  	v7 =	vmpcnt.ones.xlane vm0;
	_ =	sdelay $0x1  }
0x204: {  	v7 =	vxor.u32 $0x80000000, v7  }
0x205: {  	(xrf0) =	vmax.scan.msk.u32 $0xffff, v7;
	_ =	sdelay $0x5  }
0x206: {  	v7, _, _ =	vpop (xrf0)  }
0x207: {  	(v2sf) =	vpush v7, $0xF;
	_ =	sdelay $0xe  }
0x208: {  	s0 =	spop (v2sf)  }
0x209: {  	s29 =	sxor.u32 $0x80000000, s0;
	s24 =	sadd.s32 s23, s0;
	s23 =	smov.u32 s28  }
0x20a: {  	s0 =	ssub.s32 $0x10, s29  }
0x20b: {  	v7 =	vmov s0  }
0x20c: {  	vm0 =	veq.s32 v7, v0  }
0x20d: {  	v6 =	vnsel vm0, $0x0, v6;
	(xrf0) =	vadd.scan.msk.s32 $0xffff, v4  }
0x20e: {  	v4 =	vnsel vm0, $0x0, v5;
	(xrf0) =	vadd.scan.msk.s32 $0xffff, v6  }
0x20f: {  	(xrf0) =	vadd.scan.msk.s32 $0xffff, v4;
	_ =	sdelay $0x3  }
0x210: {  	v4, _, _ =	vpop (xrf0)  }
0x211: {  	v5, _, _ =	vpop (xrf0);
	(v2sf) =	vpush v4, $0xF  }
0x212: {  	(v2sf) =	vpush v5, $0xF;
	v4, _, _ =	vpop (xrf0)  }
.Ltmp11:
0x213: {  	(v2sf) =	vpush v4, $0xF;
	(pc) =	sbr.rel @!p4 .LBB2_23-.Ltmp11, $3  }
0x214: {  	_ =	sdelay $0x1  }
0x215: {  	s26 =	sadd.s32 $0xFFFFFFF0, s26  }
0x216: {  	s28 =	sadd.s32 $0xFFFFFFF0, s28;
	v4 =	vld [tilespmem:s26+$0x0]  }
0x217: {  	s0 =	smov.u32 s23  }
.LBB2_25:
0x218: {  	_ =	sdelay $0x3  }
0x219: {  	v5 =	vperm.xlane v4, v3;
	_ =	sdelay $0x1  }
0x21a: {  	p0 =	seq.s32 @p3 s22, $0x0;
	p4 =	sgt.s32 @p3 s29, $0x0;
	(xrf0) =	vadd.scan.msk.s32 $0xffff, v5  }
0x21b: {  	p1 =	seq.s32 @p3 s22, $0x1;
	p0 =	por @p3 !p4, !p0;
	s1 =	spop @p3 (v2sf)  }
0x21c: {  	p1 =	por !p1, !p3;
	p0 =	por @p3 !p0, !p0;
	s3 =	spop @p3 (v2sf)  }
0x21d: {  	s1 =	simm.s32 @!p1 $0x0;
	s3 =	sadd.s32 @p3 s25, s3;
	s4 =	spop @p3 (v2sf)  }
0x21e: {  	p5 =	por !p0, !p3;
	s1 =	sadd.s32 @p3 s25, s1;
	s3 =	ssub.s32 @p3 s3, s4  }
0x21f: {  	s3 =	smov.u32 @p5 s1  }
0x220: {  	v6, _, _ =	vpop (xrf0);
	s19 =	smov.u32 @p3 s3  }
0x221: {  	v7 =	vadd.s32 s19, v6  }
0x222: {  	vm0 =	vgt.s32 v7, $0xACCC  }
0x223: {  	v7 =	vmpcnt.ones.xlane vm0;
	_ =	sdelay $0x1  }
0x224: {  	v7 =	vxor.u32 $0x80000000, v7  }
0x225: {  	(xrf0) =	vmax.scan.msk.u32 $0xffff, v7;
	_ =	sdelay $0x5  }
0x226: {  	v7, _, _ =	vpop (xrf0)  }
0x227: {  	(v2sf) =	vpush v7, $0xF;
	_ =	sdelay $0xe  }
0x228: {  	s26 =	spop (v2sf)  }
0x229: {  	s28 =	sxor.u32 $0x80000000, s26  }
0x22a: {  	s29 =	ssub.s32 $0x10, s28  }
0x22b: {  	v63 =	vmov s29  }
0x22c: {  	vm15 =	veq.s32 v63, v0  }
0x22d: {  	(xrf0) =	vadd.scan.msk.s32 $0xffff, v4;
	v6 =	vnsel vm15, $0x0, v6  }
0x22e: {  	v4 =	vnsel vm15, $0x0, v5;
	(xrf0) =	vadd.scan.msk.s32 $0xffff, v6  }
0x22f: {  	(xrf0) =	vadd.scan.msk.s32 $0xffff, v4;
	_ =	sdelay $0x3  }
0x230: {  	v4, _, _ =	vpop (xrf0)  }
0x231: {  	(v2sf) =	vpush v4, $0xF;
	v5, _, _ =	vpop (xrf0)  }
0x232: {  	(v2sf) =	vpush v5, $0xF;
	v4, _, _ =	vpop (xrf0)  }
0x233: {  	(v2sf) =	vpush v4, $0xF  }
0x234: {  	p0 =	por !p4, !p3;
	s4 =	simm.s32 $0x1  }
0x235: {  	s4 =	simm.s32 @p0 $0x0  }
0x236: {  	p0 =	sgt.s32 @p3 s22, s4  }
0x237: {  	p0 =	por !p0, !p3  }
0x238: {  	s22 =	smov.u32 @p0 s4;
	s4 =	simm.s32 $0x0  }
0x239: {  	s4 =	smov.u32 @p3 s22  }
0x23a: {  	s24 =	smov.u32 @p5 s21;
	p4 =	seq.s32 s4, $0x0;
	p5 =	sgt.s32 s28, $0x0  }
0x23b: {  	p0 =	por !p5, !p4  }
0x23c: {  	s20 =	smov.u32 @p3 s24;
	s0 =	sadd.s32 s0, s26;
	p0 =	por !p0, !p0  }
0x23d: {  	s20 =	smov.u32 @p0 s0;
	s0 =	simm.s32 $0x6C40  }
0x23e: {  	[tilespmem:s0+$0xFFFFFFC0] =	vst v1  }
0x23f: {  	[tilespmem:s0+$0x30] =	vst v1  }
0x240: {  	[tilespmem:s0+$0x20] =	vst v1;
	s1 =	spop (v2sf)  }
0x241: {  	p1 =	seq.s32 s4, $0x1;
	[tilespmem:s0+$0x10] =	vst v1;
	s30 =	spop (v2sf)  }
0x242: {  	[tilespmem:s0+$0x0] =	vst v1;
	s1 =	simm.s32 @p1 $0x0;
	s3 =	sadd.s32 s19, s30;
	s31 =	spop (v2sf)  }
0x243: {  	[tilespmem:s0+$0xFFFFFFF0] =	vst v1;
	s19 =	sadd.s32 s19, s1;
	s3 =	ssub.s32 s3, s31  }
0x244: {  	[tilespmem:s0+$0xFFFFFFE0] =	vst v1;
	s1 =	simm.s32 $0x0;
	s19 =	smov.u32 @p0 s3  }
.LBB2_26:
0x245: {  	s1 =	sadd.s32 $0x8, s1;
	[tilespmem:s0+$0xFFFFFFD0] =	vst v1;
	s0 =	sadd.s32 $0x80, s0  }
0x246: {  	[tilespmem:s0+$0xFFFFFFC0] =	vst v1;
	p0 =	slt.u32 s1, $0x78  }
0x247: {  	[tilespmem:s0+$0x30] =	vst v1  }
.Ltmp12:
0x248: {  	[tilespmem:s0+$0x20] =	vst v1;
	(pc) =	sbr.rel @p0 .LBB2_26-.Ltmp12, $4  }
0x249: {  	[tilespmem:s0+$0x10] =	vst v1  }
0x24a: {  	[tilespmem:s0+$0x0] =	vst v1  }
0x24b: {  	[tilespmem:s0+$0xFFFFFFF0] =	vst v1  }
0x24c: {  	[tilespmem:s0+$0xFFFFFFE0] =	vst v1  }
0x24d: {  	[tilespmem:s0+$0xFFFFFFD0] =	vst v1;
	s31 =	simm.s32 $0x40  }
0x24e: {  	v5 =	vld [tilespmem:s31+$0x30]  }
0x24f: {  	v6 =	vld [tilespmem:s31+$0xFFFFFFD0]  }
0x250: {  	v7 =	vld [tilespmem:s31+$0xFFFFFFE0]  }
0x251: {  	v8 =	vld [tilespmem:s31+$0xFFFFFFF0]  }
0x252: {  	v9 =	vld [tilespmem:s31+$0x0]  }
0x253: {  	s30 =	sshll.u32 s20, $0xA;
	v10 =	vld [tilespmem:s31+$0x10]  }
0x254: {  	s18 =	sor.u32 s18, s30;
	v13 =	vld [tilespmem:s31+$0x20]  }
0x255: {  	v4 =	vmov s18;
	v11 =	vand.u32 $0x7FFFFC00, v5  }
0x256: {  	v12 =	vand.u32 $0x7FFFFC00, v6;
	v5 =	vand.u32 $0x3FF, v5;
	v58 =	vand.u32 $0x7FFFFC00, v7  }
0x257: {  	v6 =	vand.u32 $0x3FF, v6;
	v59 =	vand.u32 $0x7FFFFC00, v8;
	v7 =	vand.u32 $0x3FF, v7  }
0x258: {  	v60 =	vand.u32 $0x7FFFFC00, v9;
	v8 =	vand.u32 $0x3FF, v8;
	vm0 =	veq.s32 v11, v4;
	v11 =	vld [tilespmem:s31+$0xFFFFFFC0]  }
0x259: {  	v61 =	vand.u32 $0x7FFFFC00, v10;
	v14 =	vand.u32 $0x3FF, v9;
	v9 =	vand.u32 $0x7FFFFC00, v13  }
0x25a: {  	v63 =	vand.u32 $0x3FF, v10;
	vm1 =	veq.s32 v12, v4;
	v5 =	vnsel vm0, $0x7FF, v5  }
0x25b: {  	vm2 =	veq.s32 v58, v4;
	vm3 =	veq.s32 v59, v4;
	vm4 =	veq.s32 v60, v4  }
0x25c: {  	vm5 =	veq.s32 v61, v4;
	vm0 =	veq.s32 v9, v4;
	v9 =	vnsel vm1, $0x7FF, v6  }
0x25d: {  	v7 =	vnsel vm2, $0x7FF, v7;
	v8 =	vnsel vm3, $0x7FF, v8;
	v62 =	vand.u32 $0x7FFFFC00, v11  }
0x25e: {  	v6 =	vnsel vm4, $0x7FF, v14;
	v15 =	vand.u32 $0x3FF, v11;
	vm6 =	veq.s32 v62, v4  }
0x25f: {  	s0 =	simm.s32 $0x0;
	s3 =	simm.s32 $0xC0;
	v11 =	vand.u32 $0x3FF, v13;
	[tilespmem:v5+s11+$0x0] =	vst.idx.add.s32.msk $0xffff, v2;
	v5 =	vnsel vm5, $0x7FF, v63;
	v10 =	vnsel vm6, $0x7FF, v15  }
.LBB2_28:
0x260: {  	v12 =	vld [tilespmem:s3+$0x30];
	s0 =	sadd.s32 $0x8, s0;
	v13 =	vnsel vm0, $0x7FF, v11  }
0x261: {  	v11 =	vld [tilespmem:s3+$0xFFFFFFD0];
	p3 =	slt.u32 s0, $0x6B8  }
0x262: {  	v14 =	vld [tilespmem:s3+$0xFFFFFFE0]  }
0x263: {  	v15 =	vld [tilespmem:s3+$0xFFFFFFF0]  }
0x264: {  	v16 =	vld [tilespmem:s3+$0x0]  }
0x265: {  	v17 =	vld [tilespmem:s3+$0x10];
	v18 =	vand.u32 $0x7FFFFC00, v12  }
0x266: {  	v12 =	vand.u32 $0x3FF, v12;
	v19 =	vand.u32 $0x7FFFFC00, v11;
	v20 =	vld [tilespmem:s3+$0x20];
	vm0 =	veq.s32 v18, v4  }
0x267: {  	v18 =	vld [tilespmem:s3+$0xFFFFFFC0];
	vm1 =	veq.s32 v19, v4;
	v19 =	vand.u32 $0x7FFFFC00, v14;
	v12 =	vnsel vm0, $0x7FF, v12  }
0x268: {  	v21 =	vand.u32 $0x3FF, v11;
	vm2 =	veq.s32 v19, v4;
	v11 =	vand.u32 $0x7FFFFC00, v15;
	[tilespmem:v10+s11+$0x0] =	vst.idx.add.s32.msk $0xffff, v2  }
0x269: {  	v14 =	vand.u32 $0x3FF, v14;
	vm3 =	veq.s32 v11, v4;
	v10 =	vand.u32 $0x7FFFFC00, v16;
	[tilespmem:v9+s11+$0x0] =	vst.idx.add.s32.msk $0xffff, v2  }
0x26a: {  	v15 =	vand.u32 $0x3FF, v15;
	vm4 =	veq.s32 v10, v4;
	v9 =	vand.u32 $0x7FFFFC00, v17;
	[tilespmem:v7+s11+$0x0] =	vst.idx.add.s32.msk $0xffff, v2  }
.Ltmp13:
0x26b: {  	v16 =	vand.u32 $0x3FF, v16;
	vm5 =	veq.s32 v9, v4;
	v7 =	vand.u32 $0x7FFFFC00, v20;
	[tilespmem:v8+s11+$0x0] =	vst.idx.add.s32.msk $0xffff, v2;
	(pc) =	sbr.rel @p3 .LBB2_28-.Ltmp13, $4  }
0x26c: {  	v8 =	vand.u32 $0x7FFFFC00, v18;
	v9 =	vand.u32 $0x3FF, v18;
	vm0 =	veq.s32 v7, v4;
	[tilespmem:v12+s11+$0x0] =	vst.idx.add.s32.msk $0xffff, v2  }
0x26d: {  	v11 =	vand.u32 $0x3FF, v20;
	v12 =	vand.u32 $0x3FF, v17;
	vm6 =	veq.s32 v8, v4;
	[tilespmem:v6+s11+$0x0] =	vst.idx.add.s32.msk $0xffff, v2  }
0x26e: {  	v7 =	vnsel vm2, $0x7FF, v14;
	v10 =	vnsel vm6, $0x7FF, v9;
	v9 =	vnsel vm1, $0x7FF, v21;
	[tilespmem:v5+s11+$0x0] =	vst.idx.add.s32.msk $0xffff, v2  }
0x26f: {  	s3 =	sadd.s32 $0x80, s3;
	v8 =	vnsel vm3, $0x7FF, v15;
	v6 =	vnsel vm4, $0x7FF, v16;
	v5 =	vnsel vm5, $0x7FF, v12;
	[tilespmem:v13+s11+$0x0] =	vst.idx.add.s32.msk $0xffff, v2  }
0x270: {  	_ =	sdelay $0x3  }
0x271: {  	[tilespmem:v10+s11+$0x0] =	vst.idx.add.s32.msk $0xffff, v2  }
0x272: {  	v4 =	vnsel vm0, $0x7FF, v11;
	[tilespmem:v9+s11+$0x0] =	vst.idx.add.s32.msk $0xffff, v2  }
0x273: {  	[tilespmem:v7+s11+$0x0] =	vst.idx.add.s32.msk $0xffff, v2  }
0x274: {  	[tilespmem:v8+s11+$0x0] =	vst.idx.add.s32.msk $0xffff, v2  }
0x275: {  	[tilespmem:v6+s11+$0x0] =	vst.idx.add.s32.msk $0xffff, v2  }
0x276: {  	[tilespmem:v5+s11+$0x0] =	vst.idx.add.s32.msk $0xffff, v2  }
0x277: {  	[tilespmem:v4+s11+$0x0] =	vst.idx.add.s32.msk $0xffff, v2  }
0x278: {  	[spmem:s6] =	stream.strided.scatter [tilespmem:s11], [sflag:$0x1], $0x800, s13, s12, $0x38;
	[tilespmem:$0x17890] =	vst v63  }
0x279: {  	_ =	swait.ge [sflag:s10], $0x800  }
0x27a: {  	[sflag:s10] =	ssyncset.done $0x0  }
0x27b: {  	[sflag:s10] =	ssyncadd.s32 $0xFFFFF800  }
0x27c: {  	s21 =	simm.s32 $0x0;
	[bflag:$0x0] =	sbarrier.arrive $0xFFFF  }
0x27d: {  	[tilespmem:s14], [sflag:$0x1] =	stream.linear.gather [spmem:s2], $0x8000, $0x38;
	[tilespmem:$0x17890] =	vst v63  }
0x27e: {  	s0 =	sand.u32 $0x60, s21;
	s1 =	sand.u32 $0x1C00, s21;
	_ =	swait.ge [sflag:s10], $0x8000  }
0x27f: {  	s3 =	sadd.s32 $0x7C00, s1;
	s22 =	sor.u32 $0x10, s0;
	[sflag:s10] =	ssyncset.done $0x0  }
0x280: {  	s4 =	sor.u32 s22, s3;
	[sflag:s10] =	ssyncadd.s32 $0xFFFF8000  }
0x281: {  	v4 =	vld [tilespmem:s4+$0x0]  }
0x282: {  	v5 =	vld [tilespmem:s4+$0x80]  }
0x283: {  	v6 =	vld [tilespmem:s4+$0x100]  }
0x284: {  	v7 =	vld [tilespmem:s4+$0x180]  }
0x285: {  	v8 =	vld [tilespmem:s4+$0x200]  }
0x286: {  	v9 =	vld [tilespmem:s4+$0x280]  }
0x287: {  	s15 =	sadd.s32 $0xBC00, s1;
	v10 =	vld [tilespmem:s4+$0x300]  }
0x288: {  	s16 =	sadd.s32 $0xBC80, s1;
	s25 =	sor.u32 s22, s15;
	v11 =	vld [tilespmem:s4+$0x380]  }
0x289: {  	s20 =	sadd.s32 $0xBD00, s1;
	s26 =	sor.u32 s22, s16;
	v12 =	vld [tilespmem:s25+$0x0]  }
0x28a: {  	s23 =	sadd.s32 $0xBD80, s1;
	s28 =	sor.u32 s22, s20;
	v13 =	vld [tilespmem:s26+$0x0]  }
0x28b: {  	s24 =	sadd.s32 $0xBE00, s1;
	s31 =	sor.u32 s22, s23;
	v14 =	vld [tilespmem:s28+$0x0]  }
0x28c: {  	s5 =	sor.u32 s22, s24;
	v15 =	vld [tilespmem:s31+$0x0]  }
0x28d: {  	s3 =	sor.u32 s0, s3;
	v16 =	vld [tilespmem:s5+$0x0]  }
0x28e: {  	v20 =	vld [tilespmem:s3+$0x0]  }
0x28f: {  	v21 =	vld [tilespmem:s3+$0x80]  }
0x290: {  	v22 =	vld [tilespmem:s3+$0x100]  }
0x291: {  	v23 =	vld [tilespmem:s3+$0x180]  }
0x292: {  	v24 =	vld [tilespmem:s3+$0x200]  }
0x293: {  	v25 =	vld [tilespmem:s3+$0x280]  }
0x294: {  	v26 =	vld [tilespmem:s3+$0x300]  }
0x295: {  	s15 =	sor.u32 s0, s15;
	v27 =	vld [tilespmem:s3+$0x380]  }
0x296: {  	s16 =	sor.u32 s0, s16;
	v28 =	vld [tilespmem:s15+$0x0]  }
0x297: {  	s20 =	sor.u32 s0, s20;
	v29 =	vld [tilespmem:s16+$0x0]  }
0x298: {  	s23 =	sor.u32 s0, s23;
	v30 =	vld [tilespmem:s20+$0x0]  }
0x299: {  	s24 =	sor.u32 s0, s24;
	s25 =	sadd.s32 $0xBE80, s1;
	v31 =	vld [tilespmem:s23+$0x0]  }
0x29a: {  	s26 =	sadd.s32 $0xBF00, s1;
	v32 =	vld [tilespmem:s24+$0x0];
	s28 =	sor.u32 s22, s25  }
0x29b: {  	s1 =	sadd.s32 $0xBF80, s1;
	s31 =	sor.u32 s22, s26;
	v17 =	vld [tilespmem:s28+$0x0]  }
0x29c: {  	s5 =	sor.u32 s22, s1;
	v18 =	vld [tilespmem:s31+$0x0]  }
0x29d: {  	s24 =	simm.s32 $0x20;
	v19 =	vld [tilespmem:s5+$0x0];
	s28 =	sor.u32 s0, s25;
	s31 =	simm.s32 $0x100  }
0x29e: {  	s23 =	sand.u32 $0x60, s24;
	s5 =	sor.u32 s0, s26;
	s4 =	sand.u32 $0x1C00, s31;
	v33 =	vld [tilespmem:s28+$0x0]  }
0x29f: {  	s0 =	sor.u32 s0, s1;
	s25 =	sor.u32 $0x10, s23;
	v34 =	vld [tilespmem:s5+$0x0];
	s1 =	sadd.s32 $0x7C00, s4  }
0x2a0: {  	v35 =	vld [tilespmem:s0+$0x0];
	s16 =	sor.u32 s25, s1  }
0x2a1: {  	v36 =	vld [tilespmem:s16+$0x0]  }
0x2a2: {  	v37 =	vld [tilespmem:s16+$0x80]  }
0x2a3: {  	v38 =	vld [tilespmem:s16+$0x100]  }
0x2a4: {  	v39 =	vld [tilespmem:s16+$0x180]  }
0x2a5: {  	v40 =	vld [tilespmem:s16+$0x200]  }
0x2a6: {  	v41 =	vld [tilespmem:s16+$0x280]  }
0x2a7: {  	s20 =	sadd.s32 $0xBC00, s4;
	v42 =	vld [tilespmem:s16+$0x300]  }
0x2a8: {  	s30 =	sadd.s32 $0xBE00, s4;
	v4 =	vadd.s32 v4, v5;
	s26 =	sor.u32 s25, s20;
	v5 =	vld [tilespmem:s16+$0x380]  }
0x2a9: {  	s15 =	sor.u32 s25, s30;
	v4 =	vadd.s32 v6, v4;
	v6 =	vld [tilespmem:s26+$0x0]  }
0x2aa: {  	s1 =	sor.u32 s23, s1;
	v54 =	vld [tilespmem:s15+$0x0];
	v4 =	vadd.s32 v7, v4  }
0x2ab: {  	v58 =	vld [tilespmem:s1+$0x0];
	v4 =	vadd.s32 v8, v4  }
0x2ac: {  	s0 =	sadd.s32 $0xBC80, s4;
	v59 =	vld [tilespmem:s1+$0x80];
	v4 =	vadd.s32 v9, v4  }
0x2ad: {  	s3 =	sadd.s32 $0xBF80, s4;
	s28 =	sor.u32 s25, s0;
	v60 =	vld [tilespmem:s1+$0x100];
	v4 =	vadd.s32 v10, v4;
	v10 =	vadd.s32 v20, v21  }
0x2ae: {  	s29 =	sadd.s32 $0xBD00, s4;
	s15 =	sor.u32 s25, s3;
	v7 =	vld [tilespmem:s28+$0x0];
	v4 =	vadd.s32 v11, v4;
	v10 =	vadd.s32 v22, v10;
	v11 =	vadd.s32 v36, v37  }
0x2af: {  	s31 =	sor.u32 s25, s29;
	s26 =	sadd.s32 $0xBD80, s4;
	v57 =	vld [tilespmem:s15+$0x0];
	v4 =	vadd.s32 v12, v4;
	v10 =	vadd.s32 v23, v10;
	v11 =	vadd.s32 v38, v11  }
0x2b0: {  	s5 =	sor.u32 s25, s26;
	s28 =	sadd.s32 $0xBE80, s4;
	v8 =	vld [tilespmem:s31+$0x0];
	v4 =	vadd.s32 v13, v4;
	v10 =	vadd.s32 v24, v10;
	v11 =	vadd.s32 v39, v11  }
0x2b1: {  	s31 =	sadd.s32 $0xBF00, s4;
	s16 =	sor.u32 s25, s28;
	v9 =	vld [tilespmem:s5+$0x0];
	v4 =	vadd.s32 v14, v4;
	v10 =	vadd.s32 v25, v10;
	v11 =	vadd.s32 v40, v11  }
0x2b2: {  	v55 =	vld [tilespmem:s16+$0x0];
	s5 =	sor.u32 s25, s31;
	v4 =	vadd.s32 v15, v4;
	v10 =	vadd.s32 v26, v10;
	v11 =	vadd.s32 v41, v11  }
0x2b3: {  	v56 =	vld [tilespmem:s5+$0x0];
	v4 =	vadd.s32 v16, v4;
	v10 =	vadd.s32 v27, v10;
	v11 =	vadd.s32 v42, v11  }
0x2b4: {  	v4 =	vadd.s32 v17, v4;
	v10 =	vadd.s32 v28, v10;
	v5 =	vadd.s32 v5, v11;
	v11 =	vld [tilespmem:s1+$0x180]  }
0x2b5: {  	v4 =	vadd.s32 v18, v4;
	v10 =	vadd.s32 v29, v10;
	v5 =	vadd.s32 v6, v5;
	v6 =	vld [tilespmem:s1+$0x200]  }
0x2b6: {  	v61 =	vadd.s32 v19, v4;
	v4 =	vadd.s32 v30, v10;
	v5 =	vadd.s32 v7, v5;
	v7 =	vld [tilespmem:s1+$0x280]  }
0x2b7: {  	v10 =	vld [tilespmem:s1+$0x300];
	v4 =	vadd.s32 v31, v4;
	v5 =	vadd.s32 v8, v5;
	v8 =	vadd.s32 v58, v59  }
0x2b8: {  	s16 =	sor.u32 s23, s20;
	v4 =	vadd.s32 v32, v4;
	v5 =	vadd.s32 v9, v5;
	v8 =	vadd.s32 v60, v8;
	v9 =	vld [tilespmem:s1+$0x380]  }
0x2b9: {  	s24 =	sand.u32 $0x380, s24;
	s0 =	sor.u32 s23, s0;
	s5 =	sand.u32 $0x380, s21;
	v62 =	vadd.s32 v33, v4;
	v5 =	vadd.s32 v54, v5;
	v8 =	vadd.s32 v11, v8;
	v4 =	vld [tilespmem:s16+$0x0]  }
0x2ba: {  	s15 =	sor.u32 s23, s29;
	s29 =	sor.u32 s23, s28;
	s1 =	sor.u32 s22, s5;
	v11 =	vadd.s32 v34, v62;
	v63 =	vadd.s32 v55, v5;
	v6 =	vadd.s32 v6, v8;
	v5 =	vld [tilespmem:s0+$0x0]  }
0x2bb: {  	s20 =	simm.s32 $0x7400;
	s21 =	simm.s32 $0x2;
	[tilespmem:s1+$0x7400] =	vst v61;
	s16 =	sor.u32 s23, s26;
	v8 =	vadd.s32 v35, v11;
	v11 =	vadd.s32 v56, v63;
	v7 =	vadd.s32 v7, v6;
	v6 =	vld [tilespmem:s15+$0x0]  }
0x2bc: {  	s22 =	sor.u32 s23, s30;
	s26 =	sor.u32 s23, s31;
	s31 =	sor.u32 s25, s24;
	[tilespmem:s20+$0x0] =	vst v8;
	v8 =	vadd.s32 v57, v11;
	v10 =	vadd.s32 v10, v7;
	v7 =	vld [tilespmem:s16+$0x0]  }
0x2bd: {  	s30 =	sor.u32 s23, s3;
	s23 =	simm.s32 $0x40;
	[tilespmem:s31+$0x7400] =	vst v8;
	v9 =	vadd.s32 v9, v10;
	v8 =	vld [tilespmem:s22+$0x0];
	s22 =	simm.s32 $0x200  }
.LBB2_30:
0x2be: {  	s28 =	sand.u32 $0x60, s23;
	s0 =	sand.u32 $0x1C00, s22;
	v4 =	vadd.s32 v4, v9;
	v9 =	vld [tilespmem:s29+$0x0]  }
0x2bf: {  	s21 =	sadd.s32 $0x2, s21;
	s1 =	sadd.s32 $0x7C00, s0;
	s25 =	sor.u32 $0x10, s28;
	v4 =	vadd.s32 v5, v4;
	v5 =	vld [tilespmem:s26+$0x0]  }
0x2c0: {  	p3 =	slt.u32 s21, $0x3E;
	s24 =	sor.u32 s28, s1;
	s1 =	sor.u32 s25, s1;
	v4 =	vadd.s32 v6, v4;
	v6 =	vld [tilespmem:s30+$0x0]  }
0x2c1: {  	v10 =	vld [tilespmem:s1+$0x0];
	v4 =	vadd.s32 v7, v4  }
0x2c2: {  	v7 =	vld [tilespmem:s1+$0x80];
	v4 =	vadd.s32 v8, v4  }
0x2c3: {  	v8 =	vld [tilespmem:s1+$0x100];
	v4 =	vadd.s32 v9, v4  }
0x2c4: {  	v9 =	vld [tilespmem:s1+$0x180];
	v4 =	vadd.s32 v5, v4  }
0x2c5: {  	s20 =	sadd.s32 $0x20, s20;
	v5 =	vld [tilespmem:s1+$0x200];
	v4 =	vadd.s32 v6, v4  }
0x2c6: {  	v6 =	vld [tilespmem:s1+$0x280];
	[tilespmem:s20+$0x0] =	vst v4  }
0x2c7: {  	s3 =	sadd.s32 $0xBC00, s0;
	v4 =	vadd.s32 v10, v7;
	v7 =	vld [tilespmem:s1+$0x300]  }
0x2c8: {  	s4 =	sadd.s32 $0xBC80, s0;
	s31 =	sor.u32 s28, s3;
	v4 =	vadd.s32 v8, v4;
	v8 =	vld [tilespmem:s1+$0x380];
	s1 =	sor.u32 s25, s3  }
0x2c9: {  	s16 =	sadd.s32 $0xBD00, s0;
	s3 =	sor.u32 s28, s4;
	v4 =	vadd.s32 v9, v4;
	v9 =	vld [tilespmem:s1+$0x0];
	s1 =	sor.u32 s25, s4  }
0x2ca: {  	s15 =	sor.u32 s28, s16;
	s4 =	sadd.s32 $0xBD80, s0;
	v4 =	vadd.s32 v5, v4;
	v5 =	vld [tilespmem:s1+$0x0];
	s1 =	sor.u32 s25, s16  }
0x2cb: {  	s26 =	sadd.s32 $0xBE00, s0;
	s16 =	sor.u32 s28, s4;
	s4 =	sor.u32 s25, s4;
	v4 =	vadd.s32 v6, v4;
	v6 =	vld [tilespmem:s1+$0x0]  }
0x2cc: {  	s30 =	sadd.s32 $0xBE80, s0;
	s1 =	sor.u32 s28, s26;
	v4 =	vadd.s32 v7, v4;
	v7 =	vld [tilespmem:s4+$0x0];
	s4 =	sor.u32 s25, s26  }
0x2cd: {  	s5 =	sadd.s32 $0xBF00, s0;
	s29 =	sor.u32 s28, s30;
	v4 =	vadd.s32 v8, v4;
	v8 =	vld [tilespmem:s4+$0x0];
	s4 =	sor.u32 s25, s30  }
0x2ce: {  	s0 =	sadd.s32 $0xBF80, s0;
	s26 =	sor.u32 s28, s5;
	v4 =	vadd.s32 v9, v4;
	v9 =	vld [tilespmem:s4+$0x0];
	s4 =	sor.u32 s25, s5  }
0x2cf: {  	s30 =	sor.u32 s28, s0;
	s0 =	sor.u32 s25, s0;
	v4 =	vadd.s32 v5, v4;
	v5 =	vld [tilespmem:s4+$0x0]  }
0x2d0: {  	v4 =	vadd.s32 v6, v4;
	v6 =	vld [tilespmem:s0+$0x0]  }
0x2d1: {  	v10 =	vld [tilespmem:s24+$0x0];
	v4 =	vadd.s32 v7, v4  }
0x2d2: {  	v7 =	vld [tilespmem:s24+$0x80];
	v4 =	vadd.s32 v8, v4  }
0x2d3: {  	v8 =	vld [tilespmem:s24+$0x100];
	v4 =	vadd.s32 v9, v4  }
0x2d4: {  	s0 =	sand.u32 $0x380, s23;
	v9 =	vld [tilespmem:s24+$0x180];
	v4 =	vadd.s32 v5, v4  }
0x2d5: {  	s0 =	sor.u32 s25, s0;
	v5 =	vld [tilespmem:s24+$0x200];
	v4 =	vadd.s32 v6, v4  }
0x2d6: {  	v6 =	vld [tilespmem:s24+$0x280];
	[tilespmem:s0+$0x7400] =	vst v4  }
0x2d7: {  	v4 =	vadd.s32 v10, v7;
	v7 =	vld [tilespmem:s24+$0x300]  }
0x2d8: {  	v4 =	vadd.s32 v8, v4;
	v8 =	vld [tilespmem:s24+$0x380]  }
.Ltmp14:
0x2d9: {  	v9 =	vadd.s32 v9, v4;
	v4 =	vld [tilespmem:s31+$0x0];
	(pc) =	sbr.rel @p3 .LBB2_30-.Ltmp14, $4  }
0x2da: {  	v9 =	vadd.s32 v5, v9;
	v5 =	vld [tilespmem:s3+$0x0]  }
0x2db: {  	v9 =	vadd.s32 v6, v9;
	v6 =	vld [tilespmem:s15+$0x0]  }
0x2dc: {  	v9 =	vadd.s32 v7, v9;
	v7 =	vld [tilespmem:s16+$0x0]  }
0x2dd: {  	s22 =	sadd.s32 $0x100, s22;
	s23 =	sadd.s32 $0x20, s23;
	v9 =	vadd.s32 v8, v9;
	v8 =	vld [tilespmem:s1+$0x0]  }
0x2de: {  	v4 =	vadd.s32 v4, v9;
	v62 =	vld [tilespmem:s29+$0x0]  }
0x2df: {  	v4 =	vadd.s32 v5, v4;
	v5 =	vld [tilespmem:s26+$0x0]  }
0x2e0: {  	v63 =	vld [tilespmem:s30+$0x0];
	v4 =	vadd.s32 v6, v4  }
0x2e1: {  	v4 =	vadd.s32 v7, v4  }
0x2e2: {  	v4 =	vadd.s32 v8, v4  }
0x2e3: {  	v4 =	vadd.s32 v62, v4  }
0x2e4: {  	v4 =	vadd.s32 v5, v4  }
0x2e5: {  	s0 =	sadd.s32 $0x20, s20;
	v4 =	vadd.s32 v63, v4  }
0x2e6: {  	s3 =	simm.s32 $0x0;
	s1 =	simm.s32 $0x77F0;
	s20 =	simm.s32 $0x0;
	[tilespmem:s0+$0x0] =	vst v4  }
0x2e7: {  	s21 =	simm.s32 $0x0;
	s0 =	simm.s32 $0x800003EF;
	[bflag:$0x0] =	sbarrier.arrive $0xFFFF  }
.LBB2_32:
0x2e8: {  	v4 =	vld [tilespmem:s1+$0x0];
	_ =	sdelay $0x4  }
0x2e9: {  	v5 =	vperm.xlane v4, v3;
	_ =	sdelay $0x1  }
0x2ea: {  	(xrf0) =	vadd.scan.msk.s32 $0xffff, v5;
	_ =	sdelay $0x5  }
0x2eb: {  	v6, _, _ =	vpop (xrf0)  }
0x2ec: {  	v7 =	vadd.s32 s19, v6  }
0x2ed: {  	vm0 =	vgt.s32 v7, $0xACCC  }
0x2ee: {  	v7 =	vmpcnt.ones.xlane vm0;
	_ =	sdelay $0x1  }
0x2ef: {  	v7 =	vxor.u32 $0x80000000, v7  }
0x2f0: {  	(xrf0) =	vmax.scan.msk.u32 $0xffff, v7;
	_ =	sdelay $0x5  }
0x2f1: {  	v7, _, _ =	vpop (xrf0)  }
0x2f2: {  	(v2sf) =	vpush v7, $0xF;
	_ =	sdelay $0xe  }
0x2f3: {  	s4 =	spop (v2sf)  }
0x2f4: {  	s5 =	sxor.u32 $0x80000000, s4  }
0x2f5: {  	s15 =	ssub.s32 $0x10, s5  }
0x2f6: {  	v63 =	vmov s15  }
0x2f7: {  	vm15 =	veq.s32 v63, v0  }
0x2f8: {  	v6 =	vnsel vm15, $0x0, v6  }
0x2f9: {  	v5 =	vnsel vm15, $0x0, v5;
	(xrf0) =	vadd.scan.msk.s32 $0xffff, v6  }
0x2fa: {  	(xrf0) =	vadd.scan.msk.s32 $0xffff, v5  }
0x2fb: {  	(xrf0) =	vadd.scan.msk.s32 $0xffff, v4;
	_ =	sdelay $0x3  }
0x2fc: {  	v4, _, _ =	vpop (xrf0)  }
0x2fd: {  	v5, _, _ =	vpop (xrf0);
	(v2sf) =	vpush v4, $0xF  }
0x2fe: {  	(v2sf) =	vpush v5, $0xF;
	v4, _, _ =	vpop (xrf0)  }
0x2ff: {  	(v2sf) =	vpush v4, $0xF;
	_ =	sdelay $0xb  }
0x300: {  	s22 =	smov.u32 s3  }
0x301: {  	s3 =	simm.s32 $0x1;
	p0 =	sgt.s32 s5, $0x0;
	s30 =	spop (v2sf)  }
0x302: {  	p1 =	seq.s32 s22, $0x0;
	s3 =	simm.s32 @!p0 $0x0;
	s16 =	spop (v2sf)  }
0x303: {  	p0 =	por !p0, !p1;
	p1 =	seq.s32 s22, $0x1;
	s5 =	spop (v2sf)  }
0x304: {  	s5 =	simm.s32 @p1 $0x0;
	p1 =	sne.s32 s0, $0x7FFFFFFF  }
.Ltmp15:
0x305: {  	_ = 	snop;
	(pc) =	sbr.rel @p1 .LBB2_32-.Ltmp15, $4  }
0x306: {  	s4 =	sadd.s32 s0, s4;
	p0 =	por !p0, !p0;
	s31 =	sadd.s32 s19, s30  }
0x307: {  	s21 =	smov.u32 @p0 s4;
	s4 =	ssub.s32 s31, s16;
	s19 =	sadd.s32 s19, s5  }
0x308: {  	s20 =	smov.u32 @p0 s16;
	s19 =	smov.u32 @p0 s4;
	p0 =	sgt.s32 s22, s3  }
0x309: {  	s1 =	sadd.s32 $0xFFFFFFF0, s1;
	s0 =	sadd.s32 $0xFFFFFFF0, s0;
	s3 =	smov.u32 @p0 s22  }
0x30a: {  	v4 =	vmov s21  }
0x30b: {  	v4 =	vand.u32 $0x3FF, v4  }
0x30c: {  	v4 =	vbroadcast v4, $0x0;
	_ =	sdelay $0x5  }
0x30d: {  	v4 =	vld.idx.msk [tilespmem:v4+s11+$0x0], $0xffff;
	_ =	sdelay $0x4  }
0x30e: {  	v4 =	vxor.u32 $0x80000000, v4  }
0x30f: {  	(xrf0) =	vmax.scan.msk.u32 $0xffff, v4;
	_ =	sdelay $0x5  }
0x310: {  	v4, _, _ =	vpop (xrf0)  }
0x311: {  	(v2sf) =	vpush v4, $0xF;
	_ =	sdelay $0xe  }
0x312: {  	s0 =	spop (v2sf)  }
0x313: {  	s0 =	sxor.u32 $0x80000000, s0  }
0x314: {  	vm0 =	vcmask $0x300;
	v4 =	vmov s0  }
0x315: {  	v4 =	vnsel vm0, $0x0, v4  }
0x316: {  	s16 =	simm.s32 $0x16800;
	[tilespmem:$0x16800] =	vst v4  }
0x317: {  	[spmem:s7] =	stream.linear.scatter [tilespmem:s16], [sflag:$0x1], $0x80, $0x38;
	[tilespmem:$0x17890] =	vst v63  }
0x318: {  	_ =	swait.ge [sflag:s10], $0x80  }
0x319: {  	[sflag:s10] =	ssyncset.done $0x0  }
0x31a: {  	[sflag:s10] =	ssyncadd.s32 $0xFFFFFF80  }
0x31b: {  	[bflag:$0x0] =	sbarrier.arrive $0xFFFF  }
0x31c: {  	s1 =	simm.s32 $0x16880;
	s22 =	rddreg [dreg:$0x2]  }
0x31d: {  	[tilespmem:s1], [sflag:$0x1] =	stream.linear.gather [spmem:s22], $0x800, $0x38;
	[tilespmem:$0x17890] =	vst v63  }
0x31e: {  	_ =	swait.ge [sflag:s10], $0x800  }
0x31f: {  	[sflag:s10] =	ssyncset.done $0x0  }
0x320: {  	v9 =	vld [tilespmem:$0x1FFF0];
	[sflag:s10] =	ssyncadd.s32 $0xFFFFF800  }
0x321: {  	v4 =	vld [tilespmem:$0x16880]  }
0x322: {  	v5 =	vld [tilespmem:$0x16900]  }
0x323: {  	v6 =	vld [tilespmem:$0x16980]  }
0x324: {  	v7 =	vld [tilespmem:$0x16A00]  }
0x325: {  	v8 =	vld [tilespmem:$0x16A80];
	vm0 =	vnez.u8 v9  }
0x326: {  	v9 =	vld [tilespmem:$0x16B00];
	v4 =	vnsel vm0, $0x0, v4  }
0x327: {  	(xrf0) =	vadd.scan.msk.s32 $0xffff, v4;
	v4 =	vnsel vm0, $0x0, v5;
	v5 =	vld [tilespmem:$0x16B80]  }
0x328: {  	(xrf0) =	vadd.scan.msk.s32 $0xffff, v4;
	v4 =	vnsel vm0, $0x0, v6;
	v6 =	vld [tilespmem:$0x16C00]  }
0x329: {  	(xrf0) =	vadd.scan.msk.s32 $0xffff, v4;
	v4 =	vnsel vm0, $0x0, v7;
	v7 =	vld [tilespmem:$0x16C80]  }
0x32a: {  	(xrf0) =	vadd.scan.msk.s32 $0xffff, v4;
	v4 =	vnsel vm0, $0x0, v8  }
0x32b: {  	(xrf0) =	vadd.scan.msk.s32 $0xffff, v4;
	v4 =	vnsel vm0, $0x0, v9  }
0x32c: {  	v8 =	vld [tilespmem:$0x16D00];
	(xrf0) =	vadd.scan.msk.s32 $0xffff, v4;
	v4 =	vnsel vm0, $0x0, v5  }
0x32d: {  	v5, _, _ =	vpop (xrf0);
	(xrf0) =	vadd.scan.msk.s32 $0xffff, v4;
	v4 =	vnsel vm0, $0x0, v6  }
0x32e: {  	(v2sf) =	vpush v5, $0xF;
	v5, _, _ =	vpop (xrf0);
	(xrf0) =	vadd.scan.msk.s32 $0xffff, v4;
	v4 =	vnsel vm0, $0x0, v7  }
0x32f: {  	s23 =	sshll.u32 s19, $0x6;
	v6 =	vld [tilespmem:$0x16D80]  }
0x330: {  	s19 =	ssub.s32 $0x2B3333, s23;
	v7 =	vld [tilespmem:$0x16E00];
	(v2sf) =	vpush v5, $0xF;
	v5, _, _ =	vpop (xrf0);
	(xrf0) =	vadd.scan.msk.s32 $0xffff, v4  }
0x331: {  	s24 =	sshra.s32 s20, $0x1F;
	s3 =	sshra.s32 s19, $0x1F;
	(v2sf) =	vpush v5, $0xF;
	v5 =	vnsel vm0, $0x0, v8;
	v8 =	vld [tilespmem:$0x16E80];
	v4, _, _ =	vpop (xrf0)  }
0x332: {  	s25 =	sxor.u32 s24, s20;
	s4 =	sxor.u32 s3, s19;
	(v2sf) =	vpush v4, $0xF;
	v4, _, _ =	vpop (xrf0);
	(xrf0) =	vadd.scan.msk.s32 $0xffff, v5;
	v5 =	vld [tilespmem:$0x16F00]  }
0x333: {  	s4 =	ssub.s32 s4, s3;
	s1 =	ssub.s32 s25, s24;
	v9 =	vld [tilespmem:$0x16F80];
	(v2sf) =	vpush v4, $0xF;
	v4, _, _ =	vpop (xrf0)  }
0x334: {  	(drf) =	sdiv.u32 s4, s1;
	v6 =	vnsel vm0, $0x0, v6;
	(v2sf) =	vpush v4, $0xF;
	v4, _, _ =	vpop (xrf0)  }
0x335: {  	s15 =	sld [smem:$0x7FD];
	(xrf0) =	vadd.scan.msk.s32 $0xffff, v6;
	v6 =	vnsel vm0, $0x0, v7;
	(v2sf) =	vpush v4, $0xF;
	v4, _, _ =	vpop (xrf0)  }
0x336: {  	s28 =	sld [smem:$0x7FC];
	(xrf0) =	vadd.scan.msk.s32 $0xffff, v6;
	v6 =	vnsel vm0, $0x0, v8;
	(v2sf) =	vpush v4, $0xF;
	v4, _, _ =	vpop (xrf0)  }
0x337: {  	s29 =	sld [smem:$0x7FB];
	(xrf0) =	vadd.scan.msk.s32 $0xffff, v6;
	(v2sf) =	vpush v4, $0xF;
	v4 =	vnsel vm0, $0x0, v5  }
0x338: {  	s30 =	sld [smem:$0x7FA];
	v5, _, _ =	vpop (xrf0);
	(xrf0) =	vadd.scan.msk.s32 $0xffff, v4;
	v4 =	vnsel vm0, $0x0, v9  }
0x339: {  	s31 =	sld [smem:$0x7F9]  }
0x33a: {  	s22 =	simm.s32 $0x40;
	s16 =	sld [smem:$0x7F7];
	(xrf0) =	vadd.scan.msk.s32 $0xffff, v4  }
0x33b: {  	s26 =	sor.u32 s18, s21;
	s18 =	sld [smem:$0x7F6];
	v7 =	vld [tilespmem:s22+$0xFFFFFFC0];
	(v2sf) =	vpush v5, $0xF;
	v4, _, _ =	vpop (xrf0)  }
0x33c: {  	s21 =	sld [smem:$0x7F5];
	(v2sf) =	vpush v4, $0xF;
	v4, _, _ =	vpop (xrf0)  }
0x33d: {  	s0 =	sxor.u32 s24, s3;
	s25 =	sld [smem:$0x7F4];
	s23 =	spop (drf);
	v8 =	vld [tilespmem:s22+$0xFFFFFFD0];
	(v2sf) =	vpush v4, $0xF;
	v4, _, _ =	vpop (xrf0)  }
0x33e: {  	p0 =	seq.s32 s15, $0x1;
	s15 =	sld [smem:$0x7F8];
	s1 =	spop (v2sf);
	(v2sf) =	vpush v4, $0xF;
	v4, _, _ =	vpop (xrf0)  }
0x33f: {  	s24 =	sxor.u32 s0, s23;
	v9 =	vld [tilespmem:s22+$0xFFFFFFE0];
	s1 =	simm.s32 @p2 $0x0;
	s5 =	spop (v2sf);
	(v2sf) =	vpush v4, $0xF;
	v4 =	vmov s26  }
0x340: {  	v5, _, _ =	vpop (xrf0);
	s5 =	simm.s32 @!p0 $0x0;
	s4 =	spop (v2sf);
	p0 =	seq.s32 s28, $0x1;
	vm0 =	veq.s32 v7, v4  }
0x341: {  	v10 =	vld [tilespmem:s22+$0xFFFFFFF0];
	s0 =	ssub.s32 s24, s0;
	(v2sf) =	vpush v5, $0xF;
	s1 =	sadd.s32 s1, s5;
	s4 =	simm.s32 @!p0 $0x0;
	v5 =	vmpcnt.ones.xlane vm0  }
0x342: {  	p0 =	seq.s32 s29, $0x1;
	vm6 =	veq.s32 v8, v4;
	s5 =	spop (v2sf);
	s1 =	sadd.s32 s4, s1;
	v6 =	vsel vm0, $0x1, v1  }
0x343: {  	v11 =	vld [tilespmem:s22+$0x0];
	s4 =	spop (v2sf);
	s5 =	simm.s32 @!p0 $0x0;
	p0 =	seq.s32 s30, $0x1;
	(xrf0) =	vadd.scan.msk.s32 $0xffff, v6;
	v6 =	vmpcnt.ones.xlane vm6;
	v5 =	vxor.u32 $0x80000000, v5  }
0x344: {  	s26 =	sld [smem:$0x7F3];
	vm8 =	veq.s32 v9, v4;
	s1 =	sadd.s32 s5, s1;
	s4 =	simm.s32 @!p0 $0x0;
	(xrf0) =	vmax.scan.msk.u32 $0xffff, v5  }
0x345: {  	v12 =	vsel vm6, $0x1, v1;
	s5 =	spop (v2sf);
	p0 =	seq.s32 s31, $0x1;
	s1 =	sadd.s32 s4, s1;
	v5 =	vxor.u32 $0x80000000, v6;
	v6 =	vmpcnt.ones.xlane vm8  }
0x346: {  	v13 =	vld [tilespmem:s22+$0x10];
	vm9 =	veq.s32 v10, v4;
	s4 =	spop (v2sf);
	s5 =	simm.s32 @!p0 $0x0;
	p0 =	seq.s32 s15, $0x1;
	(xrf0) =	vadd.scan.msk.s32 $0xffff, v12  }
0x347: {  	s29 =	sld [smem:$0x7F2];
	s1 =	sadd.s32 s5, s1;
	s4 =	simm.s32 @!p0 $0x0;
	v12 =	vsel vm8, $0x1, v1;
	(xrf0) =	vmax.scan.msk.u32 $0xffff, v5;
	v5 =	vxor.u32 $0x80000000, v6;
	v6 =	vmpcnt.ones.xlane vm9  }
0x348: {  	vm1 =	veq.s32 v11, v4;
	s5 =	spop (v2sf);
	p0 =	seq.s32 s16, $0x1;
	s1 =	sadd.s32 s4, s1;
	(xrf0) =	vadd.scan.msk.s32 $0xffff, v12  }
0x349: {  	v14 =	vld [tilespmem:s22+$0x20];
	s5 =	simm.s32 @!p0 $0x0;
	s4 =	spop (v2sf);
	p0 =	seq.s32 s18, $0x1;
	v12 =	vsel vm9, $0x1, v1;
	(xrf0) =	vmax.scan.msk.u32 $0xffff, v5;
	v15, _, _ =	vpop (xrf0);
	v5 =	vxor.u32 $0x80000000, v6;
	v6 =	vmpcnt.ones.xlane vm1  }
0x34a: {  	s30 =	sld [smem:$0x7F1];
	s1 =	sadd.s32 s5, s1;
	s4 =	simm.s32 @!p0 $0x0;
	(xrf0) =	vadd.scan.msk.s32 $0xffff, v12;
	v17, _, _ =	vpop (xrf0)  }
0x34b: {  	v16 =	vld [tilespmem:s22+$0x30];
	vm2 =	veq.s32 v13, v4;
	p0 =	seq.s32 s21, $0x1;
	s1 =	sadd.s32 s4, s1;
	s4 =	spop (v2sf);
	v12 =	vsel vm1, $0x1, v1;
	(xrf0) =	vmax.scan.msk.u32 $0xffff, v5;
	(v2sf) =	vpush v17, $0xF  }
0x34c: {  	s4 =	simm.s32 @!p0 $0x0;
	p0 =	seq.s32 s25, $0x1;
	v5 =	vxor.u32 $0x80000000, v6;
	s3 =	spop (v2sf);
	v17, _, _ =	vpop (xrf0);
	(xrf0) =	vadd.scan.msk.s32 $0xffff, v12;
	v12 =	vmpcnt.ones.xlane vm2  }
0x34d: {  	s31 =	sld [smem:$0x7F0];
	s1 =	sadd.s32 s4, s1;
	s3 =	simm.s32 @!p0 $0x0;
	v6, _, _ =	vpop (xrf0);
	(xrf0) =	vmax.scan.msk.u32 $0xffff, v5;
	v5 =	vsel vm2, $0x1, v1  }
0x34e: {  	vm3 =	veq.s32 v14, v4;
	s5 =	spop (v2sf);
	p0 =	seq.s32 s26, $0x1;
	s1 =	sadd.s32 s3, s1;
	v12 =	vxor.u32 $0x80000000, v12  }
0x34f: {  	v19 =	vmpcnt.ones.xlane vm3;
	v20 =	vsel vm3, $0x1, v1;
	s5 =	simm.s32 @!p0 $0x0;
	s4 =	spop (v2sf);
	p0 =	seq.s32 s29, $0x1;
	(v2sf) =	vpush v6, $0xF;
	v18, _, _ =	vpop (xrf0)  }
0x350: {  	vm4 =	veq.s32 v16, v4;
	(xrf0) =	vadd.scan.msk.s32 $0xffff, v5;
	s1 =	sadd.s32 s5, s1;
	s4 =	simm.s32 @!p0 $0x0;
	s5 =	spop (v2sf);
	v5, _, _ =	vpop (xrf0)  }
0x351: {  	vm11 =	vgt.s32 v8, v4;
	v19 =	vxor.u32 $0x80000000, v19;
	p0 =	seq.s32 s30, $0x1;
	s1 =	sadd.s32 s4, s1;
	s4 =	spop (v2sf);
	(xrf0) =	vmax.scan.msk.u32 $0xffff, v12;
	(v2sf) =	vpush v5, $0xF;
	v12, _, _ =	vpop (xrf0)  }
0x352: {  	s28 =	smul.u32 s20, s0;
	vm7 =	vgt.s32 v10, v4;
	vm13 =	vgt.s32 v13, v4;
	v23 =	vsel vm4, $0x1, v1;
	s5 =	simm.s32 @!p0 $0x0;
	p0 =	seq.s32 s31, $0x1;
	(xrf0) =	vadd.scan.msk.s32 $0xffff, v20;
	v20, _, _ =	vpop (xrf0)  }
0x353: {  	v8 =	vimm.s32 $0x0;
	v21 =	vmpcnt.ones.xlane vm4;
	s1 =	sadd.s32 s5, s1;
	s4 =	simm.s32 @!p0 $0x0;
	(v2sf) =	vpush v20, $0xF  }
0x354: {  	v22 =	vsel vm0, $0xFFFFFFFF, v1;
	v24 =	vsel vm8, $0xFFFFFFFF, v1;
	v26 =	vsel vm3, $0xFFFFFFFF, v1;
	s3 =	ssub.s32 s19, s28;
	s18 =	sadd.s32 s4, s1;
	(xrf0) =	vmax.scan.msk.u32 $0xffff, v19;
	v19, _, _ =	vpop (xrf0)  }
0x355: {  	v21 =	vxor.u32 $0x80000000, v21;
	v6 =	vmov s3;
	v18 =	vadd.s32 v24, v18;
	s1 =	sadd.s32 $0x0, s18;
	(xrf0) =	vadd.scan.msk.s32 $0xffff, v23;
	v23, _, _ =	vpop (xrf0)  }
0x356: {  	v5 =	vmov s0;
	v22 =	vadd.s32 s1, v22;
	(v2sf) =	vpush v23, $0xF  }
0x357: {  	v20 =	vsel vm6, $0xFFFFFFFF, v1;
	(xrf0) =	vmax.scan.msk.u32 $0xffff, v21;
	v21 =	vsel vm1, $0xFFFFFFFF, v1;
	v15 =	vadd.s32 v15, v22  }
0x358: {  	v17 =	vadd.s32 v20, v17;
	v20 =	vsel vm4, $0xFFFFFFFF, v1;
	v23, _, _ =	vpop (xrf0);
	vm5 =	vlt.s32 v15, v6  }
0x359: {  	v22 =	vsel vm2, $0xFFFFFFFF, v1;
	v19 =	vadd.s32 v21, v19;
	v27, _, _ =	vpop (xrf0);
	v21 =	vsel vm5, $0x1, v1  }
0x35a: {  	v22 =	vadd.s32 v22, v23;
	(v2sf) =	vpush v27, $0xF;
	v15, _, _ =	vpop (xrf0);
	v21 =	vadd.s32 v21, v5;
	s3 =	spop (v2sf)  }
0x35b: {  	vm5 =	vgt.s32 v7, v4;
	v24, _, _ =	vpop (xrf0);
	v7 =	vnsel vm0, $0x0, v21;
	vm0 =	vgt.s32 v16, v4;
	s0 =	sadd.s32 $0x0, s3  }
0x35c: {  	(v2sf) =	vpush v24, $0xF;
	v23, _, _ =	vpop (xrf0);
	v24 =	vadd.s32 v26, v15;
	v8 =	vsel vm0, $0xFFFFFFFF, v8;
	s0 =	sadd.s32 $0x80000000, s0  }
0x35d: {  	vm0 =	vmmov vm1;
	vm1 =	vmmov vm2;
	v13 =	vsel vm5, $0x40, v7;
	v15, _, _ =	vpop (xrf0);
	s5 =	sadd.s32 s18, s0  }
0x35e: {  	vm2 =	vmmov vm4;
	(v2sf) =	vpush v15, $0xF;
	s4 =	spop (v2sf);
	v7 =	vadd.s32 s5, v17  }
0x35f: {  	vm5 =	vmmov vm7;
	s0 =	sadd.s32 s4, s0;
	vm4 =	vlt.s32 v7, v6;
	v7 =	vimm.s32 $0x0  }
0x360: {  	vm12 =	vgt.s32 v11, v4;
	s0 =	sadd.s32 $0x80000000, s0;
	s15 =	spop (v2sf);
	v7 =	vsel vm5, $0xFFFFFFFF, v7  }
0x361: {  	vm10 =	vgt.s32 v9, v4;
	s16 =	sadd.s32 s18, s0;
	s0 =	sadd.s32 s15, s0;
	vm5 =	vmmov vm12;
	[tilespmem:$0x1FFD0] =	vst v7;
	v7 =	vimm.s32 $0x0  }
0x362: {  	vm14 =	vgt.s32 v14, v4;
	v25 =	vsel vm9, $0xFFFFFFFF, v1;
	[tilespmem:$0x1FFC0] =	vst v8;
	s0 =	sadd.s32 $0x80000000, s0;
	s19 =	spop (v2sf);
	v7 =	vsel vm5, $0xFFFFFFFF, v7  }
0x363: {  	vm3 =	vmmov vm3;
	v12 =	vadd.s32 v25, v12;
	vm7 =	vmmov vm14;
	s20 =	sadd.s32 s18, s0;
	s0 =	sadd.s32 s19, s0;
	s19 =	simm.s32 $0xC0;
	[tilespmem:$0x1FFE0] =	vst v7  }
0x364: {  	v20 =	vadd.s32 v20, v23;
	v8 =	vadd.s32 s16, v18;
	v7 =	vsel vm4, $0x1, v1;
	v15 =	vld [tilespmem:s19+$0xFFFFFFC0]  }
0x365: {  	vm5 =	vmmov vm13;
	vm4 =	vlt.s32 v8, v6;
	s0 =	sadd.s32 $0x80000000, s0;
	s21 =	spop (v2sf);
	v7 =	vadd.s32 v7, v5;
	v18 =	vld [tilespmem:s19+$0xFFFFFFD0]  }
0x366: {  	v9 =	vadd.s32 s20, v12;
	v8 =	vsel vm4, $0x1, v1;
	s22 =	sadd.s32 s18, s0;
	s0 =	sadd.s32 s21, s0;
	v21 =	vld [tilespmem:s19+$0xFFFFFFE0];
	v7 =	vnsel vm6, $0x0, v7  }
0x367: {  	vm4 =	vlt.s32 v9, v6;
	v26 =	vld [tilespmem:s19+$0xFFFFFFF0];
	s0 =	sadd.s32 $0x80000000, s0;
	v16 =	vsel vm11, $0x40, v7;
	v7 =	vadd.s32 v8, v5  }
0x368: {  	v27 =	vld [tilespmem:s19+$0x0];
	v9 =	vadd.s32 s22, v19;
	v8 =	vsel vm4, $0x1, v1;
	s24 =	sadd.s32 s18, s0;
	v7 =	vnsel vm8, $0x0, v7  }
0x369: {  	v28 =	vld [tilespmem:s19+$0x10];
	s23 =	spop (v2sf);
	vm4 =	vlt.s32 v9, v6;
	v9 =	vadd.s32 s24, v22;
	v19 =	vsel vm10, $0x40, v7  }
0x36a: {  	v29 =	vld [tilespmem:s19+$0x20];
	s0 =	sadd.s32 s23, s0;
	v7 =	vadd.s32 v8, v5;
	v8 =	vsel vm4, $0x1, v1;
	vm14 =	veq.s32 v15, v4  }
0x36b: {  	s0 =	sadd.s32 $0x80000000, s0;
	s25 =	spop (v2sf);
	vm4 =	vlt.s32 v9, v6;
	v23 =	vadd.s32 v8, v5;
	v8 =	vsel vm14, $0x1, v1  }
0x36c: {  	v7 =	vnsel vm9, $0x0, v7;
	s1 =	sadd.s32 s25, s0;
	vm8 =	veq.s32 v18, v4;
	v9 =	vmpcnt.ones.xlane vm14;
	(xrf0) =	vadd.scan.msk.s32 $0xffff, v8  }
0x36d: {  	v25 =	vsel vm4, $0x1, v1;
	vm9 =	veq.s32 v21, v4;
	vm6 =	veq.s32 v26, v4;
	s1 =	sadd.s32 $0x80000000, s1;
	s26 =	spop (v2sf)  }
0x36e: {  	vm10 =	veq.s32 v27, v4;
	v8 =	vmpcnt.ones.xlane vm8;
	s28 =	sadd.s32 s18, s1;
	s1 =	sadd.s32 s26, s1;
	v9 =	vxor.u32 $0x80000000, v9  }
0x36f: {  	vm11 =	veq.s32 v28, v4;
	vm12 =	veq.s32 v29, v4;
	v12 =	vsel vm8, $0x1, v1;
	s29 =	sadd.s32 $0x80000000, s1;
	(xrf0) =	vmax.scan.msk.u32 $0xffff, v9  }
0x370: {  	v10 =	vsel vm14, $0xFFFFFFFF, v1;
	v17 =	vmpcnt.ones.xlane vm9;
	v8 =	vxor.u32 $0x80000000, v8;
	s30 =	sadd.s32 s18, s29;
	(xrf0) =	vadd.scan.msk.s32 $0xffff, v12  }
0x371: {  	v14 =	vsel vm9, $0x1, v1;
	v9 =	vadd.s32 s28, v20;
	v10 =	vadd.s32 s30, v10;
	(xrf0) =	vmax.scan.msk.u32 $0xffff, v8  }
0x372: {  	v12 =	vxor.u32 $0x80000000, v17;
	v17 =	vsel vm6, $0x1, v1;
	v8 =	vmpcnt.ones.xlane vm6;
	(xrf0) =	vadd.scan.msk.s32 $0xffff, v14;
	v20, _, _ =	vpop (xrf0)  }
0x373: {  	s0 =	sadd.s32 s18, s0;
	vm4 =	vlt.s32 v9, v6;
	v14 =	vmpcnt.ones.xlane vm10;
	(xrf0) =	vmax.scan.msk.u32 $0xffff, v12;
	v10 =	vadd.s32 v20, v10  }
0x374: {  	v11 =	vadd.s32 s0, v24;
	v24 =	vsel vm4, $0x1, v1;
	v9 =	vxor.u32 $0x80000000, v8;
	(xrf0) =	vadd.scan.msk.s32 $0xffff, v17  }
0x375: {  	v12 =	vsel vm10, $0x1, v1;
	v8 =	vld [tilespmem:s19+$0x30];
	v14 =	vxor.u32 $0x80000000, v14;
	v17, _, _ =	vpop (xrf0);
	(xrf0) =	vmax.scan.msk.u32 $0xffff, v9;
	vm4 =	vlt.s32 v10, v6  }
0x376: {  	(v2sf) =	vpush v17, $0xF;
	v30 =	vsel vm4, $0x1, v1;
	vm4 =	vlt.s32 v11, v6;
	v10, _, _ =	vpop (xrf0);
	(xrf0) =	vadd.scan.msk.s32 $0xffff, v12  }
0x377: {  	vm15 =	vgt.s32 v21, v4;
	v11 =	vsel vm11, $0x1, v1;
	v12 =	vsel vm4, $0x1, v1;
	v17, _, _ =	vpop (xrf0);
	(xrf0) =	vmax.scan.msk.u32 $0xffff, v14  }
0x378: {  	v57 =	vsel vm11, $0xFFFFFFFF, v1;
	v9 =	vmpcnt.ones.xlane vm11;
	v31, _, _ =	vpop (xrf0);
	(xrf0) =	vadd.scan.msk.s32 $0xffff, v11;
	v11 =	vadd.s32 v12, v5  }
0x379: {  	v59 =	vsel vm12, $0xFFFFFFFF, v1;
	v61 =	vadd.s32 v25, v5;
	v24 =	vadd.s32 v24, v5  }
0x37a: {  	v9 =	vxor.u32 $0x80000000, v9;
	v14 =	vmpcnt.ones.xlane vm12;
	vm13 =	veq.s32 v8, v4  }
0x37b: {  	v12 =	vsel vm12, $0x1, v1;
	v20 =	vmpcnt.ones.xlane vm13;
	v22 =	vnsel vm3, $0x0, v11;
	v11, _, _ =	vpop (xrf0);
	(xrf0) =	vmax.scan.msk.u32 $0xffff, v9  }
0x37c: {  	v25 =	vnsel vm2, $0x0, v24;
	(v2sf) =	vpush v17, $0xF;
	v14 =	vxor.u32 $0x80000000, v14;
	v32, _, _ =	vpop (xrf0);
	(xrf0) =	vadd.scan.msk.s32 $0xffff, v12  }
0x37d: {  	v34 =	vxor.u32 $0x80000000, v20;
	v9 =	vsel vm8, $0xFFFFFFFF, v1;
	v33, _, _ =	vpop (xrf0);
	(xrf0) =	vmax.scan.msk.u32 $0xffff, v14;
	v14 =	vsel vm13, $0x1, v1  }
0x37e: {  	(v2sf) =	vpush v11, $0xF;
	v20 =	vadd.s32 v9, v10;
	v9 =	vsel vm10, $0xFFFFFFFF, v1;
	v11, _, _ =	vpop (xrf0);
	(xrf0) =	vadd.scan.msk.s32 $0xffff, v14  }
0x37f: {  	v24 =	vnsel vm0, $0x0, v23;
	v23 =	vnsel vm1, $0x0, v61;
	vm1 =	vgt.s32 v18, v4;
	v10, _, _ =	vpop (xrf0);
	(xrf0) =	vmax.scan.msk.u32 $0xffff, v34  }
0x380: {  	vm2 =	vgt.s32 v26, v4;
	v12 =	vsel vm9, $0xFFFFFFFF, v1;
	(v2sf) =	vpush v33, $0xF;
	v58, _, _ =	vpop (xrf0)  }
0x381: {  	v17 =	vadd.s32 v12, v31;
	v12 =	vadd.s32 v9, v11;
	(v2sf) =	vpush v10, $0xF;
	v9, _, _ =	vpop (xrf0)  }
0x382: {  	s20 =	simm.s32 $0xFC40;
	vm0 =	vgt.s32 v28, v4;
	v30 =	vadd.s32 v30, v5;
	(v2sf) =	vpush v9, $0xF;
	v9, _, _ =	vpop (xrf0)  }
0x383: {  	[tilespmem:s20+$0xFFFFFFC0] =	vst v13;
	vm4 =	vgt.s32 v15, v4;
	v13 =	vnsel vm14, $0x0, v30;
	v14 =	vsel vm6, $0xFFFFFFFF, v1;
	v60, _, _ =	vpop (xrf0)  }
0x384: {  	vm14 =	vgt.s32 v29, v4;
	vm3 =	vgt.s32 v27, v4;
	v14 =	vadd.s32 v14, v32;
	v62, _, _ =	vpop (xrf0)  }
0x385: {  	[tilespmem:s20+$0xFFFFFFD0] =	vst v16;
	v10 =	vsel vm13, $0xFFFFFFFF, v1;
	v11 =	vadd.s32 v57, v58;
	(v2sf) =	vpush v60, $0xF;
	s31 =	spop (v2sf);
	v63, _, _ =	vpop (xrf0)  }
0x386: {  	s21 =	simm.s32 $0xFC40;
	s22 =	simm.s32 $0x8;
	[tilespmem:s20+$0xFFFFFFE0] =	vst v19;
	v9 =	vadd.s32 v59, v9;
	v10 =	vadd.s32 v10, v62;
	s0 =	sadd.s32 s31, s29;
	(v2sf) =	vpush v63, $0xF  }
.LBB2_34:
0x387: {  	v16 =	vld [tilespmem:$0x1FFC0];
	_ =	sdelay $0x4  }
0x388: {  	v15 =	vsel vm7, $0x40, v22;
	vm7 =	vnez.u8 v16  }
0x389: {  	v16 =	vsel vm7, $0x40, v25;
	vm7 =	vgt.s32 v8, v4;
	v8 =	vimm.s32 $0x0  }
0x38a: {  	v8 =	vsel vm7, $0xFFFFFFFF, v8  }
0x38b: {  	vm7 =	vmmov vm10;
	[tilespmem:$0x1FFC0] =	vst v8;
	v8 =	vimm.s32 $0x0  }
0x38c: {  	v8 =	vsel vm7, $0xFFFFFFFF, v8  }
0x38d: {  	vm7 =	vmmov vm11;
	[tilespmem:$0x1FFA0] =	vst v8;
	v8 =	vimm.s32 $0x0  }
0x38e: {  	v8 =	vsel vm7, $0xFFFFFFFF, v8  }
0x38f: {  	vm7 =	vmmov vm12;
	[tilespmem:$0x1FFB0] =	vst v8;
	v8 =	vimm.s32 $0x0  }
0x390: {  	v8 =	vsel vm7, $0xFFFFFFFF, v8  }
0x391: {  	[tilespmem:$0x1FF80] =	vst v8;
	v8 =	vld [tilespmem:$0x1FFD0];
	_ =	sdelay $0x3  }
0x392: {  	s0 =	sadd.s32 $0x80000000, s0;
	v18 =	vsel vm5, $0x40, v23  }
0x393: {  	s1 =	spop (v2sf);
	vm5 =	vmmov vm2;
	s3 =	sadd.s32 s18, s0;
	[tilespmem:s20+$0x20] =	vst v15;
	v15 =	vimm.s32 $0x0;
	vm7 =	vnez.u8 v8;
	v8 =	vld [tilespmem:$0x1FFE0]  }
0x394: {  	s0 =	sadd.s32 s1, s0;
	[tilespmem:s20+$0x30] =	vst v16;
	v16 =	vsel vm4, $0x40, v13;
	v13 =	vadd.s32 s3, v20;
	vm4 =	vmmov vm13  }
0x395: {  	s0 =	sadd.s32 $0x80000000, s0;
	s3 =	spop (v2sf);
	v15 =	vsel vm4, $0xFFFFFFFF, v15;
	vm4 =	vlt.s32 v13, v6;
	v13 =	vimm.s32 $0x0  }
0x396: {  	s4 =	sadd.s32 s18, s0;
	s0 =	sadd.s32 s3, s0;
	[tilespmem:$0x1FF90] =	vst v15;
	v13 =	vsel vm5, $0xFFFFFFFF, v13  }
0x397: {  	vm2 =	vmmov vm3;
	s5 =	spop (v2sf);
	v15 =	vadd.s32 s4, v17;
	s0 =	sadd.s32 $0x80000000, s0;
	[tilespmem:$0x1FFD0] =	vst v13;
	v13 =	vimm.s32 $0x0  }
0x398: {  	s19 =	sadd.s32 $0x80, s19;
	[tilespmem:s20+$0x10] =	vst v18;
	s15 =	sadd.s32 s18, s0;
	s0 =	sadd.s32 s5, s0;
	v13 =	vsel vm2, $0xFFFFFFFF, v13;
	v7 =	vsel vm7, $0x40, v7;
	vm7 =	vnez.u8 v8  }
0x399: {  	v26 =	vld [tilespmem:s19+$0x10];
	vm5 =	vmmov vm0;
	s16 =	spop (v2sf);
	s0 =	sadd.s32 $0x80000000, s0;
	[tilespmem:$0x1FFE0] =	vst v13;
	v13 =	vsel vm4, $0x1, v1;
	v8 =	vsel vm7, $0x40, v24  }
0x39a: {  	vm0 =	vlt.s32 v15, v6;
	v14 =	vadd.s32 s15, v14;
	s23 =	sadd.s32 s18, s0;
	s0 =	sadd.s32 s16, s0;
	[tilespmem:s21+$0x0] =	vst v8;
	v8 =	vadd.s32 v13, v5;
	v13 =	vld [tilespmem:s19+$0xFFFFFFC0]  }
0x39b: {  	v27 =	vld [tilespmem:s19+$0x20];
	v12 =	vadd.s32 s23, v12;
	s0 =	sadd.s32 $0x80000000, s0;
	[tilespmem:s21+$0xFFFFFFF0] =	vst v7;
	v7 =	vnsel vm8, $0x0, v8;
	v8 =	vsel vm0, $0x1, v1  }
0x39c: {  	s20 =	sadd.s32 $0x80, s20;
	v15 =	vld [tilespmem:s19+$0xFFFFFFD0];
	s24 =	spop (v2sf);
	s25 =	sadd.s32 s18, s0;
	vm0 =	vlt.s32 v14, v6;
	v7 =	vsel vm1, $0x40, v7;
	v8 =	vadd.s32 v8, v5  }
0x39d: {  	s0 =	sadd.s32 s24, s0;
	v11 =	vadd.s32 s25, v11;
	v18 =	vld [tilespmem:s19+$0xFFFFFFF0];
	[tilespmem:s20+$0xFFFFFFD0] =	vst v7;
	v7 =	vnsel vm9, $0x0, v8;
	v8 =	vsel vm0, $0x1, v1  }
0x39e: {  	s26 =	spop (v2sf);
	s0 =	sadd.s32 $0x80000000, s0;
	[tilespmem:s20+$0xFFFFFFC0] =	vst v16;
	v16 =	vld [tilespmem:s19+$0xFFFFFFE0];
	vm0 =	vlt.s32 v12, v6;
	v7 =	vsel vm15, $0x40, v7;
	v8 =	vadd.s32 v8, v5  }
0x39f: {  	s28 =	sadd.s32 s18, s0;
	s0 =	sadd.s32 s26, s0;
	[tilespmem:s20+$0xFFFFFFE0] =	vst v7;
	v7 =	vnsel vm6, $0x0, v8;
	v8 =	vsel vm0, $0x1, v1;
	vm2 =	veq.s32 v13, v4  }
0x3a0: {  	s0 =	sadd.s32 $0x80000000, s0;
	v21 =	vld [tilespmem:s19+$0x0];
	vm0 =	vlt.s32 v11, v6;
	v11 =	vsel vm2, $0x1, v1;
	v12 =	vmpcnt.ones.xlane vm2  }
0x3a1: {  	vm11 =	veq.s32 v26, v4;
	vm12 =	veq.s32 v27, v4;
	s30 =	sadd.s32 s18, s0;
	vm8 =	veq.s32 v15, v4;
	(xrf0) =	vadd.scan.msk.s32 $0xffff, v11  }
0x3a2: {  	s29 =	spop (v2sf);
	v10 =	vadd.s32 s30, v10;
	v14 =	vmpcnt.ones.xlane vm8;
	v11 =	vxor.u32 $0x80000000, v12  }
0x3a3: {  	s0 =	sadd.s32 s29, s0;
	vm9 =	veq.s32 v16, v4;
	vm6 =	veq.s32 v18, v4;
	v12 =	vsel vm8, $0x1, v1;
	(xrf0) =	vmax.scan.msk.u32 $0xffff, v11  }
0x3a4: {  	s23 =	sadd.s32 $0x80000000, s0;
	v19 =	vadd.s32 v8, v5;
	v20 =	vmpcnt.ones.xlane vm9;
	v11 =	vxor.u32 $0x80000000, v14;
	(xrf0) =	vadd.scan.msk.s32 $0xffff, v12  }
0x3a5: {  	s0 =	sadd.s32 s18, s23;
	v8 =	vsel vm2, $0xFFFFFFFF, v1;
	vm10 =	veq.s32 v21, v4;
	v14 =	vsel vm9, $0x1, v1;
	(xrf0) =	vmax.scan.msk.u32 $0xffff, v11  }
0x3a6: {  	v12 =	vadd.s32 s0, v8;
	v8 =	vxor.u32 $0x80000000, v20;
	v20 =	vmpcnt.ones.xlane vm6;
	(xrf0) =	vadd.scan.msk.s32 $0xffff, v14  }
0x3a7: {  	v22 =	vsel vm0, $0x1, v1;
	v25 =	vmpcnt.ones.xlane vm10;
	v11 =	vsel vm6, $0x1, v1;
	v24, _, _ =	vpop (xrf0);
	(xrf0) =	vmax.scan.msk.u32 $0xffff, v8;
	v8 =	vld [tilespmem:s19+$0x30]  }
0x3a8: {  	vm0 =	vlt.s32 v10, v6;
	v10 =	vxor.u32 $0x80000000, v20;
	v20 =	vsel vm10, $0x1, v1;
	(xrf0) =	vadd.scan.msk.s32 $0xffff, v11  }
0x3a9: {  	v11 =	vadd.s32 v24, v12;
	v24, _, _ =	vpop (xrf0);
	(xrf0) =	vmax.scan.msk.u32 $0xffff, v10;
	v10 =	vxor.u32 $0x80000000, v25;
	v25 =	vmpcnt.ones.xlane vm11  }
0x3aa: {  	v9 =	vadd.s32 s28, v9;
	v17 =	vsel vm8, $0xFFFFFFFF, v1;
	(v2sf) =	vpush v24, $0xF;
	v24, _, _ =	vpop (xrf0);
	(xrf0) =	vadd.scan.msk.s32 $0xffff, v20  }
0x3ab: {  	v20 =	vsel vm11, $0x1, v1;
	v29, _, _ =	vpop (xrf0);
	(xrf0) =	vmax.scan.msk.u32 $0xffff, v10;
	v10 =	vxor.u32 $0x80000000, v25;
	v25 =	vmpcnt.ones.xlane vm12  }
0x3ac: {  	v23 =	vsel vm9, $0xFFFFFFFF, v1;
	v62 =	vadd.s32 v22, v5;
	v22 =	vld [tilespmem:$0x1FF80];
	v58, _, _ =	vpop (xrf0);
	(xrf0) =	vadd.scan.msk.s32 $0xffff, v20;
	vm13 =	veq.s32 v8, v4  }
0x3ad: {  	v20 =	vsel vm12, $0x1, v1;
	v31, _, _ =	vpop (xrf0);
	(xrf0) =	vmax.scan.msk.u32 $0xffff, v10;
	v10 =	vxor.u32 $0x80000000, v25;
	v25 =	vmpcnt.ones.xlane vm13  }
0x3ae: {  	vm1 =	vlt.s32 v9, v6;
	v12 =	vsel vm10, $0xFFFFFFFF, v1;
	(v2sf) =	vpush v29, $0xF;
	v59, _, _ =	vpop (xrf0);
	(xrf0) =	vadd.scan.msk.s32 $0xffff, v20  }
0x3af: {  	v32 =	vsel vm13, $0x1, v1;
	v33, _, _ =	vpop (xrf0);
	(xrf0) =	vmax.scan.msk.u32 $0xffff, v10;
	v10 =	vxor.u32 $0x80000000, v25;
	v25 =	vsel vm1, $0x1, v1  }
0x3b0: {  	v20 =	vadd.s32 v17, v24;
	v17 =	vadd.s32 v23, v58;
	v23, _, _ =	vpop (xrf0);
	(xrf0) =	vadd.scan.msk.s32 $0xffff, v32;
	v25 =	vadd.s32 v25, v5  }
0x3b1: {  	v12 =	vadd.s32 v12, v23;
	v23, _, _ =	vpop (xrf0);
	(xrf0) =	vmax.scan.msk.u32 $0xffff, v10;
	v10 =	vsel vm0, $0x1, v1;
	vm0 =	vnez.u8 v22  }
0x3b2: {  	(v2sf) =	vpush v31, $0xF;
	v22 =	vnsel vm0, $0x0, v25;
	v25 =	vld [tilespmem:$0x1FF90]  }
0x3b3: {  	v28 =	vsel vm11, $0xFFFFFFFF, v1;
	(v2sf) =	vpush v33, $0xF;
	v9, _, _ =	vpop (xrf0)  }
0x3b4: {  	vm3 =	vlt.s32 v11, v6;
	(v2sf) =	vpush v23, $0xF;
	v11 =	vadd.s32 v28, v9;
	v9, _, _ =	vpop (xrf0)  }
0x3b5: {  	(v2sf) =	vpush v9, $0xF;
	v9, _, _ =	vpop (xrf0)  }
0x3b6: {  	v24 =	vsel vm13, $0xFFFFFFFF, v1;
	v23, _, _ =	vpop (xrf0)  }
0x3b7: {  	v10 =	vadd.s32 v10, v5;
	(v2sf) =	vpush v23, $0xF;
	v23, _, _ =	vpop (xrf0);
	vm0 =	vnez.u8 v25  }
0x3b8: {  	v25 =	vnsel vm0, $0x0, v10;
	v10 =	vadd.s32 v24, v23;
	v23 =	vld [tilespmem:$0x1FFA0];
	_ =	sdelay $0x4  }
0x3b9: {  	vm0 =	vnez.u8 v23  }
0x3ba: {  	s22 =	sadd.s32 $0x8, s22;
	v24 =	vnsel vm0, $0x0, v19;
	v19 =	vld [tilespmem:$0x1FFB0]  }
0x3bb: {  	p3 =	slt.u32 s22, $0x6B8;
	v30 =	vsel vm12, $0xFFFFFFFF, v1;
	vm7 =	vmmov vm14;
	vm14 =	vgt.s32 v27, v4  }
.Ltmp16:
0x3bc: {  	vm4 =	vgt.s32 v13, v4;
	vm15 =	vgt.s32 v16, v4;
	v60 =	vsel vm3, $0x1, v1;
	(pc) =	sbr.rel @p3 .LBB2_34-.Ltmp16, $4  }
0x3bd: {  	v14 =	vsel vm6, $0xFFFFFFFF, v1;
	vm3 =	vgt.s32 v21, v4;
	v61 =	vadd.s32 v60, v5  }
0x3be: {  	v13 =	vnsel vm2, $0x0, v61;
	vm2 =	vgt.s32 v18, v4;
	v14 =	vadd.s32 v14, v59  }
0x3bf: {  	vm1 =	vgt.s32 v15, v4;
	v9 =	vadd.s32 v30, v9;
	v63, _, _ =	vpop (xrf0);
	s31 =	spop (v2sf);
	vm0 =	vnez.u8 v19  }
0x3c0: {  	s21 =	smov.u32 s20;
	(v2sf) =	vpush v63, $0xF;
	s0 =	sadd.s32 s31, s23;
	v23 =	vnsel vm0, $0x0, v62;
	vm0 =	vgt.s32 v26, v4  }
0x3c1: {  	v18 =	vld [tilespmem:$0x1FFC0]  }
0x3c2: {  	v19 =	vld [tilespmem:$0x1FFD0]  }
0x3c3: {  	s0 =	sadd.s32 $0x80000000, s0;
	s1 =	spop (v2sf)  }
0x3c4: {  	s1 =	sadd.s32 s1, s0  }
0x3c5: {  	s3 =	spop (v2sf);
	s1 =	sadd.s32 $0x80000000, s1  }
0x3c6: {  	v15 =	vsel vm7, $0x40, v22;
	s0 =	sadd.s32 s18, s0;
	s3 =	sadd.s32 s3, s1;
	vm7 =	vnez.u8 v18  }
0x3c7: {  	s4 =	spop (v2sf);
	v16 =	vadd.s32 s0, v20;
	s3 =	sadd.s32 $0x80000000, s3;
	v18 =	vsel vm7, $0x40, v25;
	vm7 =	vnez.u8 v19  }
0x3c8: {  	v52 =	vimm.s32 $0x0;
	s4 =	sadd.s32 s4, s3;
	v7 =	vsel vm7, $0x40, v7;
	vm7 =	vlt.s32 v16, v6  }
0x3c9: {  	v53 =	vld [tilespmem:$0x1FFE0];
	s23 =	spop (v2sf);
	s22 =	sadd.s32 $0x80000000, s4;
	v16 =	vsel vm7, $0xFFFFFFFF, v52  }
0x3ca: {  	s4 =	sadd.s32 s23, s22;
	[tilespmem:$0x1FF70] =	vst v16  }
0x3cb: {  	s1 =	sadd.s32 s18, s1;
	s25 =	spop (v2sf);
	s24 =	sadd.s32 $0x80000000, s4;
	v54 =	vld [tilespmem:$0x1FF70]  }
0x3cc: {  	v55 =	vsel vm5, $0x40, v23;
	v17 =	vadd.s32 s1, v17;
	s4 =	sadd.s32 s25, s24  }
0x3cd: {  	v13 =	vsel vm4, $0x40, v13;
	vm0 =	vmmov vm0;
	vm5 =	vlt.s32 v17, v6;
	s3 =	sadd.s32 s18, s3;
	s5 =	spop (v2sf);
	s4 =	sadd.s32 $0x80000000, s4  }
0x3ce: {  	v57 =	vsel vm5, $0x1, v1;
	v14 =	vadd.s32 s3, v14;
	s0 =	sadd.s32 s18, s22;
	vm7 =	vnez.u8 v53;
	s26 =	sadd.s32 s5, s4;
	s29 =	sadd.s32 s18, s4  }
0x3cf: {  	v12 =	vadd.s32 s0, v12;
	v16 =	vsel vm7, $0x40, v24;
	s1 =	sadd.s32 s18, s24;
	s28 =	sadd.s32 $0x80000000, s26;
	v9 =	vadd.s32 s29, v9  }
0x3d0: {  	v11 =	vadd.s32 s1, v11;
	s0 =	sadd.s32 s18, s28;
	vm5 =	vlt.s32 v9, v6;
	vm7 =	vnez.u8 v54  }
0x3d1: {  	v10 =	vadd.s32 s0, v10;
	v19 =	vsel vm7, $0x1, v1;
	vm7 =	vlt.s32 v14, v6  }
0x3d2: {  	v19 =	vadd.s32 v19, v5;
	v14 =	vsel vm7, $0x1, v1;
	vm7 =	vmmov vm13  }
0x3d3: {  	[tilespmem:s20+$0x30] =	vst v18;
	vm13 =	vmmov vm14;
	vm14 =	vmmov vm3;
	v56 =	vnsel vm8, $0x0, v19  }
0x3d4: {  	[tilespmem:s20+$0x20] =	vst v15;
	v19 =	vadd.s32 v57, v5;
	vm8 =	vlt.s32 v12, v6;
	v17 =	vsel vm1, $0x40, v56  }
0x3d5: {  	[tilespmem:s20+$0x10] =	vst v55;
	v19 =	vnsel vm9, $0x0, v19;
	v12 =	vsel vm8, $0x1, v1;
	vm9 =	vlt.s32 v11, v6  }
0x3d6: {  	[tilespmem:s21+$0x0] =	vst v16;
	vm8 =	vgt.s32 v8, v4;
	v19 =	vsel vm15, $0x40, v19;
	vm15 =	vlt.s32 v10, v6  }
0x3d7: {  	s30 =	sadd.s32 $0x80, s20;
	[tilespmem:s21+$0xFFFFFFF0] =	vst v7;
	v58 =	vsel vm9, $0x1, v1;
	v6 =	vsel vm5, $0x1, v1;
	vm9 =	vmmov vm10  }
0x3d8: {  	[tilespmem:s30+$0xFFFFFFC0] =	vst v13;
	vm10 =	vmmov vm12;
	v4 =	vadd.s32 v12, v5;
	vm12 =	vmmov vm11  }
0x3d9: {  	[tilespmem:s30+$0xFFFFFFD0] =	vst v17;
	v59 =	vsel vm15, $0x1, v1;
	v6 =	vadd.s32 v6, v5;
	v4 =	vnsel vm9, $0x0, v4  }
0x3da: {  	[tilespmem:s30+$0xFFFFFFE0] =	vst v19;
	v62 =	vadd.s32 v58, v5;
	v6 =	vnsel vm10, $0x0, v6;
	v4 =	vsel vm14, $0x40, v4  }
0x3db: {  	v60 =	vadd.s32 v59, v5;
	v8 =	vnsel vm12, $0x0, v62;
	v6 =	vsel vm13, $0x40, v6;
	[tilespmem:s30+$0x0] =	vst v4  }
0x3dc: {  	v5 =	vadd.s32 v14, v5;
	v9 =	vnsel vm7, $0x0, v60;
	v63 =	vsel vm0, $0x40, v8;
	[tilespmem:s30+$0x20] =	vst v6  }
0x3dd: {  	vm15 =	vmmov vm2;
	v5 =	vnsel vm6, $0x0, v5;
	v61 =	vsel vm8, $0x40, v9;
	[tilespmem:s30+$0x10] =	vst v63  }
0x3de: {  	s17 =	sadd.s32 $0x1, s17;
	v5 =	vsel vm15, $0x40, v5;
	[tilespmem:s30+$0x30] =	vst v61  }
0x3df: {  	p0 =	sne.s32 s17, s9;
	s1 =	simm.s32 @!p6 $0xFC00;
	s0 =	simm.s32 @!p6 $0x0;
	[tilespmem:s30+$0xFFFFFFF0] =	vst v5  }
0x3e0: {  	[hbm4b:s8+s0] =	stream.linear.scatter @!p6 [tilespmem:s1], [sflag:$0x1], $0x6C00, $0x38;
	[tilespmem:$0x17890] =	vst v63  }
.Ltmp17:
0x3e1: {  	_ = 	snop;
	(pc) =	sbr.rel @p0 .LBB2_1-.Ltmp17, $4  }
.Ltmp18:
0x3e2: {  	s31 =	spop (v2sf);
	s0 =	simm.s32 @!p6 $0x1;
	(pc) =	sbr.rel @!p0 .LBB2_36-.Ltmp18, $4  }
0x3e3: {  	_ =	swait.ge @!p6 [sflag:s0], $0x6C00  }
0x3e4: {  	[sflag:s0] =	ssyncset.done @!p6 $0x0  }
0x3e5: {  	[sflag:s0] =	ssyncadd.s32 @!p6 $0xFFFF9400  }
0x3e6: {  	_ = 	snop  }
.LBB2_8:
.Ltmp19:
0x3e7: {  	(pc) =	sbr.rel .LBB2_13-.Ltmp19, $2  }
0x3e8: {  	_ =	sdelay $0x2  }
0x3e9: {  	s20 =	simm.s32 $0x0;
	s23 =	simm.s32 $0x0;
	s19 =	simm.s32 $0x0  }
.LBB2_20:
.Ltmp20:
0x3ea: {  	(pc) =	sbr.rel .LBB2_25-.Ltmp20, $2  }
0x3eb: {  	_ =	sdelay $0x2  }
0x3ec: {  	s22 =	simm.s32 $0x0;
	s25 =	smov.u32 s19;
	s21 =	simm.s32 $0x0  }
.LBB2_10:
.Ltmp21:
0x3ed: {  	(pc) =	sbr.rel .LBB2_13-.Ltmp21, $3  }
0x3ee: {  	_ =	sdelay $0x1  }
0x3ef: {  	s20 =	simm.s32 $0x0  }
0x3f0: {  	s23 =	simm.s32 $0x0;
	s19 =	simm.s32 $0x0;
	s0 =	simm.s32 $0x800007DF  }
.LBB2_22:
.Ltmp22:
0x3f1: {  	(pc) =	sbr.rel .LBB2_25-.Ltmp22, $3  }
0x3f2: {  	_ =	sdelay $0x1  }
0x3f3: {  	s22 =	simm.s32 $0x0  }
0x3f4: {  	s25 =	smov.u32 s19;
	s21 =	simm.s32 $0x0;
	s0 =	simm.s32 $0x800003DF  }
.LBB2_36:
0x3f5: {  	_ =	sfence.sel $0x180000  }
0x3f6: {  	[bflag:$0x0] =	sbarrier.arrive $0xFFFF  }
0x3f7: {  	_ =	strace $0x90000047  }
0x3f8: {  	s0 =	stileid.u32;
	[bflag:$0x2] =	sbarrier.arrive $0xFFFF  }
0x3f9: {  	p0 =	sne.s32 s0, $0x0;
	s0 =	rddreg [dreg:$0x4]  }
0x3fa: {  	s0 =	sadd.s32 @!p0 $0x100000, s0  }
0x3fb: {  	[sflag:s0] =	ssyncadd.tile.s32 @!p0 $0x1;
	_ =	shalt  }
.Lfunc_end2:
_tile_overlayer_lowered:
.L_overlay_start_2:
0x3fc: {  	(tag) =	ssettag $0x2  }
0x3fd: {  	s0 =	rddreg [dreg:$0x0];
	s2 =	stileid.u32  }
0x3fe: {  	s1 =	rddreg [dreg:$0x1];
	p0 =	sne.s32 s2, $0x0  }
0x3ff: {  	s3 =	rddreg [dreg:$0x2];
	[bflag:$0x3] =	sbarrier.arrive $0xFFFF;
	s2 =	simm.s32 @!p0 $0x1C01  }
0x400: {  	[timem:s3], [sflag:s2] =	dma.local @!p0 [hbm:s0], s1  }
0x401: {  	s0 =	simm.s32 @!p0 $0x1  }
0x402: {  	_ =	swait.ge @!p0 [sflag:s0], s1  }
0x403: {  	s1 =	ssub.s32 @!p0 $0x0, s1;
	[sflag:s0] =	ssyncset.done @!p0 $0x0  }
0x404: {  	[sflag:s0] =	ssyncadd.s32 @!p0 s1  }
0x405: {  	[bflag:$0x3] =	sbarrier.arrive $0xFFFF  }
0x406: {  	_ =	shalt  }

</sc_bundles>
